<compile_context>
chip_gen: v7x
topology: tpu7x:2x2x1
jax: 0.10.2.dev20260603
libtpu: 0.0.44.dev20260713+nightly
codegen_flags: <defaults>
</compile_context>

<pallas_src>
import functools

import jax
import jax.numpy as jnp
from jax import lax
from jax.experimental import pallas as pl
from jax.experimental.pallas import tpu as pltpu
from jax.experimental.pallas import tpu_sc as plsc

_TABLE_W = 128
_IDX_PAD = 24


def _mm(a, b):
    return lax.dot_general(a, b, (((a.ndim - 1,), (0,)), ((), ())),
                           preferred_element_type=jnp.float32)


def _mm_nt(a, b):
    return lax.dot_general(a, b, (((1,), (1,)), ((), ())),
                           preferred_element_type=jnp.float32)



def _make_stage1(N, L, k1):
    def body(featR, coordpR, coordtR, langR, lmaskR,
             fW1R, fb1R, fW2R, fb2R, lW1R, lb1R, lW2R, lb2R,
             idxR, tabR, fR):
        s = pl.program_id(0)

        t = jnp.maximum(_mm(featR[0], fW1R[...]) + fb1R[...], 0.0)
        f = _mm(t, fW2R[...]) + fb2R[...]

        t2 = jnp.maximum(_mm(langR[0], lW1R[...]) + lb1R[...], 0.0)
        lf = _mm(t2, lW2R[...]) + lb2R[...]

        sc = _mm_nt(f, lf)
        lane = lax.broadcasted_iota(jnp.int32, sc.shape, 1)
        sc = jnp.where(lane < L, sc, -jnp.inf)
        m = jnp.max(sc, axis=1, keepdims=True)
        e = jnp.exp(sc - m)
        p = e / jnp.sum(e, axis=1, keepdims=True)
        p = p * lmaskR[0]
        p = p / (jnp.sum(p, axis=1, keepdims=True) + 1e-7)
        ins = _mm(p, lf)

        fR[0] = f
        tabR[0, :, 0:16] = coordpR[0]
        tabR[0, :, 64:128] = f * ins

        cp = coordpR[0]
        ct = coordtR[0]
        d = None
        for c in range(3):
            diff = cp[:, c:c + 1] - ct[c:c + 1, :]
            d = diff * diff if d is None else d + diff * diff

        base = s * N
        big = jnp.float32(jnp.inf)

        ilane = lax.broadcasted_iota(jnp.int32, (N, 1), 0)
        idxR[0, :, 0:1] = ilane + base
        rl_i = lax.broadcasted_iota(jnp.int32, (N, N), 0)
        jl_i = lax.broadcasted_iota(jnp.int32, (N, N), 1)
        d = jnp.where(rl_i == jl_i, big, d)

        jlane = jl_i.astype(jnp.float32)
        nb = N // 128
        jl128 = lax.broadcasted_iota(jnp.int32, (N, 128), 1).astype(jnp.float32)
        for r in range(1, k1):
            m = d[:, 0:128]
            bb = jnp.zeros((N, 128), jnp.float32)
            for b in range(1, nb):
                cand = d[:, b * 128:(b + 1) * 128]
                lt = cand < m
                bb = jnp.where(lt, jnp.float32(b), bb)
                m = jnp.where(lt, cand, m)
            mn = jnp.min(m, axis=1, keepdims=True)
            jc = jnp.where(m == mn, bb * 128.0 + jl128, jnp.float32(N))
            am = jnp.min(jc, axis=1, keepdims=True)
            idxR[0, :, r:r + 1] = am.astype(jnp.int32) + base
            d = jnp.where(jlane == am, big, d)

    return body


def _stage1_specs(S, N):
    bs = lambda shape: pl.BlockSpec(shape, lambda s: (s, 0, 0))
    w2 = lambda shape: pl.BlockSpec(shape, lambda s: (0, 0))
    return dict(
        grid=(S,),
        in_specs=[
            bs((1, N, 128)),
            bs((1, N, 16)),
            bs((1, 8, N)),
            bs((1, 64, 256)),
            bs((1, 1, 64)),
            w2((128, 64)), w2((1, 64)), w2((64, 64)), w2((1, 64)),
            w2((256, 64)), w2((1, 64)), w2((64, 64)), w2((1, 64)),
        ],
        out_specs=[
            bs((1, N, _IDX_PAD)),
            bs((1, N, _TABLE_W)),
            bs((1, N, 64)),
        ],
        out_shape=[
            jax.ShapeDtypeStruct((S, N, _IDX_PAD), jnp.int32),
            jax.ShapeDtypeStruct((S, N, _TABLE_W), jnp.float32),
            jax.ShapeDtypeStruct((S, N, 64), jnp.float32),
        ],
    )



def _make_gather(n_rows, width):
    info = plsc.get_sparse_core_info()
    nc, ns = info.num_cores, info.num_subcores
    nw = nc * ns
    bw = n_rows // nw
    ch = 128
    n_pairs = bw // (2 * ch)

    mesh = plsc.VectorSubcoreMesh(core_axis_name="c", subcore_axis_name="s")

    @functools.partial(
        pl.kernel, mesh=mesh,
        out_type=jax.ShapeDtypeStruct((n_rows, width), jnp.float32),
        scratch_types=[
            pltpu.VMEM((bw,), jnp.int32),
            pltpu.VMEM((ch, width), jnp.float32),
            pltpu.VMEM((ch, width), jnp.float32),
            pltpu.SemaphoreType.DMA,
            pltpu.SemaphoreType.DMA,
        ],
    )
    def gather_k(tab_hbm, idx_hbm, out_hbm, idx_v, buf0, buf1, sem0, sem1):
        wid = lax.axis_index("s") * nc + lax.axis_index("c")
        base = wid * bw
        pltpu.sync_copy(idx_hbm.at[pl.ds(base, bw)], idx_v)

        def step(p, carry):
            o0 = 2 * p * ch
            o1 = o0 + ch
            cp0 = pltpu.async_copy(
                tab_hbm.at[idx_v.at[pl.ds(o0, ch)]], buf0, sem0)
            cp1 = pltpu.async_copy(
                tab_hbm.at[idx_v.at[pl.ds(o1, ch)]], buf1, sem1)
            cp0.wait()
            pltpu.sync_copy(buf0, out_hbm.at[pl.ds(base + o0, ch)])
            cp1.wait()
            pltpu.sync_copy(buf1, out_hbm.at[pl.ds(base + o1, ch)])
            return carry

        lax.fori_loop(0, n_pairs, step, 0)

    return gather_k



def _make_stage2(N, k1):
    def body(hgR, coordpR, fR, rWacR, rWbcR, rwdrepR, rb1R, rW2R, rb2R,
             outR, scoreR):
        hg = hgR[0]
        cp = coordpR[0]
        m = k1 * N

        gc16 = hg[:, :, 0:16]
        rc16 = gc16 - cp[None]
        rc2 = (rc16 * rc16).reshape(m, 16)
        s3row = lax.broadcasted_iota(jnp.int32, (16, 16), 0)
        sum3 = jnp.where(s3row < 3, 1.0, 0.0)
        sq16 = _mm(rc2, sum3)
        dn16 = jnp.where(sq16 == 0.0, 0.0, jnp.sqrt(sq16))

        a_part = _mm(gc16.reshape(m, 16), rWacR[...])
        dnterm = _mm(dn16, rwdrepR[...])
        b_part = _mm(cp, rWbcR[...]) + rb1R[...]
        rel1 = (a_part + dnterm).reshape(k1, N, 64) + b_part[None]
        rel1 = jnp.maximum(rel1, 0.0)
        rel = (_mm(rel1.reshape(m, 64), rW2R[...]).reshape(k1, N, 64)
               + rb2R[...])

        acc = jnp.sum(hg[:, :, 64:128] * rel, axis=0) + fR[0]
        outR[0] = acc
        scoreR[0] = jnp.sum(acc, axis=1, keepdims=True)

    return body


def _stage2_specs(S, N, k1):
    bs3 = lambda shape: pl.BlockSpec(shape, lambda s: (s, 0, 0))
    w2 = lambda shape: pl.BlockSpec(shape, lambda s: (0, 0))
    return dict(
        grid=(S,),
        in_specs=[
            pl.BlockSpec((1, k1, N, _TABLE_W), lambda s: (s, 0, 0, 0)),
            bs3((1, N, 16)),
            bs3((1, N, 64)),
            w2((16, 64)), w2((16, 64)), w2((16, 64)), w2((1, 64)),
            w2((64, 64)), w2((1, 64)),
        ],
        out_specs=[
            bs3((1, N, 64)),
            bs3((1, N, 1)),
        ],
        out_shape=[
            jax.ShapeDtypeStruct((S, N, 64), jnp.float32),
            jax.ShapeDtypeStruct((S, N, 1), jnp.float32),
        ],
    )



def kernel(feat, coord, lang_feat, lang_mask,
           rW1, rb1, rW2, rb2, lW1, lb1, lW2, lb2, fW1, fb1, fW2, fb2):
    S, N, _ = feat.shape
    L = lang_feat.shape[1]
    k1 = min(16, N - 1) + 1

    coordp = jnp.pad(coord, ((0, 0), (0, 0), (0, 13)))
    coordt = jnp.pad(jnp.swapaxes(coord, 1, 2), ((0, 0), (0, 5), (0, 0)))
    langp = jnp.pad(lang_feat, ((0, 0), (0, 64 - L), (0, 0)))
    lmaskp = jnp.pad(lang_mask, ((0, 0), (0, 64 - L)))[:, None, :]
    r1 = lambda b: b.reshape(1, 64)

    zpad = jnp.zeros((13, 64), jnp.float32)
    rWac = jnp.concatenate([rW1[0:3] + rW1[6:9], zpad], axis=0)
    rWbc = jnp.concatenate([rW1[3:6] - rW1[6:9], zpad], axis=0)
    rwdrep = jnp.tile(rW1[9:10] * (1.0 / 16.0), (16, 1))

    ngrp = 4 if S % 4 == 0 else 1
    sg = S // ngrp
    stage1_call = pl.pallas_call(_make_stage1(N, L, k1), **_stage1_specs(sg, N))
    gather_call = _make_gather(sg * k1 * N, _TABLE_W)
    stage2_call = pl.pallas_call(_make_stage2(N, k1), **_stage2_specs(sg, N, k1))
    fos, scs = [], []
    for g in range(ngrp):
        sl = slice(g * sg, (g + 1) * sg)
        idx, table, f = stage1_call(
            feat[sl], coordp[sl], coordt[sl], langp[sl], lmaskp[sl],
            fW1, r1(fb1), fW2, r1(fb2), lW1, r1(lb1), lW2, r1(lb2))
        idx_flat = jnp.transpose(idx[:, :, :k1], (0, 2, 1)).reshape(sg * k1 * N)
        hg_flat = gather_call(table.reshape(sg * N, _TABLE_W), idx_flat)
        hg = hg_flat.reshape(sg, k1, N, _TABLE_W)
        fo, sc = stage2_call(hg, coordp[sl], f,
                             rWac, rWbc, rwdrep, r1(rb1), rW2, r1(rb2))
        fos.append(fo)
        scs.append(sc)
    feat_out = jnp.concatenate(fos, axis=0) if ngrp > 1 else fos[0]
    score = jnp.concatenate(scs, axis=0) if ngrp > 1 else scs[0]
    return feat_out, score.reshape(S, N)

# --- scband reference (transcript-rebuilt; emitter-appended) ---
"""Pipeline reference for scband-tarelation-conv-39513699123493 (READ-ONLY COPY).

The authoritative reference and input builder live on the scoring server;
editing this copy changes nothing except your own understanding.
"""

import jax, jax.numpy as jnp
import numpy as np

LANG_ID = 256
LANG_OD = 64
PC_ID = 128
PC_OD = 64
K = 16


def _mlp(x, W1, b1, W2, b2):
    return jnp.maximum(x @ W1 + b1, 0.0) @ W2 + b2


def _lin(k, fan_in, fan_out):
    bound = 1.0 / np.sqrt(fan_in)
    kw, kb = jax.random.split(k)
    W = jax.random.uniform(kw, (fan_in, fan_out), minval=-bound, maxval=bound, dtype=jnp.float32)
    b = jax.random.uniform(kb, (fan_out,), minval=-bound, maxval=bound, dtype=jnp.float32)
    return W, b


def setup_inputs(seed: int = 0) -> dict:
    key = jax.random.key(seed)
    ks = jax.random.split(key, 10)
    S, N, L = 32, 1024, 50
    inp = {}
    inp['feat'] = jax.random.normal(ks[0], (S, N, PC_ID), dtype=jnp.float32)
    inp['coord'] = jax.random.uniform(ks[1], (S, N, 3), dtype=jnp.float32)
    inp['lang_feat'] = jax.random.normal(ks[2], (S, L, LANG_ID), dtype=jnp.float32)
    inp['lang_mask'] = jnp.ones((S, L), dtype=jnp.float32)
    inp['rW1'], inp['rb1'] = _lin(ks[3], 10, LANG_OD)
    inp['rW2'], inp['rb2'] = _lin(ks[4], LANG_OD, LANG_OD)
    inp['lW1'], inp['lb1'] = _lin(ks[5], LANG_ID, LANG_OD)
    inp['lW2'], inp['lb2'] = _lin(ks[6], LANG_OD, LANG_OD)
    inp['fW1'], inp['fb1'] = _lin(ks[7], PC_ID, PC_OD)
    inp['fW2'], inp['fb2'] = _lin(ks[8], PC_OD, PC_OD)
    return inp


def reference(feat, coord, lang_feat, lang_mask, rW1, rb1, rW2, rb2, lW1, lb1, lW2, lb2, fW1, fb1, fW2, fb2):
    S, N, _ = feat.shape
    k = min(K, N - 1)
    d = ((coord[:, None, :, :] - coord[:, :, None, :]) ** 2).sum(-1)
    _, idx = jax.lax.top_k(-d, k + 1)  # [S, N, k+1], smallest distances
    gather = jax.vmap(lambda a, i: a[i])
    coord_expand = gather(coord, idx)                                   # [S, N, k+1, 3]
    coord_expand1 = jnp.broadcast_to(coord[:, :, None, :], (S, N, k + 1, 3))
    rel_coord = coord_expand - coord_expand1
    sq = (rel_coord ** 2).sum(-1, keepdims=True)
    dn = jnp.sqrt(jnp.where(sq == 0.0, 1.0, sq))
    dn = jnp.where(sq == 0.0, 0.0, dn)
    rel = jnp.concatenate([coord_expand, coord_expand1, rel_coord, dn], -1)  # [S, N, k+1, 10]
    rel = _mlp(rel, rW1, rb1, rW2, rb2)
    rel = rel.reshape(S, N * (k + 1), rel.shape[-1])
    lf = _mlp(lang_feat, lW1, lb1, lW2, lb2)                            # [S, L, D]
    f = _mlp(feat, fW1, fb1, fW2, fb2)                                  # [S, N, D]
    fg = gather(f, idx).reshape(S, N * (k + 1), f.shape[-1])
    attn = jnp.einsum('bnd,bld->bnl', fg, lf)
    attn = jax.nn.softmax(attn, axis=-1) * lang_mask[:, None, :]
    attn = attn / (attn.sum(-1, keepdims=True) + 1e-7)
    ins = jnp.einsum('bnl,bld->bnd', attn, lf)
    dim = rel.shape[-1]
    rel4 = rel.reshape(S, N, k + 1, dim)
    ins4 = ins.reshape(S, N, k + 1, dim)
    fg4 = fg.reshape(S, N, k + 1, dim)
    feat_out = (fg4 * ins4 * rel4).sum(2) + f
    score = feat_out.sum(-1)
    return (feat_out, score)

if __name__ == "__main__":
    import jax
    _d = setup_inputs()
    print(jax.jit(kernel)(*tuple(_d.values())))

</pallas_src>

<mosaic_0001>
#map = affine_map<(d0, d1) -> (0, 0)>
#map1 = affine_map<(d0, d1) -> (0)>
module attributes {stable_mosaic.version = 14 : i64} {
  func.func @gather_k(%arg0: i32, %arg1: i32, %arg2: memref<8192x128xf32, #tpu.memory_space<hbm>>, %arg3: memref<139264xi32, #tpu.memory_space<hbm>>, %arg4: memref<139264x128xf32, #tpu.memory_space<hbm>>, %arg5: memref<4352xi32, #tpu.memory_space<vmem>>, %arg6: memref<128x128xf32, #tpu.memory_space<vmem>>, %arg7: memref<128x128xf32, #tpu.memory_space<vmem>>, %arg8: memref<!tpu.dma_semaphore, #tpu.memory_space<semaphore_mem>>, %arg9: memref<!tpu.dma_semaphore, #tpu.memory_space<semaphore_mem>>) attributes {dimension_semantics = [#tpu.dimension_semantics<core_parallel>, #tpu.dimension_semantics<subcore_parallel>], iteration_bounds = array<i64: 2, 16>, scalar_prefetch = 0 : i64, scratch_operands = 5 : i64, tpu.core_type = #tpu.core_type<sc_vector_subcore>, window_params = [{transform_indices = #map}, {transform_indices = #map1}, {transform_indices = #map}]} {
    %mul3A = arith.constant 2 : i32
    %mul3A_0 = arith.muli %arg1, %mul3A : i32
    %add3A = arith.addi %mul3A_0, %arg0 : i32
    %mul3A_1 = arith.constant 4352 : i32
    %mul3A_2 = arith.muli %add3A, %mul3A_1 : i32
    "tpu.region"() ({
      %run_scoped3A = tpu.sem_alloc : memref<!tpu.dma_semaphore, #tpu.memory_space<semaphore_mem>>
      %dma_start3A = tpu.memref_slice %arg3[%mul3A_2] : memref<139264xi32, #tpu.memory_space<hbm>> -> memref<4352xi32, #tpu.memory_space<hbm>>
      %dma_start3A_8 = tpu.memref_slice %arg3[%mul3A_2] : memref<139264xi32, #tpu.memory_space<hbm>> -> memref<4352xi32, #tpu.memory_space<hbm>>
      tpu.enqueue_dma source(%dma_start3A_8 : memref<4352xi32, #tpu.memory_space<hbm>>) target(%arg5 : memref<4352xi32, #tpu.memory_space<vmem>>) target_semaphore(%run_scoped3A : memref<!tpu.dma_semaphore, #tpu.memory_space<semaphore_mem>>)
      %dma_wait3A = tpu.memref_slice %arg3[%mul3A_2] : memref<139264xi32, #tpu.memory_space<hbm>> -> memref<4352xi32, #tpu.memory_space<hbm>>
      %dma_wait3A_9 = tpu.memref_slice %arg3[%mul3A_2] : memref<139264xi32, #tpu.memory_space<hbm>> -> memref<4352xi32, #tpu.memory_space<hbm>>
      tpu.wait_dma2 semaphore(%run_scoped3A : memref<!tpu.dma_semaphore, #tpu.memory_space<semaphore_mem>>) src(%dma_wait3A_9 : memref<4352xi32, #tpu.memory_space<hbm>>) dst(%arg5 : memref<4352xi32, #tpu.memory_space<vmem>>)
      tpu.yield
    }) : () -> ()
    %scan3A = arith.constant 0 : i32
    %scan3A_3 = arith.constant 0 : i32
    %scan3A_4 = arith.constant 17 : i32
    %scan3A_5 = arith.addi %scan3A_3, %scan3A_4 : i32
    %scan3A_6 = arith.constant 1 : i32
    scf.for %scan3A_8 = %scan3A_3 to %scan3A_5 step %scan3A_6  : i32 {
      %mul3A_9 = arith.constant 2 : i32
      %mul3A_10 = arith.muli %mul3A_9, %scan3A_8 : i32
      %mul3A_11 = arith.constant 128 : i32
      %mul3A_12 = arith.muli %mul3A_10, %mul3A_11 : i32
      %add3A_13 = arith.constant 128 : i32
      %add3A_14 = arith.addi %mul3A_12, %add3A_13 : i32
      %dma_start3A = tpu.memref_slice %arg5[%mul3A_12] : memref<4352xi32, #tpu.memory_space<vmem>> -> memref<128xi32, #tpu.memory_space<vmem>>
      %dma_start3A_15 = arith.constant 0 : i32
      %dma_start3A_16 = arith.constant 0 : i32
      %dma_start3A_17 = tpu.memref_slice %arg2[%dma_start3A_15, %dma_start3A_16] : memref<8192x128xf32, #tpu.memory_space<hbm>> -> memref<8192x128xf32, #tpu.memory_space<hbm>>
      tpu.enqueue_indirect_dma source(%dma_start3A_17 : memref<8192x128xf32, #tpu.memory_space<hbm>>) target(%arg6 : memref<128x128xf32, #tpu.memory_space<vmem>>) offsets(%dma_start3A : memref<128xi32, #tpu.memory_space<vmem>>) semaphore(%arg8 : memref<!tpu.dma_semaphore, #tpu.memory_space<semaphore_mem>>)
      %dma_start3A_18 = tpu.memref_slice %arg5[%add3A_14] : memref<4352xi32, #tpu.memory_space<vmem>> -> memref<128xi32, #tpu.memory_space<vmem>>
      %dma_start3A_19 = arith.constant 0 : i32
      %dma_start3A_20 = arith.constant 0 : i32
      %dma_start3A_21 = tpu.memref_slice %arg2[%dma_start3A_19, %dma_start3A_20] : memref<8192x128xf32, #tpu.memory_space<hbm>> -> memref<8192x128xf32, #tpu.memory_space<hbm>>
      tpu.enqueue_indirect_dma source(%dma_start3A_21 : memref<8192x128xf32, #tpu.memory_space<hbm>>) target(%arg7 : memref<128x128xf32, #tpu.memory_space<vmem>>) offsets(%dma_start3A_18 : memref<128xi32, #tpu.memory_space<vmem>>) semaphore(%arg9 : memref<!tpu.dma_semaphore, #tpu.memory_space<semaphore_mem>>)
      %dma_wait3A = tpu.memref_slice %arg5[%mul3A_12] : memref<4352xi32, #tpu.memory_space<vmem>> -> memref<128xi32, #tpu.memory_space<vmem>>
      %dma_wait3A_22 = arith.constant 0 : i32
      %dma_wait3A_23 = arith.constant 0 : i32
      %dma_wait3A_24 = tpu.memref_slice %arg2[%dma_wait3A_22, %dma_wait3A_23] : memref<8192x128xf32, #tpu.memory_space<hbm>> -> memref<8192x128xf32, #tpu.memory_space<hbm>>
      tpu.wait_indirect_dma semaphore(%arg8 : memref<!tpu.dma_semaphore, #tpu.memory_space<semaphore_mem>>) src(%dma_wait3A_24 : memref<8192x128xf32, #tpu.memory_space<hbm>>) dst(%arg6 : memref<128x128xf32, #tpu.memory_space<vmem>>)
      %add3A_25 = arith.addi %mul3A_2, %mul3A_12 : i32
      "tpu.region"() ({
        %run_scoped3A = tpu.sem_alloc : memref<!tpu.dma_semaphore, #tpu.memory_space<semaphore_mem>>
        %dma_start3A_31 = arith.constant 0 : i32
        %dma_start3A_32 = tpu.memref_slice %arg4[%add3A_25, %dma_start3A_31] : memref<139264x128xf32, #tpu.memory_space<hbm>> -> memref<128x128xf32, #tpu.memory_space<hbm>>
        %dma_start3A_33 = arith.constant 0 : i32
        %dma_start3A_34 = tpu.memref_slice %arg4[%add3A_25, %dma_start3A_33] : memref<139264x128xf32, #tpu.memory_space<hbm>> -> memref<128x128xf32, #tpu.memory_space<hbm>>
        tpu.enqueue_dma source(%arg6 : memref<128x128xf32, #tpu.memory_space<vmem>>) target(%dma_start3A_34 : memref<128x128xf32, #tpu.memory_space<hbm>>) target_semaphore(%run_scoped3A : memref<!tpu.dma_semaphore, #tpu.memory_space<semaphore_mem>>)
        %dma_wait3A_35 = arith.constant 0 : i32
        %dma_wait3A_36 = tpu.memref_slice %arg4[%add3A_25, %dma_wait3A_35] : memref<139264x128xf32, #tpu.memory_space<hbm>> -> memref<128x128xf32, #tpu.memory_space<hbm>>
        %dma_wait3A_37 = arith.constant 0 : i32
        %dma_wait3A_38 = tpu.memref_slice %arg4[%add3A_25, %dma_wait3A_37] : memref<139264x128xf32, #tpu.memory_space<hbm>> -> memref<128x128xf32, #tpu.memory_space<hbm>>
        tpu.wait_dma2 semaphore(%run_scoped3A : memref<!tpu.dma_semaphore, #tpu.memory_space<semaphore_mem>>) src(%arg6 : memref<128x128xf32, #tpu.memory_space<vmem>>) dst(%dma_wait3A_38 : memref<128x128xf32, #tpu.memory_space<hbm>>)
        tpu.yield
      }) : () -> ()
      %dma_wait3A_26 = tpu.memref_slice %arg5[%add3A_14] : memref<4352xi32, #tpu.memory_space<vmem>> -> memref<128xi32, #tpu.memory_space<vmem>>
      %dma_wait3A_27 = arith.constant 0 : i32
      %dma_wait3A_28 = arith.constant 0 : i32
      %dma_wait3A_29 = tpu.memref_slice %arg2[%dma_wait3A_27, %dma_wait3A_28] : memref<8192x128xf32, #tpu.memory_space<hbm>> -> memref<8192x128xf32, #tpu.memory_space<hbm>>
      tpu.wait_indirect_dma semaphore(%arg9 : memref<!tpu.dma_semaphore, #tpu.memory_space<semaphore_mem>>) src(%dma_wait3A_29 : memref<8192x128xf32, #tpu.memory_space<hbm>>) dst(%arg7 : memref<128x128xf32, #tpu.memory_space<vmem>>)
      %add3A_30 = arith.addi %mul3A_2, %add3A_14 : i32
      "tpu.region"() ({
        %run_scoped3A = tpu.sem_alloc : memref<!tpu.dma_semaphore, #tpu.memory_space<semaphore_mem>>
        %dma_start3A_31 = arith.constant 0 : i32
        %dma_start3A_32 = tpu.memref_slice %arg4[%add3A_30, %dma_start3A_31] : memref<139264x128xf32, #tpu.memory_space<hbm>> -> memref<128x128xf32, #tpu.memory_space<hbm>>
        %dma_start3A_33 = arith.constant 0 : i32
        %dma_start3A_34 = tpu.memref_slice %arg4[%add3A_30, %dma_start3A_33] : memref<139264x128xf32, #tpu.memory_space<hbm>> -> memref<128x128xf32, #tpu.memory_space<hbm>>
        tpu.enqueue_dma source(%arg7 : memref<128x128xf32, #tpu.memory_space<vmem>>) target(%dma_start3A_34 : memref<128x128xf32, #tpu.memory_space<hbm>>) target_semaphore(%run_scoped3A : memref<!tpu.dma_semaphore, #tpu.memory_space<semaphore_mem>>)
        %dma_wait3A_35 = arith.constant 0 : i32
        %dma_wait3A_36 = tpu.memref_slice %arg4[%add3A_30, %dma_wait3A_35] : memref<139264x128xf32, #tpu.memory_space<hbm>> -> memref<128x128xf32, #tpu.memory_space<hbm>>
        %dma_wait3A_37 = arith.constant 0 : i32
        %dma_wait3A_38 = tpu.memref_slice %arg4[%add3A_30, %dma_wait3A_37] : memref<139264x128xf32, #tpu.memory_space<hbm>> -> memref<128x128xf32, #tpu.memory_space<hbm>>
        tpu.wait_dma2 semaphore(%run_scoped3A : memref<!tpu.dma_semaphore, #tpu.memory_space<semaphore_mem>>) src(%arg7 : memref<128x128xf32, #tpu.memory_space<vmem>>) dst(%dma_wait3A_38 : memref<128x128xf32, #tpu.memory_space<hbm>>)
        tpu.yield
      }) : () -> ()
    }
    %scan3A_7 = arith.constant 17 : i32
    return
  }
}

#map = affine_map<(d0, d1) -> (0, 0)>
#map1 = affine_map<(d0, d1) -> (0)>
module attributes {stable_mosaic.version = 14 : i64} {
  func.func @gather_k(%arg0: i32, %arg1: i32, %arg2: memref<8192x128xf32, #tpu.memory_space<hbm>>, %arg3: memref<139264xi32, #tpu.memory_space<hbm>>, %arg4: memref<139264x128xf32, #tpu.memory_space<hbm>>, %arg5: memref<4352xi32, #tpu.memory_space<vmem>>, %arg6: memref<128x128xf32, #tpu.memory_space<vmem>>, %arg7: memref<128x128xf32, #tpu.memory_space<vmem>>, %arg8: memref<!tpu.dma_semaphore, #tpu.memory_space<semaphore_mem>>, %arg9: memref<!tpu.dma_semaphore, #tpu.memory_space<semaphore_mem>>) attributes {dimension_semantics = [#tpu.dimension_semantics<core_parallel>, #tpu.dimension_semantics<subcore_parallel>], iteration_bounds = array<i64: 2, 16>, scalar_prefetch = 0 : i64, scratch_operands = 5 : i64, tpu.core_type = #tpu.core_type<sc_vector_subcore>, window_params = [{transform_indices = #map}, {transform_indices = #map1}, {transform_indices = #map}]} {
    %mul3A = arith.constant 2 : i32
    %mul3A_0 = arith.muli %arg1, %mul3A : i32
    %add3A = arith.addi %mul3A_0, %arg0 : i32
    %mul3A_1 = arith.constant 4352 : i32
    %mul3A_2 = arith.muli %add3A, %mul3A_1 : i32
    "tpu.region"() ({
      %run_scoped3A = tpu.sem_alloc : memref<!tpu.dma_semaphore, #tpu.memory_space<semaphore_mem>>
      %dma_start3A = tpu.memref_slice %arg3[%mul3A_2] : memref<139264xi32, #tpu.memory_space<hbm>> -> memref<4352xi32, #tpu.memory_space<hbm>>
      %dma_start3A_8 = tpu.memref_slice %arg3[%mul3A_2] : memref<139264xi32, #tpu.memory_space<hbm>> -> memref<4352xi32, #tpu.memory_space<hbm>>
      tpu.enqueue_dma source(%dma_start3A_8 : memref<4352xi32, #tpu.memory_space<hbm>>) target(%arg5 : memref<4352xi32, #tpu.memory_space<vmem>>) target_semaphore(%run_scoped3A : memref<!tpu.dma_semaphore, #tpu.memory_space<semaphore_mem>>)
      %dma_wait3A = tpu.memref_slice %arg3[%mul3A_2] : memref<139264xi32, #tpu.memory_space<hbm>> -> memref<4352xi32, #tpu.memory_space<hbm>>
      %dma_wait3A_9 = tpu.memref_slice %arg3[%mul3A_2] : memref<139264xi32, #tpu.memory_space<hbm>> -> memref<4352xi32, #tpu.memory_space<hbm>>
      tpu.wait_dma2 semaphore(%run_scoped3A : memref<!tpu.dma_semaphore, #tpu.memory_space<semaphore_mem>>) src(%dma_wait3A_9 : memref<4352xi32, #tpu.memory_space<hbm>>) dst(%arg5 : memref<4352xi32, #tpu.memory_space<vmem>>)
      tpu.yield
    }) : () -> ()
    %scan3A = arith.constant 0 : i32
    %scan3A_3 = arith.constant 0 : i32
    %scan3A_4 = arith.constant 17 : i32
    %scan3A_5 = arith.addi %scan3A_3, %scan3A_4 : i32
    %scan3A_6 = arith.constant 1 : i32
    scf.for %scan3A_8 = %scan3A_3 to %scan3A_5 step %scan3A_6  : i32 {
      %mul3A_9 = arith.constant 2 : i32
      %mul3A_10 = arith.muli %mul3A_9, %scan3A_8 : i32
      %mul3A_11 = arith.constant 128 : i32
      %mul3A_12 = arith.muli %mul3A_10, %mul3A_11 : i32
      %add3A_13 = arith.constant 128 : i32
      %add3A_14 = arith.addi %mul3A_12, %add3A_13 : i32
      %dma_start3A = tpu.memref_slice %arg5[%mul3A_12] : memref<4352xi32, #tpu.memory_space<vmem>> -> memref<128xi32, #tpu.memory_space<vmem>>
      %dma_start3A_15 = arith.constant 0 : i32
      %dma_start3A_16 = arith.constant 0 : i32
      %dma_start3A_17 = tpu.memref_slice %arg2[%dma_start3A_15, %dma_start3A_16] : memref<8192x128xf32, #tpu.memory_space<hbm>> -> memref<8192x128xf32, #tpu.memory_space<hbm>>
      tpu.enqueue_indirect_dma source(%dma_start3A_17 : memref<8192x128xf32, #tpu.memory_space<hbm>>) target(%arg6 : memref<128x128xf32, #tpu.memory_space<vmem>>) offsets(%dma_start3A : memref<128xi32, #tpu.memory_space<vmem>>) semaphore(%arg8 : memref<!tpu.dma_semaphore, #tpu.memory_space<semaphore_mem>>)
      %dma_start3A_18 = tpu.memref_slice %arg5[%add3A_14] : memref<4352xi32, #tpu.memory_space<vmem>> -> memref<128xi32, #tpu.memory_space<vmem>>
      %dma_start3A_19 = arith.constant 0 : i32
      %dma_start3A_20 = arith.constant 0 : i32
      %dma_start3A_21 = tpu.memref_slice %arg2[%dma_start3A_19, %dma_start3A_20] : memref<8192x128xf32, #tpu.memory_space<hbm>> -> memref<8192x128xf32, #tpu.memory_space<hbm>>
      tpu.enqueue_indirect_dma source(%dma_start3A_21 : memref<8192x128xf32, #tpu.memory_space<hbm>>) target(%arg7 : memref<128x128xf32, #tpu.memory_space<vmem>>) offsets(%dma_start3A_18 : memref<128xi32, #tpu.memory_space<vmem>>) semaphore(%arg9 : memref<!tpu.dma_semaphore, #tpu.memory_space<semaphore_mem>>)
      %dma_wait3A = tpu.memref_slice %arg5[%mul3A_12] : memref<4352xi32, #tpu.memory_space<vmem>> -> memref<128xi32, #tpu.memory_space<vmem>>
      %dma_wait3A_22 = arith.constant 0 : i32
      %dma_wait3A_23 = arith.constant 0 : i32
      %dma_wait3A_24 = tpu.memref_slice %arg2[%dma_wait3A_22, %dma_wait3A_23] : memref<8192x128xf32, #tpu.memory_space<hbm>> -> memref<8192x128xf32, #tpu.memory_space<hbm>>
      tpu.wait_indirect_dma semaphore(%arg8 : memref<!tpu.dma_semaphore, #tpu.memory_space<semaphore_mem>>) src(%dma_wait3A_24 : memref<8192x128xf32, #tpu.memory_space<hbm>>) dst(%arg6 : memref<128x128xf32, #tpu.memory_space<vmem>>)
      %add3A_25 = arith.addi %mul3A_2, %mul3A_12 : i32
      "tpu.region"() ({
        %run_scoped3A = tpu.sem_alloc : memref<!tpu.dma_semaphore, #tpu.memory_space<semaphore_mem>>
        %dma_start3A_31 = arith.constant 0 : i32
        %dma_start3A_32 = tpu.memref_slice %arg4[%add3A_25, %dma_start3A_31] : memref<139264x128xf32, #tpu.memory_space<hbm>> -> memref<128x128xf32, #tpu.memory_space<hbm>>
        %dma_start3A_33 = arith.constant 0 : i32
        %dma_start3A_34 = tpu.memref_slice %arg4[%add3A_25, %dma_start3A_33] : memref<139264x128xf32, #tpu.memory_space<hbm>> -> memref<128x128xf32, #tpu.memory_space<hbm>>
        tpu.enqueue_dma source(%arg6 : memref<128x128xf32, #tpu.memory_space<vmem>>) target(%dma_start3A_34 : memref<128x128xf32, #tpu.memory_space<hbm>>) target_semaphore(%run_scoped3A : memref<!tpu.dma_semaphore, #tpu.memory_space<semaphore_mem>>)
        %dma_wait3A_35 = arith.constant 0 : i32
        %dma_wait3A_36 = tpu.memref_slice %arg4[%add3A_25, %dma_wait3A_35] : memref<139264x128xf32, #tpu.memory_space<hbm>> -> memref<128x128xf32, #tpu.memory_space<hbm>>
        %dma_wait3A_37 = arith.constant 0 : i32
        %dma_wait3A_38 = tpu.memref_slice %arg4[%add3A_25, %dma_wait3A_37] : memref<139264x128xf32, #tpu.memory_space<hbm>> -> memref<128x128xf32, #tpu.memory_space<hbm>>
        tpu.wait_dma2 semaphore(%run_scoped3A : memref<!tpu.dma_semaphore, #tpu.memory_space<semaphore_mem>>) src(%arg6 : memref<128x128xf32, #tpu.memory_space<vmem>>) dst(%dma_wait3A_38 : memref<128x128xf32, #tpu.memory_space<hbm>>)
        tpu.yield
      }) : () -> ()
      %dma_wait3A_26 = tpu.memref_slice %arg5[%add3A_14] : memref<4352xi32, #tpu.memory_space<vmem>> -> memref<128xi32, #tpu.memory_space<vmem>>
      %dma_wait3A_27 = arith.constant 0 : i32
      %dma_wait3A_28 = arith.constant 0 : i32
      %dma_wait3A_29 = tpu.memref_slice %arg2[%dma_wait3A_27, %dma_wait3A_28] : memref<8192x128xf32, #tpu.memory_space<hbm>> -> memref<8192x128xf32, #tpu.memory_space<hbm>>
      tpu.wait_indirect_dma semaphore(%arg9 : memref<!tpu.dma_semaphore, #tpu.memory_space<semaphore_mem>>) src(%dma_wait3A_29 : memref<8192x128xf32, #tpu.memory_space<hbm>>) dst(%arg7 : memref<128x128xf32, #tpu.memory_space<vmem>>)
      %add3A_30 = arith.addi %mul3A_2, %add3A_14 : i32
      "tpu.region"() ({
        %run_scoped3A = tpu.sem_alloc : memref<!tpu.dma_semaphore, #tpu.memory_space<semaphore_mem>>
        %dma_start3A_31 = arith.constant 0 : i32
        %dma_start3A_32 = tpu.memref_slice %arg4[%add3A_30, %dma_start3A_31] : memref<139264x128xf32, #tpu.memory_space<hbm>> -> memref<128x128xf32, #tpu.memory_space<hbm>>
        %dma_start3A_33 = arith.constant 0 : i32
        %dma_start3A_34 = tpu.memref_slice %arg4[%add3A_30, %dma_start3A_33] : memref<139264x128xf32, #tpu.memory_space<hbm>> -> memref<128x128xf32, #tpu.memory_space<hbm>>
        tpu.enqueue_dma source(%arg7 : memref<128x128xf32, #tpu.memory_space<vmem>>) target(%dma_start3A_34 : memref<128x128xf32, #tpu.memory_space<hbm>>) target_semaphore(%run_scoped3A : memref<!tpu.dma_semaphore, #tpu.memory_space<semaphore_mem>>)
        %dma_wait3A_35 = arith.constant 0 : i32
        %dma_wait3A_36 = tpu.memref_slice %arg4[%add3A_30, %dma_wait3A_35] : memref<139264x128xf32, #tpu.memory_space<hbm>> -> memref<128x128xf32, #tpu.memory_space<hbm>>
        %dma_wait3A_37 = arith.constant 0 : i32
        %dma_wait3A_38 = tpu.memref_slice %arg4[%add3A_30, %dma_wait3A_37] : memref<139264x128xf32, #tpu.memory_space<hbm>> -> memref<128x128xf32, #tpu.memory_space<hbm>>
        tpu.wait_dma2 semaphore(%run_scoped3A : memref<!tpu.dma_semaphore, #tpu.memory_space<semaphore_mem>>) src(%arg7 : memref<128x128xf32, #tpu.memory_space<vmem>>) dst(%dma_wait3A_38 : memref<128x128xf32, #tpu.memory_space<hbm>>)
        tpu.yield
      }) : () -> ()
    }
    %scan3A_7 = arith.constant 17 : i32
    return
  }
}

#map = affine_map<(d0, d1) -> (0, 0)>
#map1 = affine_map<(d0, d1) -> (0)>
module attributes {stable_mosaic.version = 14 : i64} {
  func.func @gather_k(%arg0: i32, %arg1: i32, %arg2: memref<8192x128xf32, #tpu.memory_space<hbm>>, %arg3: memref<139264xi32, #tpu.memory_space<hbm>>, %arg4: memref<139264x128xf32, #tpu.memory_space<hbm>>, %arg5: memref<4352xi32, #tpu.memory_space<vmem>>, %arg6: memref<128x128xf32, #tpu.memory_space<vmem>>, %arg7: memref<128x128xf32, #tpu.memory_space<vmem>>, %arg8: memref<!tpu.dma_semaphore, #tpu.memory_space<semaphore_mem>>, %arg9: memref<!tpu.dma_semaphore, #tpu.memory_space<semaphore_mem>>) attributes {dimension_semantics = [#tpu.dimension_semantics<core_parallel>, #tpu.dimension_semantics<subcore_parallel>], iteration_bounds = array<i64: 2, 16>, scalar_prefetch = 0 : i64, scratch_operands = 5 : i64, tpu.core_type = #tpu.core_type<sc_vector_subcore>, window_params = [{transform_indices = #map}, {transform_indices = #map1}, {transform_indices = #map}]} {
    %mul3A = arith.constant 2 : i32
    %mul3A_0 = arith.muli %arg1, %mul3A : i32
    %add3A = arith.addi %mul3A_0, %arg0 : i32
    %mul3A_1 = arith.constant 4352 : i32
    %mul3A_2 = arith.muli %add3A, %mul3A_1 : i32
    "tpu.region"() ({
      %run_scoped3A = tpu.sem_alloc : memref<!tpu.dma_semaphore, #tpu.memory_space<semaphore_mem>>
      %dma_start3A = tpu.memref_slice %arg3[%mul3A_2] : memref<139264xi32, #tpu.memory_space<hbm>> -> memref<4352xi32, #tpu.memory_space<hbm>>
      %dma_start3A_8 = tpu.memref_slice %arg3[%mul3A_2] : memref<139264xi32, #tpu.memory_space<hbm>> -> memref<4352xi32, #tpu.memory_space<hbm>>
      tpu.enqueue_dma source(%dma_start3A_8 : memref<4352xi32, #tpu.memory_space<hbm>>) target(%arg5 : memref<4352xi32, #tpu.memory_space<vmem>>) target_semaphore(%run_scoped3A : memref<!tpu.dma_semaphore, #tpu.memory_space<semaphore_mem>>)
      %dma_wait3A = tpu.memref_slice %arg3[%mul3A_2] : memref<139264xi32, #tpu.memory_space<hbm>> -> memref<4352xi32, #tpu.memory_space<hbm>>
      %dma_wait3A_9 = tpu.memref_slice %arg3[%mul3A_2] : memref<139264xi32, #tpu.memory_space<hbm>> -> memref<4352xi32, #tpu.memory_space<hbm>>
      tpu.wait_dma2 semaphore(%run_scoped3A : memref<!tpu.dma_semaphore, #tpu.memory_space<semaphore_mem>>) src(%dma_wait3A_9 : memref<4352xi32, #tpu.memory_space<hbm>>) dst(%arg5 : memref<4352xi32, #tpu.memory_space<vmem>>)
      tpu.yield
    }) : () -> ()
    %scan3A = arith.constant 0 : i32
    %scan3A_3 = arith.constant 0 : i32
    %scan3A_4 = arith.constant 17 : i32
    %scan3A_5 = arith.addi %scan3A_3, %scan3A_4 : i32
    %scan3A_6 = arith.constant 1 : i32
    scf.for %scan3A_8 = %scan3A_3 to %scan3A_5 step %scan3A_6  : i32 {
      %mul3A_9 = arith.constant 2 : i32
      %mul3A_10 = arith.muli %mul3A_9, %scan3A_8 : i32
      %mul3A_11 = arith.constant 128 : i32
      %mul3A_12 = arith.muli %mul3A_10, %mul3A_11 : i32
      %add3A_13 = arith.constant 128 : i32
      %add3A_14 = arith.addi %mul3A_12, %add3A_13 : i32
      %dma_start3A = tpu.memref_slice %arg5[%mul3A_12] : memref<4352xi32, #tpu.memory_space<vmem>> -> memref<128xi32, #tpu.memory_space<vmem>>
      %dma_start3A_15 = arith.constant 0 : i32
      %dma_start3A_16 = arith.constant 0 : i32
      %dma_start3A_17 = tpu.memref_slice %arg2[%dma_start3A_15, %dma_start3A_16] : memref<8192x128xf32, #tpu.memory_space<hbm>> -> memref<8192x128xf32, #tpu.memory_space<hbm>>
      tpu.enqueue_indirect_dma source(%dma_start3A_17 : memref<8192x128xf32, #tpu.memory_space<hbm>>) target(%arg6 : memref<128x128xf32, #tpu.memory_space<vmem>>) offsets(%dma_start3A : memref<128xi32, #tpu.memory_space<vmem>>) semaphore(%arg8 : memref<!tpu.dma_semaphore, #tpu.memory_space<semaphore_mem>>)
      %dma_start3A_18 = tpu.memref_slice %arg5[%add3A_14] : memref<4352xi32, #tpu.memory_space<vmem>> -> memref<128xi32, #tpu.memory_space<vmem>>
      %dma_start3A_19 = arith.constant 0 : i32
      %dma_start3A_20 = arith.constant 0 : i32
      %dma_start3A_21 = tpu.memref_slice %arg2[%dma_start3A_19, %dma_start3A_20] : memref<8192x128xf32, #tpu.memory_space<hbm>> -> memref<8192x128xf32, #tpu.memory_space<hbm>>
      tpu.enqueue_indirect_dma source(%dma_start3A_21 : memref<8192x128xf32, #tpu.memory_space<hbm>>) target(%arg7 : memref<128x128xf32, #tpu.memory_space<vmem>>) offsets(%dma_start3A_18 : memref<128xi32, #tpu.memory_space<vmem>>) semaphore(%arg9 : memref<!tpu.dma_semaphore, #tpu.memory_space<semaphore_mem>>)
      %dma_wait3A = tpu.memref_slice %arg5[%mul3A_12] : memref<4352xi32, #tpu.memory_space<vmem>> -> memref<128xi32, #tpu.memory_space<vmem>>
      %dma_wait3A_22 = arith.constant 0 : i32
      %dma_wait3A_23 = arith.constant 0 : i32
      %dma_wait3A_24 = tpu.memref_slice %arg2[%dma_wait3A_22, %dma_wait3A_23] : memref<8192x128xf32, #tpu.memory_space<hbm>> -> memref<8192x128xf32, #tpu.memory_space<hbm>>
      tpu.wait_indirect_dma semaphore(%arg8 : memref<!tpu.dma_semaphore, #tpu.memory_space<semaphore_mem>>) src(%dma_wait3A_24 : memref<8192x128xf32, #tpu.memory_space<hbm>>) dst(%arg6 : memref<128x128xf32, #tpu.memory_space<vmem>>)
      %add3A_25 = arith.addi %mul3A_2, %mul3A_12 : i32
      "tpu.region"() ({
        %run_scoped3A = tpu.sem_alloc : memref<!tpu.dma_semaphore, #tpu.memory_space<semaphore_mem>>
        %dma_start3A_31 = arith.constant 0 : i32
        %dma_start3A_32 = tpu.memref_slice %arg4[%add3A_25, %dma_start3A_31] : memref<139264x128xf32, #tpu.memory_space<hbm>> -> memref<128x128xf32, #tpu.memory_space<hbm>>
        %dma_start3A_33 = arith.constant 0 : i32
        %dma_start3A_34 = tpu.memref_slice %arg4[%add3A_25, %dma_start3A_33] : memref<139264x128xf32, #tpu.memory_space<hbm>> -> memref<128x128xf32, #tpu.memory_space<hbm>>
        tpu.enqueue_dma source(%arg6 : memref<128x128xf32, #tpu.memory_space<vmem>>) target(%dma_start3A_34 : memref<128x128xf32, #tpu.memory_space<hbm>>) target_semaphore(%run_scoped3A : memref<!tpu.dma_semaphore, #tpu.memory_space<semaphore_mem>>)
        %dma_wait3A_35 = arith.constant 0 : i32
        %dma_wait3A_36 = tpu.memref_slice %arg4[%add3A_25, %dma_wait3A_35] : memref<139264x128xf32, #tpu.memory_space<hbm>> -> memref<128x128xf32, #tpu.memory_space<hbm>>
        %dma_wait3A_37 = arith.constant 0 : i32
        %dma_wait3A_38 = tpu.memref_slice %arg4[%add3A_25, %dma_wait3A_37] : memref<139264x128xf32, #tpu.memory_space<hbm>> -> memref<128x128xf32, #tpu.memory_space<hbm>>
        tpu.wait_dma2 semaphore(%run_scoped3A : memref<!tpu.dma_semaphore, #tpu.memory_space<semaphore_mem>>) src(%arg6 : memref<128x128xf32, #tpu.memory_space<vmem>>) dst(%dma_wait3A_38 : memref<128x128xf32, #tpu.memory_space<hbm>>)
        tpu.yield
      }) : () -> ()
      %dma_wait3A_26 = tpu.memref_slice %arg5[%add3A_14] : memref<4352xi32, #tpu.memory_space<vmem>> -> memref<128xi32, #tpu.memory_space<vmem>>
      %dma_wait3A_27 = arith.constant 0 : i32
      %dma_wait3A_28 = arith.constant 0 : i32
      %dma_wait3A_29 = tpu.memref_slice %arg2[%dma_wait3A_27, %dma_wait3A_28] : memref<8192x128xf32, #tpu.memory_space<hbm>> -> memref<8192x128xf32, #tpu.memory_space<hbm>>
      tpu.wait_indirect_dma semaphore(%arg9 : memref<!tpu.dma_semaphore, #tpu.memory_space<semaphore_mem>>) src(%dma_wait3A_29 : memref<8192x128xf32, #tpu.memory_space<hbm>>) dst(%arg7 : memref<128x128xf32, #tpu.memory_space<vmem>>)
      %add3A_30 = arith.addi %mul3A_2, %add3A_14 : i32
      "tpu.region"() ({
        %run_scoped3A = tpu.sem_alloc : memref<!tpu.dma_semaphore, #tpu.memory_space<semaphore_mem>>
        %dma_start3A_31 = arith.constant 0 : i32
        %dma_start3A_32 = tpu.memref_slice %arg4[%add3A_30, %dma_start3A_31] : memref<139264x128xf32, #tpu.memory_space<hbm>> -> memref<128x128xf32, #tpu.memory_space<hbm>>
        %dma_start3A_33 = arith.constant 0 : i32
        %dma_start3A_34 = tpu.memref_slice %arg4[%add3A_30, %dma_start3A_33] : memref<139264x128xf32, #tpu.memory_space<hbm>> -> memref<128x128xf32, #tpu.memory_space<hbm>>
        tpu.enqueue_dma source(%arg7 : memref<128x128xf32, #tpu.memory_space<vmem>>) target(%dma_start3A_34 : memref<128x128xf32, #tpu.memory_space<hbm>>) target_semaphore(%run_scoped3A : memref<!tpu.dma_semaphore, #tpu.memory_space<semaphore_mem>>)
        %dma_wait3A_35 = arith.constant 0 : i32
        %dma_wait3A_36 = tpu.memref_slice %arg4[%add3A_30, %dma_wait3A_35] : memref<139264x128xf32, #tpu.memory_space<hbm>> -> memref<128x128xf32, #tpu.memory_space<hbm>>
        %dma_wait3A_37 = arith.constant 0 : i32
        %dma_wait3A_38 = tpu.memref_slice %arg4[%add3A_30, %dma_wait3A_37] : memref<139264x128xf32, #tpu.memory_space<hbm>> -> memref<128x128xf32, #tpu.memory_space<hbm>>
        tpu.wait_dma2 semaphore(%run_scoped3A : memref<!tpu.dma_semaphore, #tpu.memory_space<semaphore_mem>>) src(%arg7 : memref<128x128xf32, #tpu.memory_space<vmem>>) dst(%dma_wait3A_38 : memref<128x128xf32, #tpu.memory_space<hbm>>)
        tpu.yield
      }) : () -> ()
    }
    %scan3A_7 = arith.constant 17 : i32
    return
  }
}

#map = affine_map<(d0, d1) -> (0, 0)>
#map1 = affine_map<(d0, d1) -> (0)>
module attributes {stable_mosaic.version = 14 : i64} {
  func.func @gather_k(%arg0: i32, %arg1: i32, %arg2: memref<8192x128xf32, #tpu.memory_space<hbm>>, %arg3: memref<139264xi32, #tpu.memory_space<hbm>>, %arg4: memref<139264x128xf32, #tpu.memory_space<hbm>>, %arg5: memref<4352xi32, #tpu.memory_space<vmem>>, %arg6: memref<128x128xf32, #tpu.memory_space<vmem>>, %arg7: memref<128x128xf32, #tpu.memory_space<vmem>>, %arg8: memref<!tpu.dma_semaphore, #tpu.memory_space<semaphore_mem>>, %arg9: memref<!tpu.dma_semaphore, #tpu.memory_space<semaphore_mem>>) attributes {dimension_semantics = [#tpu.dimension_semantics<core_parallel>, #tpu.dimension_semantics<subcore_parallel>], iteration_bounds = array<i64: 2, 16>, scalar_prefetch = 0 : i64, scratch_operands = 5 : i64, tpu.core_type = #tpu.core_type<sc_vector_subcore>, window_params = [{transform_indices = #map}, {transform_indices = #map1}, {transform_indices = #map}]} {
    %mul3A = arith.constant 2 : i32
    %mul3A_0 = arith.muli %arg1, %mul3A : i32
    %add3A = arith.addi %mul3A_0, %arg0 : i32
    %mul3A_1 = arith.constant 4352 : i32
    %mul3A_2 = arith.muli %add3A, %mul3A_1 : i32
    "tpu.region"() ({
      %run_scoped3A = tpu.sem_alloc : memref<!tpu.dma_semaphore, #tpu.memory_space<semaphore_mem>>
      %dma_start3A = tpu.memref_slice %arg3[%mul3A_2] : memref<139264xi32, #tpu.memory_space<hbm>> -> memref<4352xi32, #tpu.memory_space<hbm>>
      %dma_start3A_8 = tpu.memref_slice %arg3[%mul3A_2] : memref<139264xi32, #tpu.memory_space<hbm>> -> memref<4352xi32, #tpu.memory_space<hbm>>
      tpu.enqueue_dma source(%dma_start3A_8 : memref<4352xi32, #tpu.memory_space<hbm>>) target(%arg5 : memref<4352xi32, #tpu.memory_space<vmem>>) target_semaphore(%run_scoped3A : memref<!tpu.dma_semaphore, #tpu.memory_space<semaphore_mem>>)
      %dma_wait3A = tpu.memref_slice %arg3[%mul3A_2] : memref<139264xi32, #tpu.memory_space<hbm>> -> memref<4352xi32, #tpu.memory_space<hbm>>
      %dma_wait3A_9 = tpu.memref_slice %arg3[%mul3A_2] : memref<139264xi32, #tpu.memory_space<hbm>> -> memref<4352xi32, #tpu.memory_space<hbm>>
      tpu.wait_dma2 semaphore(%run_scoped3A : memref<!tpu.dma_semaphore, #tpu.memory_space<semaphore_mem>>) src(%dma_wait3A_9 : memref<4352xi32, #tpu.memory_space<hbm>>) dst(%arg5 : memref<4352xi32, #tpu.memory_space<vmem>>)
      tpu.yield
    }) : () -> ()
    %scan3A = arith.constant 0 : i32
    %scan3A_3 = arith.constant 0 : i32
    %scan3A_4 = arith.constant 17 : i32
    %scan3A_5 = arith.addi %scan3A_3, %scan3A_4 : i32
    %scan3A_6 = arith.constant 1 : i32
    scf.for %scan3A_8 = %scan3A_3 to %scan3A_5 step %scan3A_6  : i32 {
      %mul3A_9 = arith.constant 2 : i32
      %mul3A_10 = arith.muli %mul3A_9, %scan3A_8 : i32
      %mul3A_11 = arith.constant 128 : i32
      %mul3A_12 = arith.muli %mul3A_10, %mul3A_11 : i32
      %add3A_13 = arith.constant 128 : i32
      %add3A_14 = arith.addi %mul3A_12, %add3A_13 : i32
      %dma_start3A = tpu.memref_slice %arg5[%mul3A_12] : memref<4352xi32, #tpu.memory_space<vmem>> -> memref<128xi32, #tpu.memory_space<vmem>>
      %dma_start3A_15 = arith.constant 0 : i32
      %dma_start3A_16 = arith.constant 0 : i32
      %dma_start3A_17 = tpu.memref_slice %arg2[%dma_start3A_15, %dma_start3A_16] : memref<8192x128xf32, #tpu.memory_space<hbm>> -> memref<8192x128xf32, #tpu.memory_space<hbm>>
      tpu.enqueue_indirect_dma source(%dma_start3A_17 : memref<8192x128xf32, #tpu.memory_space<hbm>>) target(%arg6 : memref<128x128xf32, #tpu.memory_space<vmem>>) offsets(%dma_start3A : memref<128xi32, #tpu.memory_space<vmem>>) semaphore(%arg8 : memref<!tpu.dma_semaphore, #tpu.memory_space<semaphore_mem>>)
      %dma_start3A_18 = tpu.memref_slice %arg5[%add3A_14] : memref<4352xi32, #tpu.memory_space<vmem>> -> memref<128xi32, #tpu.memory_space<vmem>>
      %dma_start3A_19 = arith.constant 0 : i32
      %dma_start3A_20 = arith.constant 0 : i32
      %dma_start3A_21 = tpu.memref_slice %arg2[%dma_start3A_19, %dma_start3A_20] : memref<8192x128xf32, #tpu.memory_space<hbm>> -> memref<8192x128xf32, #tpu.memory_space<hbm>>
      tpu.enqueue_indirect_dma source(%dma_start3A_21 : memref<8192x128xf32, #tpu.memory_space<hbm>>) target(%arg7 : memref<128x128xf32, #tpu.memory_space<vmem>>) offsets(%dma_start3A_18 : memref<128xi32, #tpu.memory_space<vmem>>) semaphore(%arg9 : memref<!tpu.dma_semaphore, #tpu.memory_space<semaphore_mem>>)
      %dma_wait3A = tpu.memref_slice %arg5[%mul3A_12] : memref<4352xi32, #tpu.memory_space<vmem>> -> memref<128xi32, #tpu.memory_space<vmem>>
      %dma_wait3A_22 = arith.constant 0 : i32
      %dma_wait3A_23 = arith.constant 0 : i32
      %dma_wait3A_24 = tpu.memref_slice %arg2[%dma_wait3A_22, %dma_wait3A_23] : memref<8192x128xf32, #tpu.memory_space<hbm>> -> memref<8192x128xf32, #tpu.memory_space<hbm>>
      tpu.wait_indirect_dma semaphore(%arg8 : memref<!tpu.dma_semaphore, #tpu.memory_space<semaphore_mem>>) src(%dma_wait3A_24 : memref<8192x128xf32, #tpu.memory_space<hbm>>) dst(%arg6 : memref<128x128xf32, #tpu.memory_space<vmem>>)
      %add3A_25 = arith.addi %mul3A_2, %mul3A_12 : i32
      "tpu.region"() ({
        %run_scoped3A = tpu.sem_alloc : memref<!tpu.dma_semaphore, #tpu.memory_space<semaphore_mem>>
        %dma_start3A_31 = arith.constant 0 : i32
        %dma_start3A_32 = tpu.memref_slice %arg4[%add3A_25, %dma_start3A_31] : memref<139264x128xf32, #tpu.memory_space<hbm>> -> memref<128x128xf32, #tpu.memory_space<hbm>>
        %dma_start3A_33 = arith.constant 0 : i32
        %dma_start3A_34 = tpu.memref_slice %arg4[%add3A_25, %dma_start3A_33] : memref<139264x128xf32, #tpu.memory_space<hbm>> -> memref<128x128xf32, #tpu.memory_space<hbm>>
        tpu.enqueue_dma source(%arg6 : memref<128x128xf32, #tpu.memory_space<vmem>>) target(%dma_start3A_34 : memref<128x128xf32, #tpu.memory_space<hbm>>) target_semaphore(%run_scoped3A : memref<!tpu.dma_semaphore, #tpu.memory_space<semaphore_mem>>)
        %dma_wait3A_35 = arith.constant 0 : i32
        %dma_wait3A_36 = tpu.memref_slice %arg4[%add3A_25, %dma_wait3A_35] : memref<139264x128xf32, #tpu.memory_space<hbm>> -> memref<128x128xf32, #tpu.memory_space<hbm>>
        %dma_wait3A_37 = arith.constant 0 : i32
        %dma_wait3A_38 = tpu.memref_slice %arg4[%add3A_25, %dma_wait3A_37] : memref<139264x128xf32, #tpu.memory_space<hbm>> -> memref<128x128xf32, #tpu.memory_space<hbm>>
        tpu.wait_dma2 semaphore(%run_scoped3A : memref<!tpu.dma_semaphore, #tpu.memory_space<semaphore_mem>>) src(%arg6 : memref<128x128xf32, #tpu.memory_space<vmem>>) dst(%dma_wait3A_38 : memref<128x128xf32, #tpu.memory_space<hbm>>)
        tpu.yield
      }) : () -> ()
      %dma_wait3A_26 = tpu.memref_slice %arg5[%add3A_14] : memref<4352xi32, #tpu.memory_space<vmem>> -> memref<128xi32, #tpu.memory_space<vmem>>
      %dma_wait3A_27 = arith.constant 0 : i32
      %dma_wait3A_28 = arith.constant 0 : i32
      %dma_wait3A_29 = tpu.memref_slice %arg2[%dma_wait3A_27, %dma_wait3A_28] : memref<8192x128xf32, #tpu.memory_space<hbm>> -> memref<8192x128xf32, #tpu.memory_space<hbm>>
      tpu.wait_indirect_dma semaphore(%arg9 : memref<!tpu.dma_semaphore, #tpu.memory_space<semaphore_mem>>) src(%dma_wait3A_29 : memref<8192x128xf32, #tpu.memory_space<hbm>>) dst(%arg7 : memref<128x128xf32, #tpu.memory_space<vmem>>)
      %add3A_30 = arith.addi %mul3A_2, %add3A_14 : i32
      "tpu.region"() ({
        %run_scoped3A = tpu.sem_alloc : memref<!tpu.dma_semaphore, #tpu.memory_space<semaphore_mem>>
        %dma_start3A_31 = arith.constant 0 : i32
        %dma_start3A_32 = tpu.memref_slice %arg4[%add3A_30, %dma_start3A_31] : memref<139264x128xf32, #tpu.memory_space<hbm>> -> memref<128x128xf32, #tpu.memory_space<hbm>>
        %dma_start3A_33 = arith.constant 0 : i32
        %dma_start3A_34 = tpu.memref_slice %arg4[%add3A_30, %dma_start3A_33] : memref<139264x128xf32, #tpu.memory_space<hbm>> -> memref<128x128xf32, #tpu.memory_space<hbm>>
        tpu.enqueue_dma source(%arg7 : memref<128x128xf32, #tpu.memory_space<vmem>>) target(%dma_start3A_34 : memref<128x128xf32, #tpu.memory_space<hbm>>) target_semaphore(%run_scoped3A : memref<!tpu.dma_semaphore, #tpu.memory_space<semaphore_mem>>)
        %dma_wait3A_35 = arith.constant 0 : i32
        %dma_wait3A_36 = tpu.memref_slice %arg4[%add3A_30, %dma_wait3A_35] : memref<139264x128xf32, #tpu.memory_space<hbm>> -> memref<128x128xf32, #tpu.memory_space<hbm>>
        %dma_wait3A_37 = arith.constant 0 : i32
        %dma_wait3A_38 = tpu.memref_slice %arg4[%add3A_30, %dma_wait3A_37] : memref<139264x128xf32, #tpu.memory_space<hbm>> -> memref<128x128xf32, #tpu.memory_space<hbm>>
        tpu.wait_dma2 semaphore(%run_scoped3A : memref<!tpu.dma_semaphore, #tpu.memory_space<semaphore_mem>>) src(%arg7 : memref<128x128xf32, #tpu.memory_space<vmem>>) dst(%dma_wait3A_38 : memref<128x128xf32, #tpu.memory_space<hbm>>)
        tpu.yield
      }) : () -> ()
    }
    %scan3A_7 = arith.constant 17 : i32
    return
  }
}

module attributes {stable_mosaic.version = 14 : i64} {
  func.func @body(%arg0: i32, %arg1: memref<1x1024x128xf32, #tpu.memory_space<vmem>>, %arg2: memref<1x1024x16xf32, #tpu.memory_space<vmem>>, %arg3: memref<1x8x1024xf32, #tpu.memory_space<vmem>>, %arg4: memref<1x64x256xf32, #tpu.memory_space<vmem>>, %arg5: memref<1x1x64xf32, #tpu.memory_space<vmem>>, %arg6: memref<128x64xf32, #tpu.memory_space<vmem>>, %arg7: memref<1x64xf32, #tpu.memory_space<vmem>>, %arg8: memref<64x64xf32, #tpu.memory_space<vmem>>, %arg9: memref<1x64xf32, #tpu.memory_space<vmem>>, %arg10: memref<256x64xf32, #tpu.memory_space<vmem>>, %arg11: memref<1x64xf32, #tpu.memory_space<vmem>>, %arg12: memref<64x64xf32, #tpu.memory_space<vmem>>, %arg13: memref<1x64xf32, #tpu.memory_space<vmem>>, %arg14: memref<1x1024x24xi32, #tpu.memory_space<vmem>>, %arg15: memref<1x1024x128xf32, #tpu.memory_space<vmem>>, %arg16: memref<1x1024x64xf32, #tpu.memory_space<vmem>>) attributes {dimension_semantics = [#tpu.dimension_semantics<arbitrary>], iteration_bounds = array<i64: 8>, scalar_prefetch = 0 : i64, scratch_operands = 0 : i64, tpu.core_type = #tpu.core_type<tc>, window_params = [{transform_indices = @transform_0, window_bounds = array<i64: 1, 1024, 128>}, {transform_indices = @transform_1, window_bounds = array<i64: 1, 1024, 16>}, {transform_indices = @transform_2, window_bounds = array<i64: 1, 8, 1024>}, {transform_indices = @transform_3, window_bounds = array<i64: 1, 64, 256>}, {transform_indices = @transform_4, window_bounds = array<i64: 1, 1, 64>}, {pipeline_mode = #tpu.pipeline_mode<synchronous>, transform_indices = @transform_5, window_bounds = array<i64: 128, 64>}, {pipeline_mode = #tpu.pipeline_mode<synchronous>, transform_indices = @transform_6, window_bounds = array<i64: 1, 64>}, {pipeline_mode = #tpu.pipeline_mode<synchronous>, transform_indices = @transform_7, window_bounds = array<i64: 64, 64>}, {pipeline_mode = #tpu.pipeline_mode<synchronous>, transform_indices = @transform_8, window_bounds = array<i64: 1, 64>}, {pipeline_mode = #tpu.pipeline_mode<synchronous>, transform_indices = @transform_9, window_bounds = array<i64: 256, 64>}, {pipeline_mode = #tpu.pipeline_mode<synchronous>, transform_indices = @transform_10, window_bounds = array<i64: 1, 64>}, {pipeline_mode = #tpu.pipeline_mode<synchronous>, transform_indices = @transform_11, window_bounds = array<i64: 64, 64>}, {pipeline_mode = #tpu.pipeline_mode<synchronous>, transform_indices = @transform_12, window_bounds = array<i64: 1, 64>}, {transform_indices = @transform_13, window_bounds = array<i64: 1, 1024, 24>}, {transform_indices = @transform_14, window_bounds = array<i64: 1, 1024, 128>}, {transform_indices = @transform_15, window_bounds = array<i64: 1, 1024, 64>}]} {
    %get3A = arith.constant 0 : index
    %get3A_0 = arith.constant 0 : index
    %get3A_1 = arith.constant 0 : index
    %get3A_2 = vector.load %arg1[%get3A, %get3A_0, %get3A_1] : memref<1x1024x128xf32, #tpu.memory_space<vmem>>, vector<1x1024x128xf32>
    %get3A_3 = vector.shape_cast %get3A_2 : vector<1x1024x128xf32> to vector<1024x128xf32>
    %get3A_4 = arith.constant 0 : index
    %get3A_5 = arith.constant 0 : index
    %get3A_6 = vector.load %arg6[%get3A_4, %get3A_5] : memref<128x64xf32, #tpu.memory_space<vmem>>, vector<128x64xf32>
    %dot_general3A = arith.constant dense<0.000000e+00> : vector<1024x64xf32>
    %dot_general3A_7 = tpu.matmul %get3A_3, %get3A_6, %dot_general3A {dimension_numbers = #tpu.dot_dimension_numbers<[1], [0], [0], [1], [0, 0, 1, 1], [], []>, transpose_lhs_hint = false} : vector<1024x128xf32>, vector<128x64xf32>, vector<1024x64xf32> -> vector<1024x64xf32>
    %get3A_8 = arith.constant 0 : index
    %get3A_9 = arith.constant 0 : index
    %get3A_10 = vector.load %arg7[%get3A_8, %get3A_9] : memref<1x64xf32, #tpu.memory_space<vmem>>, vector<1x64xf32>
    %add3A = vector.broadcast %get3A_10 : vector<1x64xf32> to vector<1024x64xf32>
    %add3A_11 = arith.addf %dot_general3A_7, %add3A : vector<1024x64xf32>
    %max3A = arith.constant 0.000000e+00 : f32
    %max3A_12 = vector.broadcast %max3A : f32 to vector<1024x64xf32>
    %max3A_13 = arith.maximumf %add3A_11, %max3A_12 : vector<1024x64xf32>
    %get3A_14 = arith.constant 0 : index
    %get3A_15 = arith.constant 0 : index
    %get3A_16 = vector.load %arg8[%get3A_14, %get3A_15] : memref<64x64xf32, #tpu.memory_space<vmem>>, vector<64x64xf32>
    %dot_general3A_17 = arith.constant dense<0.000000e+00> : vector<1024x64xf32>
    %dot_general3A_18 = tpu.matmul %max3A_13, %get3A_16, %dot_general3A_17 {dimension_numbers = #tpu.dot_dimension_numbers<[1], [0], [0], [1], [0, 0, 1, 1], [], []>, transpose_lhs_hint = false} : vector<1024x64xf32>, vector<64x64xf32>, vector<1024x64xf32> -> vector<1024x64xf32>
    %get3A_19 = arith.constant 0 : index
    %get3A_20 = arith.constant 0 : index
    %get3A_21 = vector.load %arg9[%get3A_19, %get3A_20] : memref<1x64xf32, #tpu.memory_space<vmem>>, vector<1x64xf32>
    %add3A_22 = vector.broadcast %get3A_21 : vector<1x64xf32> to vector<1024x64xf32>
    %add3A_23 = arith.addf %dot_general3A_18, %add3A_22 : vector<1024x64xf32>
    %get3A_24 = arith.constant 0 : index
    %get3A_25 = arith.constant 0 : index
    %get3A_26 = arith.constant 0 : index
    %get3A_27 = vector.load %arg4[%get3A_24, %get3A_25, %get3A_26] : memref<1x64x256xf32, #tpu.memory_space<vmem>>, vector<1x64x256xf32>
    %get3A_28 = vector.shape_cast %get3A_27 : vector<1x64x256xf32> to vector<64x256xf32>
    %get3A_29 = arith.constant 0 : index
    %get3A_30 = arith.constant 0 : index
    %get3A_31 = vector.load %arg10[%get3A_29, %get3A_30] : memref<256x64xf32, #tpu.memory_space<vmem>>, vector<256x64xf32>
    %dot_general3A_32 = arith.constant dense<0.000000e+00> : vector<64x64xf32>
    %dot_general3A_33 = tpu.matmul %get3A_28, %get3A_31, %dot_general3A_32 {dimension_numbers = #tpu.dot_dimension_numbers<[1], [0], [0], [1], [0, 0, 1, 1], [], []>, transpose_lhs_hint = false} : vector<64x256xf32>, vector<256x64xf32>, vector<64x64xf32> -> vector<64x64xf32>
    %get3A_34 = arith.constant 0 : index
    %get3A_35 = arith.constant 0 : index
    %get3A_36 = vector.load %arg11[%get3A_34, %get3A_35] : memref<1x64xf32, #tpu.memory_space<vmem>>, vector<1x64xf32>
    %add3A_37 = vector.broadcast %get3A_36 : vector<1x64xf32> to vector<64x64xf32>
    %add3A_38 = arith.addf %dot_general3A_33, %add3A_37 : vector<64x64xf32>
    %max3A_39 = arith.constant 0.000000e+00 : f32
    %max3A_40 = vector.broadcast %max3A_39 : f32 to vector<64x64xf32>
    %max3A_41 = arith.maximumf %add3A_38, %max3A_40 : vector<64x64xf32>
    %get3A_42 = arith.constant 0 : index
    %get3A_43 = arith.constant 0 : index
    %get3A_44 = vector.load %arg12[%get3A_42, %get3A_43] : memref<64x64xf32, #tpu.memory_space<vmem>>, vector<64x64xf32>
    %dot_general3A_45 = arith.constant dense<0.000000e+00> : vector<64x64xf32>
    %dot_general3A_46 = tpu.matmul %max3A_41, %get3A_44, %dot_general3A_45 {dimension_numbers = #tpu.dot_dimension_numbers<[1], [0], [0], [1], [0, 0, 1, 1], [], []>, transpose_lhs_hint = false} : vector<64x64xf32>, vector<64x64xf32>, vector<64x64xf32> -> vector<64x64xf32>
    %get3A_47 = arith.constant 0 : index
    %get3A_48 = arith.constant 0 : index
    %get3A_49 = vector.load %arg13[%get3A_47, %get3A_48] : memref<1x64xf32, #tpu.memory_space<vmem>>, vector<1x64xf32>
    %add3A_50 = vector.broadcast %get3A_49 : vector<1x64xf32> to vector<64x64xf32>
    %add3A_51 = arith.addf %dot_general3A_46, %add3A_50 : vector<64x64xf32>
    %dot_general3A_52 = arith.constant dense<0.000000e+00> : vector<1024x64xf32>
    %dot_general3A_53 = tpu.matmul %add3A_23, %add3A_51, %dot_general3A_52 {dimension_numbers = #tpu.dot_dimension_numbers<[1], [1], [0], [0], [0, 0, 1, 0], [], []>, transpose_lhs_hint = false} : vector<1024x64xf32>, vector<64x64xf32>, vector<1024x64xf32> -> vector<1024x64xf32>
    %iota3A = tpu.iota {dimensions = array<i32: 1>} : vector<1024x64xi32>
    %lt3A = arith.constant 50 : i32
    %lt3A_54 = vector.broadcast %lt3A : i32 to vector<1024x64xi32>
    %lt3A_55 = arith.cmpi slt, %iota3A, %lt3A_54 : vector<1024x64xi32>
    %jit3A = arith.constant 0xFF800000 : f32
    %broadcast_in_dim3A = vector.broadcast %jit3A : f32 to vector<1024x64xf32>
    %select_n3A = arith.select %lt3A_55, %dot_general3A_53, %broadcast_in_dim3A : vector<1024x64xi1>, vector<1024x64xf32>
    %reduce_max3A = arith.constant dense<0xFF800000> : vector<1024xf32>
    %reduce_max3A_56 = vector.multi_reduction <maximumf>, %select_n3A, %reduce_max3A [1] : vector<1024x64xf32> to vector<1024xf32>
    %broadcast_in_dim3A_57 = vector.shape_cast %reduce_max3A_56 : vector<1024xf32> to vector<1024x1xf32>
    %sub3A = vector.broadcast %broadcast_in_dim3A_57 : vector<1024x1xf32> to vector<1024x64xf32>
    %sub3A_58 = arith.subf %select_n3A, %sub3A : vector<1024x64xf32>
    %exp3A = math.exp %sub3A_58 : vector<1024x64xf32>
    %reduce_sum3A = arith.constant dense<0.000000e+00> : vector<1024xf32>
    %reduce_sum3A_59 = vector.multi_reduction <add>, %exp3A, %reduce_sum3A [1] : vector<1024x64xf32> to vector<1024xf32>
    %broadcast_in_dim3A_60 = vector.shape_cast %reduce_sum3A_59 : vector<1024xf32> to vector<1024x1xf32>
    %div3A = vector.broadcast %broadcast_in_dim3A_60 : vector<1024x1xf32> to vector<1024x64xf32>
    %div3A_61 = arith.divf %exp3A, %div3A : vector<1024x64xf32>
    %get3A_62 = arith.constant 0 : index
    %get3A_63 = arith.constant 0 : index
    %get3A_64 = arith.constant 0 : index
    %get3A_65 = vector.load %arg5[%get3A_62, %get3A_63, %get3A_64] : memref<1x1x64xf32, #tpu.memory_space<vmem>>, vector<1x1x64xf32>
    %get3A_66 = vector.shape_cast %get3A_65 : vector<1x1x64xf32> to vector<1x64xf32>
    %mul3A = vector.broadcast %get3A_66 : vector<1x64xf32> to vector<1024x64xf32>
    %mul3A_67 = arith.mulf %div3A_61, %mul3A : vector<1024x64xf32>
    %reduce_sum3A_68 = arith.constant dense<0.000000e+00> : vector<1024xf32>
    %reduce_sum3A_69 = vector.multi_reduction <add>, %mul3A_67, %reduce_sum3A_68 [1] : vector<1024x64xf32> to vector<1024xf32>
    %broadcast_in_dim3A_70 = vector.shape_cast %reduce_sum3A_69 : vector<1024xf32> to vector<1024x1xf32>
    %add3A_71 = arith.constant 1.000000e-07 : f32
    %add3A_72 = vector.broadcast %add3A_71 : f32 to vector<1024x1xf32>
    %add3A_73 = arith.addf %broadcast_in_dim3A_70, %add3A_72 : vector<1024x1xf32>
    %div3A_74 = vector.broadcast %add3A_73 : vector<1024x1xf32> to vector<1024x64xf32>
    %div3A_75 = arith.divf %mul3A_67, %div3A_74 : vector<1024x64xf32>
    %dot_general3A_76 = arith.constant dense<0.000000e+00> : vector<1024x64xf32>
    %dot_general3A_77 = tpu.matmul %div3A_75, %add3A_51, %dot_general3A_76 {dimension_numbers = #tpu.dot_dimension_numbers<[1], [0], [0], [1], [0, 0, 1, 1], [], []>, transpose_lhs_hint = false} : vector<1024x64xf32>, vector<64x64xf32>, vector<1024x64xf32> -> vector<1024x64xf32>
    %swap3A = arith.constant 0 : index
    %swap3A_78 = arith.constant 0 : index
    %swap3A_79 = arith.constant 0 : index
    %swap3A_80 = vector.load %arg16[%swap3A, %swap3A_78, %swap3A_79] : memref<1x1024x64xf32, #tpu.memory_space<vmem>>, vector<1x1024x64xf32>
    %swap3A_81 = vector.shape_cast %swap3A_80 : vector<1x1024x64xf32> to vector<1024x64xf32>
    %swap3A_82 = vector.shape_cast %add3A_23 : vector<1024x64xf32> to vector<1x1024x64xf32>
    tpu.vector_store %arg16[%swap3A, %swap3A_78, %swap3A_79], %swap3A_82 {strides = array<i32>} : memref<1x1024x64xf32, #tpu.memory_space<vmem>>, vector<1x1024x64xf32>,
    %get3A_83 = arith.constant 0 : index
    %get3A_84 = arith.constant 0 : index
    %get3A_85 = arith.constant 0 : index
    %get3A_86 = vector.load %arg2[%get3A_83, %get3A_84, %get3A_85] : memref<1x1024x16xf32, #tpu.memory_space<vmem>>, vector<1x1024x16xf32>
    %get3A_87 = vector.shape_cast %get3A_86 : vector<1x1024x16xf32> to vector<1024x16xf32>
    %swap3A_88 = arith.constant 0 : index
    %swap3A_89 = arith.constant 0 : index
    %swap3A_90 = arith.constant 0 : index
    %swap3A_91 = vector.load %arg15[%swap3A_88, %swap3A_89, %swap3A_90] : memref<1x1024x128xf32, #tpu.memory_space<vmem>>, vector<1x1024x16xf32>
    %swap3A_92 = vector.shape_cast %swap3A_91 : vector<1x1024x16xf32> to vector<1024x16xf32>
    %swap3A_93 = vector.shape_cast %get3A_87 : vector<1024x16xf32> to vector<1x1024x16xf32>
    tpu.vector_store %arg15[%swap3A_88, %swap3A_89, %swap3A_90], %swap3A_93 {strides = array<i32>} : memref<1x1024x128xf32, #tpu.memory_space<vmem>>, vector<1x1024x16xf32>,
    %mul3A_94 = arith.mulf %add3A_23, %dot_general3A_77 : vector<1024x64xf32>
    %swap3A_95 = arith.constant 0 : index
    %swap3A_96 = arith.constant 0 : index
    %swap3A_97 = arith.constant 64 : index
    %swap3A_98 = vector.load %arg15[%swap3A_95, %swap3A_96, %swap3A_97] : memref<1x1024x128xf32, #tpu.memory_space<vmem>>, vector<1x1024x64xf32>
    %swap3A_99 = vector.shape_cast %swap3A_98 : vector<1x1024x64xf32> to vector<1024x64xf32>
    %swap3A_100 = vector.shape_cast %mul3A_94 : vector<1024x64xf32> to vector<1x1024x64xf32>
    tpu.vector_store %arg15[%swap3A_95, %swap3A_96, %swap3A_97], %swap3A_100 {strides = array<i32>} : memref<1x1024x128xf32, #tpu.memory_space<vmem>>, vector<1x1024x64xf32>,
    %get3A_101 = arith.constant 0 : index
    %get3A_102 = arith.constant 0 : index
    %get3A_103 = arith.constant 0 : index
    %get3A_104 = vector.load %arg2[%get3A_101, %get3A_102, %get3A_103] : memref<1x1024x16xf32, #tpu.memory_space<vmem>>, vector<1x1024x16xf32>
    %get3A_105 = vector.shape_cast %get3A_104 : vector<1x1024x16xf32> to vector<1024x16xf32>
    %get3A_106 = arith.constant 0 : index
    %get3A_107 = arith.constant 0 : index
    %get3A_108 = arith.constant 0 : index
    %get3A_109 = vector.load %arg3[%get3A_106, %get3A_107, %get3A_108] : memref<1x8x1024xf32, #tpu.memory_space<vmem>>, vector<1x8x1024xf32>
    %get3A_110 = vector.shape_cast %get3A_109 : vector<1x8x1024xf32> to vector<8x1024xf32>
    %slice3A = vector.extract_strided_slice %get3A_105 {offsets = [0, 0], sizes = [1024, 1], strides = [1, 1]} : vector<1024x16xf32> to vector<1024x1xf32>
    %slice3A_111 = vector.extract_strided_slice %get3A_110 {offsets = [0, 0], sizes = [1, 1024], strides = [1, 1]} : vector<8x1024xf32> to vector<1x1024xf32>
    %sub3A_112 = vector.broadcast %slice3A : vector<1024x1xf32> to vector<1024x1024xf32>
    %sub3A_113 = vector.broadcast %slice3A_111 : vector<1x1024xf32> to vector<1024x1024xf32>
    %sub3A_114 = arith.subf %sub3A_112, %sub3A_113 : vector<1024x1024xf32>
    %mul3A_115 = arith.mulf %sub3A_114, %sub3A_114 : vector<1024x1024xf32>
    %slice3A_116 = vector.extract_strided_slice %get3A_105 {offsets = [0, 1], sizes = [1024, 1], strides = [1, 1]} : vector<1024x16xf32> to vector<1024x1xf32>
    %slice3A_117 = vector.extract_strided_slice %get3A_110 {offsets = [1, 0], sizes = [1, 1024], strides = [1, 1]} : vector<8x1024xf32> to vector<1x1024xf32>
    %sub3A_118 = vector.broadcast %slice3A_116 : vector<1024x1xf32> to vector<1024x1024xf32>
    %sub3A_119 = vector.broadcast %slice3A_117 : vector<1x1024xf32> to vector<1024x1024xf32>
    %sub3A_120 = arith.subf %sub3A_118, %sub3A_119 : vector<1024x1024xf32>
    %mul3A_121 = arith.mulf %sub3A_120, %sub3A_120 : vector<1024x1024xf32>
    %add3A_122 = arith.addf %mul3A_115, %mul3A_121 : vector<1024x1024xf32>
    %slice3A_123 = vector.extract_strided_slice %get3A_105 {offsets = [0, 2], sizes = [1024, 1], strides = [1, 1]} : vector<1024x16xf32> to vector<1024x1xf32>
    %slice3A_124 = vector.extract_strided_slice %get3A_110 {offsets = [2, 0], sizes = [1, 1024], strides = [1, 1]} : vector<8x1024xf32> to vector<1x1024xf32>
    %sub3A_125 = vector.broadcast %slice3A_123 : vector<1024x1xf32> to vector<1024x1024xf32>
    %sub3A_126 = vector.broadcast %slice3A_124 : vector<1x1024xf32> to vector<1024x1024xf32>
    %sub3A_127 = arith.subf %sub3A_125, %sub3A_126 : vector<1024x1024xf32>
    %mul3A_128 = arith.mulf %sub3A_127, %sub3A_127 : vector<1024x1024xf32>
    %add3A_129 = arith.addf %add3A_122, %mul3A_128 : vector<1024x1024xf32>
    %mul3A_130 = arith.constant 1024 : i32
    %mul3A_131 = arith.muli %arg0, %mul3A_130 : i32
    %iota3A_132 = tpu.iota {dimensions = array<i32: 0>} : vector<1024x1xi32>
    %add3A_133 = vector.broadcast %mul3A_131 : i32 to vector<1024x1xi32>
    %add3A_134 = arith.addi %iota3A_132, %add3A_133 : vector<1024x1xi32>
    %swap3A_135 = arith.constant 0 : index
    %swap3A_136 = arith.constant 0 : index
    %swap3A_137 = arith.constant 0 : index
    %swap3A_138 = vector.load %arg14[%swap3A_135, %swap3A_136, %swap3A_137] : memref<1x1024x24xi32, #tpu.memory_space<vmem>>, vector<1x1024x1xi32>
    %swap3A_139 = vector.shape_cast %swap3A_138 : vector<1x1024x1xi32> to vector<1024x1xi32>
    %swap3A_140 = vector.shape_cast %add3A_134 : vector<1024x1xi32> to vector<1x1024x1xi32>
    tpu.vector_store %arg14[%swap3A_135, %swap3A_136, %swap3A_137], %swap3A_140 {strides = array<i32>} : memref<1x1024x24xi32, #tpu.memory_space<vmem>>, vector<1x1024x1xi32>,
    %iota3A_141 = tpu.iota {dimensions = array<i32: 0>} : vector<1024x1024xi32>
    %iota3A_142 = tpu.iota {dimensions = array<i32: 1>} : vector<1024x1024xi32>
    %eq3A = arith.cmpi eq, %iota3A_141, %iota3A_142 : vector<1024x1024xi32>
    %jit3A_143 = arith.constant 0x7F800000 : f32
    %broadcast_in_dim3A_144 = vector.broadcast %jit3A_143 : f32 to vector<1024x1024xf32>
    %select_n3A_145 = arith.select %eq3A, %broadcast_in_dim3A_144, %add3A_129 : vector<1024x1024xi1>, vector<1024x1024xf32>
    %convert_element_type3A = arith.sitofp %iota3A_142 : vector<1024x1024xi32> to vector<1024x1024xf32>
    %iota3A_146 = tpu.iota {dimensions = array<i32: 1>} : vector<1024x128xi32>
    %convert_element_type3A_147 = arith.sitofp %iota3A_146 : vector<1024x128xi32> to vector<1024x128xf32>
    %slice3A_148 = vector.extract_strided_slice %select_n3A_145 {offsets = [0, 0], sizes = [1024, 128], strides = [1, 1]} : vector<1024x1024xf32> to vector<1024x128xf32>
    %broadcast_in_dim3A_149 = arith.constant 0.000000e+00 : f32
    %broadcast_in_dim3A_150 = vector.broadcast %broadcast_in_dim3A_149 : f32 to vector<1024x128xf32>
    %slice3A_151 = vector.extract_strided_slice %select_n3A_145 {offsets = [0, 128], sizes = [1024, 128], strides = [1, 1]} : vector<1024x1024xf32> to vector<1024x128xf32>
    %lt3A_152 = arith.cmpf olt, %slice3A_151, %slice3A_148 : vector<1024x128xf32>
    %jit3A_153 = arith.constant 1.000000e+00 : f32
    %broadcast_in_dim3A_154 = vector.broadcast %jit3A_153 : f32 to vector<1024x128xf32>
    %select_n3A_155 = arith.select %lt3A_152, %broadcast_in_dim3A_154, %broadcast_in_dim3A_150 : vector<1024x128xi1>, vector<1024x128xf32>
    %select_n3A_156 = arith.select %lt3A_152, %slice3A_151, %slice3A_148 : vector<1024x128xi1>, vector<1024x128xf32>
    %slice3A_157 = vector.extract_strided_slice %select_n3A_145 {offsets = [0, 256], sizes = [1024, 128], strides = [1, 1]} : vector<1024x1024xf32> to vector<1024x128xf32>
    %lt3A_158 = arith.cmpf olt, %slice3A_157, %select_n3A_156 : vector<1024x128xf32>
    %jit3A_159 = arith.constant 2.000000e+00 : f32
    %broadcast_in_dim3A_160 = vector.broadcast %jit3A_159 : f32 to vector<1024x128xf32>
    %select_n3A_161 = arith.select %lt3A_158, %broadcast_in_dim3A_160, %select_n3A_155 : vector<1024x128xi1>, vector<1024x128xf32>
    %select_n3A_162 = arith.select %lt3A_158, %slice3A_157, %select_n3A_156 : vector<1024x128xi1>, vector<1024x128xf32>
    %slice3A_163 = vector.extract_strided_slice %select_n3A_145 {offsets = [0, 384], sizes = [1024, 128], strides = [1, 1]} : vector<1024x1024xf32> to vector<1024x128xf32>
    %lt3A_164 = arith.cmpf olt, %slice3A_163, %select_n3A_162 : vector<1024x128xf32>
    %jit3A_165 = arith.constant 3.000000e+00 : f32
    %broadcast_in_dim3A_166 = vector.broadcast %jit3A_165 : f32 to vector<1024x128xf32>
    %select_n3A_167 = arith.select %lt3A_164, %broadcast_in_dim3A_166, %select_n3A_161 : vector<1024x128xi1>, vector<1024x128xf32>
    %select_n3A_168 = arith.select %lt3A_164, %slice3A_163, %select_n3A_162 : vector<1024x128xi1>, vector<1024x128xf32>
    %slice3A_169 = vector.extract_strided_slice %select_n3A_145 {offsets = [0, 512], sizes = [1024, 128], strides = [1, 1]} : vector<1024x1024xf32> to vector<1024x128xf32>
    %lt3A_170 = arith.cmpf olt, %slice3A_169, %select_n3A_168 : vector<1024x128xf32>
    %jit3A_171 = arith.constant 4.000000e+00 : f32
    %broadcast_in_dim3A_172 = vector.broadcast %jit3A_171 : f32 to vector<1024x128xf32>
    %select_n3A_173 = arith.select %lt3A_170, %broadcast_in_dim3A_172, %select_n3A_167 : vector<1024x128xi1>, vector<1024x128xf32>
    %select_n3A_174 = arith.select %lt3A_170, %slice3A_169, %select_n3A_168 : vector<1024x128xi1>, vector<1024x128xf32>
    %slice3A_175 = vector.extract_strided_slice %select_n3A_145 {offsets = [0, 640], sizes = [1024, 128], strides = [1, 1]} : vector<1024x1024xf32> to vector<1024x128xf32>
    %lt3A_176 = arith.cmpf olt, %slice3A_175, %select_n3A_174 : vector<1024x128xf32>
    %jit3A_177 = arith.constant 5.000000e+00 : f32
    %broadcast_in_dim3A_178 = vector.broadcast %jit3A_177 : f32 to vector<1024x128xf32>
    %select_n3A_179 = arith.select %lt3A_176, %broadcast_in_dim3A_178, %select_n3A_173 : vector<1024x128xi1>, vector<1024x128xf32>
    %select_n3A_180 = arith.select %lt3A_176, %slice3A_175, %select_n3A_174 : vector<1024x128xi1>, vector<1024x128xf32>
    %slice3A_181 = vector.extract_strided_slice %select_n3A_145 {offsets = [0, 768], sizes = [1024, 128], strides = [1, 1]} : vector<1024x1024xf32> to vector<1024x128xf32>
    %lt3A_182 = arith.cmpf olt, %slice3A_181, %select_n3A_180 : vector<1024x128xf32>
    %jit3A_183 = arith.constant 6.000000e+00 : f32
    %broadcast_in_dim3A_184 = vector.broadcast %jit3A_183 : f32 to vector<1024x128xf32>
    %select_n3A_185 = arith.select %lt3A_182, %broadcast_in_dim3A_184, %select_n3A_179 : vector<1024x128xi1>, vector<1024x128xf32>
    %select_n3A_186 = arith.select %lt3A_182, %slice3A_181, %select_n3A_180 : vector<1024x128xi1>, vector<1024x128xf32>
    %slice3A_187 = vector.extract_strided_slice %select_n3A_145 {offsets = [0, 896], sizes = [1024, 128], strides = [1, 1]} : vector<1024x1024xf32> to vector<1024x128xf32>
    %lt3A_188 = arith.cmpf olt, %slice3A_187, %select_n3A_186 : vector<1024x128xf32>
    %jit3A_189 = arith.constant 7.000000e+00 : f32
    %broadcast_in_dim3A_190 = vector.broadcast %jit3A_189 : f32 to vector<1024x128xf32>
    %select_n3A_191 = arith.select %lt3A_188, %broadcast_in_dim3A_190, %select_n3A_185 : vector<1024x128xi1>, vector<1024x128xf32>
    %select_n3A_192 = arith.select %lt3A_188, %slice3A_187, %select_n3A_186 : vector<1024x128xi1>, vector<1024x128xf32>
    %reduce_min3A = arith.constant dense<0x7F800000> : vector<1024xf32>
    %reduce_min3A_193 = vector.multi_reduction <minimumf>, %select_n3A_192, %reduce_min3A [1] : vector<1024x128xf32> to vector<1024xf32>
    %broadcast_in_dim3A_194 = vector.shape_cast %reduce_min3A_193 : vector<1024xf32> to vector<1024x1xf32>
    %eq3A_195 = vector.broadcast %broadcast_in_dim3A_194 : vector<1024x1xf32> to vector<1024x128xf32>
    %eq3A_196 = arith.cmpf oeq, %select_n3A_192, %eq3A_195 : vector<1024x128xf32>
    %mul3A_197 = arith.constant 1.280000e+02 : f32
    %mul3A_198 = vector.broadcast %mul3A_197 : f32 to vector<1024x128xf32>
    %mul3A_199 = arith.mulf %select_n3A_191, %mul3A_198 : vector<1024x128xf32>
    %add3A_200 = arith.addf %mul3A_199, %convert_element_type3A_147 : vector<1024x128xf32>
    %jit3A_201 = arith.constant 1.024000e+03 : f32
    %broadcast_in_dim3A_202 = vector.broadcast %jit3A_201 : f32 to vector<1024x128xf32>
    %select_n3A_203 = arith.select %eq3A_196, %add3A_200, %broadcast_in_dim3A_202 : vector<1024x128xi1>, vector<1024x128xf32>
    %reduce_min3A_204 = arith.constant dense<0x7F800000> : vector<1024xf32>
    %reduce_min3A_205 = vector.multi_reduction <minimumf>, %select_n3A_203, %reduce_min3A_204 [1] : vector<1024x128xf32> to vector<1024xf32>
    %broadcast_in_dim3A_206 = vector.shape_cast %reduce_min3A_205 : vector<1024xf32> to vector<1024x1xf32>
    %convert_element_type3A_207 = arith.fptosi %broadcast_in_dim3A_206 : vector<1024x1xf32> to vector<1024x1xi32>
    %add3A_208 = vector.broadcast %mul3A_131 : i32 to vector<1024x1xi32>
    %add3A_209 = arith.addi %convert_element_type3A_207, %add3A_208 : vector<1024x1xi32>
    %swap3A_210 = arith.constant 0 : index
    %swap3A_211 = arith.constant 0 : index
    %swap3A_212 = arith.constant 1 : index
    %swap3A_213 = vector.load %arg14[%swap3A_210, %swap3A_211, %swap3A_212] : memref<1x1024x24xi32, #tpu.memory_space<vmem>>, vector<1x1024x1xi32>
    %swap3A_214 = vector.shape_cast %swap3A_213 : vector<1x1024x1xi32> to vector<1024x1xi32>
    %swap3A_215 = vector.shape_cast %add3A_209 : vector<1024x1xi32> to vector<1x1024x1xi32>
    tpu.vector_store %arg14[%swap3A_210, %swap3A_211, %swap3A_212], %swap3A_215 {strides = array<i32>} : memref<1x1024x24xi32, #tpu.memory_space<vmem>>, vector<1x1024x1xi32>,
    %eq3A_216 = vector.broadcast %broadcast_in_dim3A_206 : vector<1024x1xf32> to vector<1024x1024xf32>
    %eq3A_217 = arith.cmpf oeq, %convert_element_type3A, %eq3A_216 : vector<1024x1024xf32>
    %jit3A_218 = arith.constant 0x7F800000 : f32
    %broadcast_in_dim3A_219 = vector.broadcast %jit3A_218 : f32 to vector<1024x1024xf32>
    %select_n3A_220 = arith.select %eq3A_217, %broadcast_in_dim3A_219, %select_n3A_145 : vector<1024x1024xi1>, vector<1024x1024xf32>
    %slice3A_221 = vector.extract_strided_slice %select_n3A_220 {offsets = [0, 0], sizes = [1024, 128], strides = [1, 1]} : vector<1024x1024xf32> to vector<1024x128xf32>
    %broadcast_in_dim3A_222 = arith.constant 0.000000e+00 : f32
    %broadcast_in_dim3A_223 = vector.broadcast %broadcast_in_dim3A_222 : f32 to vector<1024x128xf32>
    %slice3A_224 = vector.extract_strided_slice %select_n3A_220 {offsets = [0, 128], sizes = [1024, 128], strides = [1, 1]} : vector<1024x1024xf32> to vector<1024x128xf32>
    %lt3A_225 = arith.cmpf olt, %slice3A_224, %slice3A_221 : vector<1024x128xf32>
    %jit3A_226 = arith.constant 1.000000e+00 : f32
    %broadcast_in_dim3A_227 = vector.broadcast %jit3A_226 : f32 to vector<1024x128xf32>
    %select_n3A_228 = arith.select %lt3A_225, %broadcast_in_dim3A_227, %broadcast_in_dim3A_223 : vector<1024x128xi1>, vector<1024x128xf32>
    %select_n3A_229 = arith.select %lt3A_225, %slice3A_224, %slice3A_221 : vector<1024x128xi1>, vector<1024x128xf32>
    %slice3A_230 = vector.extract_strided_slice %select_n3A_220 {offsets = [0, 256], sizes = [1024, 128], strides = [1, 1]} : vector<1024x1024xf32> to vector<1024x128xf32>
    %lt3A_231 = arith.cmpf olt, %slice3A_230, %select_n3A_229 : vector<1024x128xf32>
    %jit3A_232 = arith.constant 2.000000e+00 : f32
    %broadcast_in_dim3A_233 = vector.broadcast %jit3A_232 : f32 to vector<1024x128xf32>
    %select_n3A_234 = arith.select %lt3A_231, %broadcast_in_dim3A_233, %select_n3A_228 : vector<1024x128xi1>, vector<1024x128xf32>
    %select_n3A_235 = arith.select %lt3A_231, %slice3A_230, %select_n3A_229 : vector<1024x128xi1>, vector<1024x128xf32>
    %slice3A_236 = vector.extract_strided_slice %select_n3A_220 {offsets = [0, 384], sizes = [1024, 128], strides = [1, 1]} : vector<1024x1024xf32> to vector<1024x128xf32>
    %lt3A_237 = arith.cmpf olt, %slice3A_236, %select_n3A_235 : vector<1024x128xf32>
    %jit3A_238 = arith.constant 3.000000e+00 : f32
    %broadcast_in_dim3A_239 = vector.broadcast %jit3A_238 : f32 to vector<1024x128xf32>
    %select_n3A_240 = arith.select %lt3A_237, %broadcast_in_dim3A_239, %select_n3A_234 : vector<1024x128xi1>, vector<1024x128xf32>
    %select_n3A_241 = arith.select %lt3A_237, %slice3A_236, %select_n3A_235 : vector<1024x128xi1>, vector<1024x128xf32>
    %slice3A_242 = vector.extract_strided_slice %select_n3A_220 {offsets = [0, 512], sizes = [1024, 128], strides = [1, 1]} : vector<1024x1024xf32> to vector<1024x128xf32>
    %lt3A_243 = arith.cmpf olt, %slice3A_242, %select_n3A_241 : vector<1024x128xf32>
    %jit3A_244 = arith.constant 4.000000e+00 : f32
    %broadcast_in_dim3A_245 = vector.broadcast %jit3A_244 : f32 to vector<1024x128xf32>
    %select_n3A_246 = arith.select %lt3A_243, %broadcast_in_dim3A_245, %select_n3A_240 : vector<1024x128xi1>, vector<1024x128xf32>
    %select_n3A_247 = arith.select %lt3A_243, %slice3A_242, %select_n3A_241 : vector<1024x128xi1>, vector<1024x128xf32>
    %slice3A_248 = vector.extract_strided_slice %select_n3A_220 {offsets = [0, 640], sizes = [1024, 128], strides = [1, 1]} : vector<1024x1024xf32> to vector<1024x128xf32>
    %lt3A_249 = arith.cmpf olt, %slice3A_248, %select_n3A_247 : vector<1024x128xf32>
    %jit3A_250 = arith.constant 5.000000e+00 : f32
    %broadcast_in_dim3A_251 = vector.broadcast %jit3A_250 : f32 to vector<1024x128xf32>
    %select_n3A_252 = arith.select %lt3A_249, %broadcast_in_dim3A_251, %select_n3A_246 : vector<1024x128xi1>, vector<1024x128xf32>
    %select_n3A_253 = arith.select %lt3A_249, %slice3A_248, %select_n3A_247 : vector<1024x128xi1>, vector<1024x128xf32>
    %slice3A_254 = vector.extract_strided_slice %select_n3A_220 {offsets = [0, 768], sizes = [1024, 128], strides = [1, 1]} : vector<1024x1024xf32> to vector<1024x128xf32>
    %lt3A_255 = arith.cmpf olt, %slice3A_254, %select_n3A_253 : vector<1024x128xf32>
    %jit3A_256 = arith.constant 6.000000e+00 : f32
    %broadcast_in_dim3A_257 = vector.broadcast %jit3A_256 : f32 to vector<1024x128xf32>
    %select_n3A_258 = arith.select %lt3A_255, %broadcast_in_dim3A_257, %select_n3A_252 : vector<1024x128xi1>, vector<1024x128xf32>
    %select_n3A_259 = arith.select %lt3A_255, %slice3A_254, %select_n3A_253 : vector<1024x128xi1>, vector<1024x128xf32>
    %slice3A_260 = vector.extract_strided_slice %select_n3A_220 {offsets = [0, 896], sizes = [1024, 128], strides = [1, 1]} : vector<1024x1024xf32> to vector<1024x128xf32>
    %lt3A_261 = arith.cmpf olt, %slice3A_260, %select_n3A_259 : vector<1024x128xf32>
    %jit3A_262 = arith.constant 7.000000e+00 : f32
    %broadcast_in_dim3A_263 = vector.broadcast %jit3A_262 : f32 to vector<1024x128xf32>
    %select_n3A_264 = arith.select %lt3A_261, %broadcast_in_dim3A_263, %select_n3A_258 : vector<1024x128xi1>, vector<1024x128xf32>
    %select_n3A_265 = arith.select %lt3A_261, %slice3A_260, %select_n3A_259 : vector<1024x128xi1>, vector<1024x128xf32>
    %reduce_min3A_266 = arith.constant dense<0x7F800000> : vector<1024xf32>
    %reduce_min3A_267 = vector.multi_reduction <minimumf>, %select_n3A_265, %reduce_min3A_266 [1] : vector<1024x128xf32> to vector<1024xf32>
    %broadcast_in_dim3A_268 = vector.shape_cast %reduce_min3A_267 : vector<1024xf32> to vector<1024x1xf32>
    %eq3A_269 = vector.broadcast %broadcast_in_dim3A_268 : vector<1024x1xf32> to vector<1024x128xf32>
    %eq3A_270 = arith.cmpf oeq, %select_n3A_265, %eq3A_269 : vector<1024x128xf32>
    %mul3A_271 = arith.constant 1.280000e+02 : f32
    %mul3A_272 = vector.broadcast %mul3A_271 : f32 to vector<1024x128xf32>
    %mul3A_273 = arith.mulf %select_n3A_264, %mul3A_272 : vector<1024x128xf32>
    %add3A_274 = arith.addf %mul3A_273, %convert_element_type3A_147 : vector<1024x128xf32>
    %jit3A_275 = arith.constant 1.024000e+03 : f32
    %broadcast_in_dim3A_276 = vector.broadcast %jit3A_275 : f32 to vector<1024x128xf32>
    %select_n3A_277 = arith.select %eq3A_270, %add3A_274, %broadcast_in_dim3A_276 : vector<1024x128xi1>, vector<1024x128xf32>
    %reduce_min3A_278 = arith.constant dense<0x7F800000> : vector<1024xf32>
    %reduce_min3A_279 = vector.multi_reduction <minimumf>, %select_n3A_277, %reduce_min3A_278 [1] : vector<1024x128xf32> to vector<1024xf32>
    %broadcast_in_dim3A_280 = vector.shape_cast %reduce_min3A_279 : vector<1024xf32> to vector<1024x1xf32>
    %convert_element_type3A_281 = arith.fptosi %broadcast_in_dim3A_280 : vector<1024x1xf32> to vector<1024x1xi32>
    %add3A_282 = vector.broadcast %mul3A_131 : i32 to vector<1024x1xi32>
    %add3A_283 = arith.addi %convert_element_type3A_281, %add3A_282 : vector<1024x1xi32>
    %swap3A_284 = arith.constant 0 : index
    %swap3A_285 = arith.constant 0 : index
    %swap3A_286 = arith.constant 2 : index
    %swap3A_287 = vector.load %arg14[%swap3A_284, %swap3A_285, %swap3A_286] : memref<1x1024x24xi32, #tpu.memory_space<vmem>>, vector<1x1024x1xi32>
    %swap3A_288 = vector.shape_cast %swap3A_287 : vector<1x1024x1xi32> to vector<1024x1xi32>
    %swap3A_289 = vector.shape_cast %add3A_283 : vector<1024x1xi32> to vector<1x1024x1xi32>
    tpu.vector_store %arg14[%swap3A_284, %swap3A_285, %swap3A_286], %swap3A_289 {strides = array<i32>} : memref<1x1024x24xi32, #tpu.memory_space<vmem>>, vector<1x1024x1xi32>,
    %eq3A_290 = vector.broadcast %broadcast_in_dim3A_280 : vector<1024x1xf32> to vector<1024x1024xf32>
    %eq3A_291 = arith.cmpf oeq, %convert_element_type3A, %eq3A_290 : vector<1024x1024xf32>
    %jit3A_292 = arith.constant 0x7F800000 : f32
    %broadcast_in_dim3A_293 = vector.broadcast %jit3A_292 : f32 to vector<1024x1024xf32>
    %select_n3A_294 = arith.select %eq3A_291, %broadcast_in_dim3A_293, %select_n3A_220 : vector<1024x1024xi1>, vector<1024x1024xf32>
    %slice3A_295 = vector.extract_strided_slice %select_n3A_294 {offsets = [0, 0], sizes = [1024, 128], strides = [1, 1]} : vector<1024x1024xf32> to vector<1024x128xf32>
    %broadcast_in_dim3A_296 = arith.constant 0.000000e+00 : f32
    %broadcast_in_dim3A_297 = vector.broadcast %broadcast_in_dim3A_296 : f32 to vector<1024x128xf32>
    %slice3A_298 = vector.extract_strided_slice %select_n3A_294 {offsets = [0, 128], sizes = [1024, 128], strides = [1, 1]} : vector<1024x1024xf32> to vector<1024x128xf32>
    %lt3A_299 = arith.cmpf olt, %slice3A_298, %slice3A_295 : vector<1024x128xf32>
    %jit3A_300 = arith.constant 1.000000e+00 : f32
    %broadcast_in_dim3A_301 = vector.broadcast %jit3A_300 : f32 to vector<1024x128xf32>
    %select_n3A_302 = arith.select %lt3A_299, %broadcast_in_dim3A_301, %broadcast_in_dim3A_297 : vector<1024x128xi1>, vector<1024x128xf32>
    %select_n3A_303 = arith.select %lt3A_299, %slice3A_298, %slice3A_295 : vector<1024x128xi1>, vector<1024x128xf32>
    %slice3A_304 = vector.extract_strided_slice %select_n3A_294 {offsets = [0, 256], sizes = [1024, 128], strides = [1, 1]} : vector<1024x1024xf32> to vector<1024x128xf32>
    %lt3A_305 = arith.cmpf olt, %slice3A_304, %select_n3A_303 : vector<1024x128xf32>
    %jit3A_306 = arith.constant 2.000000e+00 : f32
    %broadcast_in_dim3A_307 = vector.broadcast %jit3A_306 : f32 to vector<1024x128xf32>
    %select_n3A_308 = arith.select %lt3A_305, %broadcast_in_dim3A_307, %select_n3A_302 : vector<1024x128xi1>, vector<1024x128xf32>
    %select_n3A_309 = arith.select %lt3A_305, %slice3A_304, %select_n3A_303 : vector<1024x128xi1>, vector<1024x128xf32>
    %slice3A_310 = vector.extract_strided_slice %select_n3A_294 {offsets = [0, 384], sizes = [1024, 128], strides = [1, 1]} : vector<1024x1024xf32> to vector<1024x128xf32>
    %lt3A_311 = arith.cmpf olt, %slice3A_310, %select_n3A_309 : vector<1024x128xf32>
    %jit3A_312 = arith.constant 3.000000e+00 : f32
    %broadcast_in_dim3A_313 = vector.broadcast %jit3A_312 : f32 to vector<1024x128xf32>
    %select_n3A_314 = arith.select %lt3A_311, %broadcast_in_dim3A_313, %select_n3A_308 : vector<1024x128xi1>, vector<1024x128xf32>
    %select_n3A_315 = arith.select %lt3A_311, %slice3A_310, %select_n3A_309 : vector<1024x128xi1>, vector<1024x128xf32>
    %slice3A_316 = vector.extract_strided_slice %select_n3A_294 {offsets = [0, 512], sizes = [1024, 128], strides = [1, 1]} : vector<1024x1024xf32> to vector<1024x128xf32>
    %lt3A_317 = arith.cmpf olt, %slice3A_316, %select_n3A_315 : vector<1024x128xf32>
    %jit3A_318 = arith.constant 4.000000e+00 : f32
    %broadcast_in_dim3A_319 = vector.broadcast %jit3A_318 : f32 to vector<1024x128xf32>
    %select_n3A_320 = arith.select %lt3A_317, %broadcast_in_dim3A_319, %select_n3A_314 : vector<1024x128xi1>, vector<1024x128xf32>
    %select_n3A_321 = arith.select %lt3A_317, %slice3A_316, %select_n3A_315 : vector<1024x128xi1>, vector<1024x128xf32>
    %slice3A_322 = vector.extract_strided_slice %select_n3A_294 {offsets = [0, 640], sizes = [1024, 128], strides = [1, 1]} : vector<1024x1024xf32> to vector<1024x128xf32>
    %lt3A_323 = arith.cmpf olt, %slice3A_322, %select_n3A_321 : vector<1024x128xf32>
    %jit3A_324 = arith.constant 5.000000e+00 : f32
    %broadcast_in_dim3A_325 = vector.broadcast %jit3A_324 : f32 to vector<1024x128xf32>
    %select_n3A_326 = arith.select %lt3A_323, %broadcast_in_dim3A_325, %select_n3A_320 : vector<1024x128xi1>, vector<1024x128xf32>
    %select_n3A_327 = arith.select %lt3A_323, %slice3A_322, %select_n3A_321 : vector<1024x128xi1>, vector<1024x128xf32>
    %slice3A_328 = vector.extract_strided_slice %select_n3A_294 {offsets = [0, 768], sizes = [1024, 128], strides = [1, 1]} : vector<1024x1024xf32> to vector<1024x128xf32>
    %lt3A_329 = arith.cmpf olt, %slice3A_328, %select_n3A_327 : vector<1024x128xf32>
    %jit3A_330 = arith.constant 6.000000e+00 : f32
    %broadcast_in_dim3A_331 = vector.broadcast %jit3A_330 : f32 to vector<1024x128xf32>
    %select_n3A_332 = arith.select %lt3A_329, %broadcast_in_dim3A_331, %select_n3A_326 : vector<1024x128xi1>, vector<1024x128xf32>
    %select_n3A_333 = arith.select %lt3A_329, %slice3A_328, %select_n3A_327 : vector<1024x128xi1>, vector<1024x128xf32>
    %slice3A_334 = vector.extract_strided_slice %select_n3A_294 {offsets = [0, 896], sizes = [1024, 128], strides = [1, 1]} : vector<1024x1024xf32> to vector<1024x128xf32>
    %lt3A_335 = arith.cmpf olt, %slice3A_334, %select_n3A_333 : vector<1024x128xf32>
    %jit3A_336 = arith.constant 7.000000e+00 : f32
    %broadcast_in_dim3A_337 = vector.broadcast %jit3A_336 : f32 to vector<1024x128xf32>
    %select_n3A_338 = arith.select %lt3A_335, %broadcast_in_dim3A_337, %select_n3A_332 : vector<1024x128xi1>, vector<1024x128xf32>
    %select_n3A_339 = arith.select %lt3A_335, %slice3A_334, %select_n3A_333 : vector<1024x128xi1>, vector<1024x128xf32>
    %reduce_min3A_340 = arith.constant dense<0x7F800000> : vector<1024xf32>
    %reduce_min3A_341 = vector.multi_reduction <minimumf>, %select_n3A_339, %reduce_min3A_340 [1] : vector<1024x128xf32> to vector<1024xf32>
    %broadcast_in_dim3A_342 = vector.shape_cast %reduce_min3A_341 : vector<1024xf32> to vector<1024x1xf32>
    %eq3A_343 = vector.broadcast %broadcast_in_dim3A_342 : vector<1024x1xf32> to vector<1024x128xf32>
    %eq3A_344 = arith.cmpf oeq, %select_n3A_339, %eq3A_343 : vector<1024x128xf32>
    %mul3A_345 = arith.constant 1.280000e+02 : f32
    %mul3A_346 = vector.broadcast %mul3A_345 : f32 to vector<1024x128xf32>
    %mul3A_347 = arith.mulf %select_n3A_338, %mul3A_346 : vector<1024x128xf32>
    %add3A_348 = arith.addf %mul3A_347, %convert_element_type3A_147 : vector<1024x128xf32>
    %jit3A_349 = arith.constant 1.024000e+03 : f32
    %broadcast_in_dim3A_350 = vector.broadcast %jit3A_349 : f32 to vector<1024x128xf32>
    %select_n3A_351 = arith.select %eq3A_344, %add3A_348, %broadcast_in_dim3A_350 : vector<1024x128xi1>, vector<1024x128xf32>
    %reduce_min3A_352 = arith.constant dense<0x7F800000> : vector<1024xf32>
    %reduce_min3A_353 = vector.multi_reduction <minimumf>, %select_n3A_351, %reduce_min3A_352 [1] : vector<1024x128xf32> to vector<1024xf32>
    %broadcast_in_dim3A_354 = vector.shape_cast %reduce_min3A_353 : vector<1024xf32> to vector<1024x1xf32>
    %convert_element_type3A_355 = arith.fptosi %broadcast_in_dim3A_354 : vector<1024x1xf32> to vector<1024x1xi32>
    %add3A_356 = vector.broadcast %mul3A_131 : i32 to vector<1024x1xi32>
    %add3A_357 = arith.addi %convert_element_type3A_355, %add3A_356 : vector<1024x1xi32>
    %swap3A_358 = arith.constant 0 : index
    %swap3A_359 = arith.constant 0 : index
    %swap3A_360 = arith.constant 3 : index
    %swap3A_361 = vector.load %arg14[%swap3A_358, %swap3A_359, %swap3A_360] : memref<1x1024x24xi32, #tpu.memory_space<vmem>>, vector<1x1024x1xi32>
    %swap3A_362 = vector.shape_cast %swap3A_361 : vector<1x1024x1xi32> to vector<1024x1xi32>
    %swap3A_363 = vector.shape_cast %add3A_357 : vector<1024x1xi32> to vector<1x1024x1xi32>
    tpu.vector_store %arg14[%swap3A_358, %swap3A_359, %swap3A_360], %swap3A_363 {strides = array<i32>} : memref<1x1024x24xi32, #tpu.memory_space<vmem>>, vector<1x1024x1xi32>,
    %eq3A_364 = vector.broadcast %broadcast_in_dim3A_354 : vector<1024x1xf32> to vector<1024x1024xf32>
    %eq3A_365 = arith.cmpf oeq, %convert_element_type3A, %eq3A_364 : vector<1024x1024xf32>
    %jit3A_366 = arith.constant 0x7F800000 : f32
    %broadcast_in_dim3A_367 = vector.broadcast %jit3A_366 : f32 to vector<1024x1024xf32>
    %select_n3A_368 = arith.select %eq3A_365, %broadcast_in_dim3A_367, %select_n3A_294 : vector<1024x1024xi1>, vector<1024x1024xf32>
    %slice3A_369 = vector.extract_strided_slice %select_n3A_368 {offsets = [0, 0], sizes = [1024, 128], strides = [1, 1]} : vector<1024x1024xf32> to vector<1024x128xf32>
    %broadcast_in_dim3A_370 = arith.constant 0.000000e+00 : f32
    %broadcast_in_dim3A_371 = vector.broadcast %broadcast_in_dim3A_370 : f32 to vector<1024x128xf32>
    %slice3A_372 = vector.extract_strided_slice %select_n3A_368 {offsets = [0, 128], sizes = [1024, 128], strides = [1, 1]} : vector<1024x1024xf32> to vector<1024x128xf32>
    %lt3A_373 = arith.cmpf olt, %slice3A_372, %slice3A_369 : vector<1024x128xf32>
    %jit3A_374 = arith.constant 1.000000e+00 : f32
    %broadcast_in_dim3A_375 = vector.broadcast %jit3A_374 : f32 to vector<1024x128xf32>
    %select_n3A_376 = arith.select %lt3A_373, %broadcast_in_dim3A_375, %broadcast_in_dim3A_371 : vector<1024x128xi1>, vector<1024x128xf32>
    %select_n3A_377 = arith.select %lt3A_373, %slice3A_372, %slice3A_369 : vector<1024x128xi1>, vector<1024x128xf32>
    %slice3A_378 = vector.extract_strided_slice %select_n3A_368 {offsets = [0, 256], sizes = [1024, 128], strides = [1, 1]} : vector<1024x1024xf32> to vector<1024x128xf32>
    %lt3A_379 = arith.cmpf olt, %slice3A_378, %select_n3A_377 : vector<1024x128xf32>
    %jit3A_380 = arith.constant 2.000000e+00 : f32
    %broadcast_in_dim3A_381 = vector.broadcast %jit3A_380 : f32 to vector<1024x128xf32>
    %select_n3A_382 = arith.select %lt3A_379, %broadcast_in_dim3A_381, %select_n3A_376 : vector<1024x128xi1>, vector<1024x128xf32>
    %select_n3A_383 = arith.select %lt3A_379, %slice3A_378, %select_n3A_377 : vector<1024x128xi1>, vector<1024x128xf32>
    %slice3A_384 = vector.extract_strided_slice %select_n3A_368 {offsets = [0, 384], sizes = [1024, 128], strides = [1, 1]} : vector<1024x1024xf32> to vector<1024x128xf32>
    %lt3A_385 = arith.cmpf olt, %slice3A_384, %select_n3A_383 : vector<1024x128xf32>
    %jit3A_386 = arith.constant 3.000000e+00 : f32
    %broadcast_in_dim3A_387 = vector.broadcast %jit3A_386 : f32 to vector<1024x128xf32>
    %select_n3A_388 = arith.select %lt3A_385, %broadcast_in_dim3A_387, %select_n3A_382 : vector<1024x128xi1>, vector<1024x128xf32>
    %select_n3A_389 = arith.select %lt3A_385, %slice3A_384, %select_n3A_383 : vector<1024x128xi1>, vector<1024x128xf32>
    %slice3A_390 = vector.extract_strided_slice %select_n3A_368 {offsets = [0, 512], sizes = [1024, 128], strides = [1, 1]} : vector<1024x1024xf32> to vector<1024x128xf32>
    %lt3A_391 = arith.cmpf olt, %slice3A_390, %select_n3A_389 : vector<1024x128xf32>
    %jit3A_392 = arith.constant 4.000000e+00 : f32
    %broadcast_in_dim3A_393 = vector.broadcast %jit3A_392 : f32 to vector<1024x128xf32>
    %select_n3A_394 = arith.select %lt3A_391, %broadcast_in_dim3A_393, %select_n3A_388 : vector<1024x128xi1>, vector<1024x128xf32>
    %select_n3A_395 = arith.select %lt3A_391, %slice3A_390, %select_n3A_389 : vector<1024x128xi1>, vector<1024x128xf32>
    %slice3A_396 = vector.extract_strided_slice %select_n3A_368 {offsets = [0, 640], sizes = [1024, 128], strides = [1, 1]} : vector<1024x1024xf32> to vector<1024x128xf32>
    %lt3A_397 = arith.cmpf olt, %slice3A_396, %select_n3A_395 : vector<1024x128xf32>
    %jit3A_398 = arith.constant 5.000000e+00 : f32
    %broadcast_in_dim3A_399 = vector.broadcast %jit3A_398 : f32 to vector<1024x128xf32>
    %select_n3A_400 = arith.select %lt3A_397, %broadcast_in_dim3A_399, %select_n3A_394 : vector<1024x128xi1>, vector<1024x128xf32>
    %select_n3A_401 = arith.select %lt3A_397, %slice3A_396, %select_n3A_395 : vector<1024x128xi1>, vector<1024x128xf32>
    %slice3A_402 = vector.extract_strided_slice %select_n3A_368 {offsets = [0, 768], sizes = [1024, 128], strides = [1, 1]} : vector<1024x1024xf32> to vector<1024x128xf32>
    %lt3A_403 = arith.cmpf olt, %slice3A_402, %select_n3A_401 : vector<1024x128xf32>
    %jit3A_404 = arith.constant 6.000000e+00 : f32
    %broadcast_in_dim3A_405 = vector.broadcast %jit3A_404 : f32 to vector<1024x128xf32>
    %select_n3A_406 = arith.select %lt3A_403, %broadcast_in_dim3A_405, %select_n3A_400 : vector<1024x128xi1>, vector<1024x128xf32>
    %select_n3A_407 = arith.select %lt3A_403, %slice3A_402, %select_n3A_401 : vector<1024x128xi1>, vector<1024x128xf32>
    %slice3A_408 = vector.extract_strided_slice %select_n3A_368 {offsets = [0, 896], sizes = [1024, 128], strides = [1, 1]} : vector<1024x1024xf32> to vector<1024x128xf32>
    %lt3A_409 = arith.cmpf olt, %slice3A_408, %select_n3A_407 : vector<1024x128xf32>
    %jit3A_410 = arith.constant 7.000000e+00 : f32
    %broadcast_in_dim3A_411 = vector.broadcast %jit3A_410 : f32 to vector<1024x128xf32>
    %select_n3A_412 = arith.select %lt3A_409, %broadcast_in_dim3A_411, %select_n3A_406 : vector<1024x128xi1>, vector<1024x128xf32>
    %select_n3A_413 = arith.select %lt3A_409, %slice3A_408, %select_n3A_407 : vector<1024x128xi1>, vector<1024x128xf32>
    %reduce_min3A_414 = arith.constant dense<0x7F800000> : vector<1024xf32>
    %reduce_min3A_415 = vector.multi_reduction <minimumf>, %select_n3A_413, %reduce_min3A_414 [1] : vector<1024x128xf32> to vector<1024xf32>
    %broadcast_in_dim3A_416 = vector.shape_cast %reduce_min3A_415 : vector<1024xf32> to vector<1024x1xf32>
    %eq3A_417 = vector.broadcast %broadcast_in_dim3A_416 : vector<1024x1xf32> to vector<1024x128xf32>
    %eq3A_418 = arith.cmpf oeq, %select_n3A_413, %eq3A_417 : vector<1024x128xf32>
    %mul3A_419 = arith.constant 1.280000e+02 : f32
    %mul3A_420 = vector.broadcast %mul3A_419 : f32 to vector<1024x128xf32>
    %mul3A_421 = arith.mulf %select_n3A_412, %mul3A_420 : vector<1024x128xf32>
    %add3A_422 = arith.addf %mul3A_421, %convert_element_type3A_147 : vector<1024x128xf32>
    %jit3A_423 = arith.constant 1.024000e+03 : f32
    %broadcast_in_dim3A_424 = vector.broadcast %jit3A_423 : f32 to vector<1024x128xf32>
    %select_n3A_425 = arith.select %eq3A_418, %add3A_422, %broadcast_in_dim3A_424 : vector<1024x128xi1>, vector<1024x128xf32>
    %reduce_min3A_426 = arith.constant dense<0x7F800000> : vector<1024xf32>
    %reduce_min3A_427 = vector.multi_reduction <minimumf>, %select_n3A_425, %reduce_min3A_426 [1] : vector<1024x128xf32> to vector<1024xf32>
    %broadcast_in_dim3A_428 = vector.shape_cast %reduce_min3A_427 : vector<1024xf32> to vector<1024x1xf32>
    %convert_element_type3A_429 = arith.fptosi %broadcast_in_dim3A_428 : vector<1024x1xf32> to vector<1024x1xi32>
    %add3A_430 = vector.broadcast %mul3A_131 : i32 to vector<1024x1xi32>
    %add3A_431 = arith.addi %convert_element_type3A_429, %add3A_430 : vector<1024x1xi32>
    %swap3A_432 = arith.constant 0 : index
    %swap3A_433 = arith.constant 0 : index
    %swap3A_434 = arith.constant 4 : index
    %swap3A_435 = vector.load %arg14[%swap3A_432, %swap3A_433, %swap3A_434] : memref<1x1024x24xi32, #tpu.memory_space<vmem>>, vector<1x1024x1xi32>
    %swap3A_436 = vector.shape_cast %swap3A_435 : vector<1x1024x1xi32> to vector<1024x1xi32>
    %swap3A_437 = vector.shape_cast %add3A_431 : vector<1024x1xi32> to vector<1x1024x1xi32>
    tpu.vector_store %arg14[%swap3A_432, %swap3A_433, %swap3A_434], %swap3A_437 {strides = array<i32>} : memref<1x1024x24xi32, #tpu.memory_space<vmem>>, vector<1x1024x1xi32>,
    %eq3A_438 = vector.broadcast %broadcast_in_dim3A_428 : vector<1024x1xf32> to vector<1024x1024xf32>
    %eq3A_439 = arith.cmpf oeq, %convert_element_type3A, %eq3A_438 : vector<1024x1024xf32>
    %jit3A_440 = arith.constant 0x7F800000 : f32
    %broadcast_in_dim3A_441 = vector.broadcast %jit3A_440 : f32 to vector<1024x1024xf32>
    %select_n3A_442 = arith.select %eq3A_439, %broadcast_in_dim3A_441, %select_n3A_368 : vector<1024x1024xi1>, vector<1024x1024xf32>
    %slice3A_443 = vector.extract_strided_slice %select_n3A_442 {offsets = [0, 0], sizes = [1024, 128], strides = [1, 1]} : vector<1024x1024xf32> to vector<1024x128xf32>
    %broadcast_in_dim3A_444 = arith.constant 0.000000e+00 : f32
    %broadcast_in_dim3A_445 = vector.broadcast %broadcast_in_dim3A_444 : f32 to vector<1024x128xf32>
    %slice3A_446 = vector.extract_strided_slice %select_n3A_442 {offsets = [0, 128], sizes = [1024, 128], strides = [1, 1]} : vector<1024x1024xf32> to vector<1024x128xf32>
    %lt3A_447 = arith.cmpf olt, %slice3A_446, %slice3A_443 : vector<1024x128xf32>
    %jit3A_448 = arith.constant 1.000000e+00 : f32
    %broadcast_in_dim3A_449 = vector.broadcast %jit3A_448 : f32 to vector<1024x128xf32>
    %select_n3A_450 = arith.select %lt3A_447, %broadcast_in_dim3A_449, %broadcast_in_dim3A_445 : vector<1024x128xi1>, vector<1024x128xf32>
    %select_n3A_451 = arith.select %lt3A_447, %slice3A_446, %slice3A_443 : vector<1024x128xi1>, vector<1024x128xf32>
    %slice3A_452 = vector.extract_strided_slice %select_n3A_442 {offsets = [0, 256], sizes = [1024, 128], strides = [1, 1]} : vector<1024x1024xf32> to vector<1024x128xf32>
    %lt3A_453 = arith.cmpf olt, %slice3A_452, %select_n3A_451 : vector<1024x128xf32>
    %jit3A_454 = arith.constant 2.000000e+00 : f32
    %broadcast_in_dim3A_455 = vector.broadcast %jit3A_454 : f32 to vector<1024x128xf32>
    %select_n3A_456 = arith.select %lt3A_453, %broadcast_in_dim3A_455, %select_n3A_450 : vector<1024x128xi1>, vector<1024x128xf32>
    %select_n3A_457 = arith.select %lt3A_453, %slice3A_452, %select_n3A_451 : vector<1024x128xi1>, vector<1024x128xf32>
    %slice3A_458 = vector.extract_strided_slice %select_n3A_442 {offsets = [0, 384], sizes = [1024, 128], strides = [1, 1]} : vector<1024x1024xf32> to vector<1024x128xf32>
    %lt3A_459 = arith.cmpf olt, %slice3A_458, %select_n3A_457 : vector<1024x128xf32>
    %jit3A_460 = arith.constant 3.000000e+00 : f32
    %broadcast_in_dim3A_461 = vector.broadcast %jit3A_460 : f32 to vector<1024x128xf32>
    %select_n3A_462 = arith.select %lt3A_459, %broadcast_in_dim3A_461, %select_n3A_456 : vector<1024x128xi1>, vector<1024x128xf32>
    %select_n3A_463 = arith.select %lt3A_459, %slice3A_458, %select_n3A_457 : vector<1024x128xi1>, vector<1024x128xf32>
    %slice3A_464 = vector.extract_strided_slice %select_n3A_442 {offsets = [0, 512], sizes = [1024, 128], strides = [1, 1]} : vector<1024x1024xf32> to vector<1024x128xf32>
    %lt3A_465 = arith.cmpf olt, %slice3A_464, %select_n3A_463 : vector<1024x128xf32>
    %jit3A_466 = arith.constant 4.000000e+00 : f32
    %broadcast_in_dim3A_467 = vector.broadcast %jit3A_466 : f32 to vector<1024x128xf32>
    %select_n3A_468 = arith.select %lt3A_465, %broadcast_in_dim3A_467, %select_n3A_462 : vector<1024x128xi1>, vector<1024x128xf32>
    %select_n3A_469 = arith.select %lt3A_465, %slice3A_464, %select_n3A_463 : vector<1024x128xi1>, vector<1024x128xf32>
    %slice3A_470 = vector.extract_strided_slice %select_n3A_442 {offsets = [0, 640], sizes = [1024, 128], strides = [1, 1]} : vector<1024x1024xf32> to vector<1024x128xf32>
    %lt3A_471 = arith.cmpf olt, %slice3A_470, %select_n3A_469 : vector<1024x128xf32>
    %jit3A_472 = arith.constant 5.000000e+00 : f32
    %broadcast_in_dim3A_473 = vector.broadcast %jit3A_472 : f32 to vector<1024x128xf32>
    %select_n3A_474 = arith.select %lt3A_471, %broadcast_in_dim3A_473, %select_n3A_468 : vector<1024x128xi1>, vector<1024x128xf32>
    %select_n3A_475 = arith.select %lt3A_471, %slice3A_470, %select_n3A_469 : vector<1024x128xi1>, vector<1024x128xf32>
    %slice3A_476 = vector.extract_strided_slice %select_n3A_442 {offsets = [0, 768], sizes = [1024, 128], strides = [1, 1]} : vector<1024x1024xf32> to vector<1024x128xf32>
    %lt3A_477 = arith.cmpf olt, %slice3A_476, %select_n3A_475 : vector<1024x128xf32>
    %jit3A_478 = arith.constant 6.000000e+00 : f32
    %broadcast_in_dim3A_479 = vector.broadcast %jit3A_478 : f32 to vector<1024x128xf32>
    %select_n3A_480 = arith.select %lt3A_477, %broadcast_in_dim3A_479, %select_n3A_474 : vector<1024x128xi1>, vector<1024x128xf32>
    %select_n3A_481 = arith.select %lt3A_477, %slice3A_476, %select_n3A_475 : vector<1024x128xi1>, vector<1024x128xf32>
    %slice3A_482 = vector.extract_strided_slice %select_n3A_442 {offsets = [0, 896], sizes = [1024, 128], strides = [1, 1]} : vector<1024x1024xf32> to vector<1024x128xf32>
    %lt3A_483 = arith.cmpf olt, %slice3A_482, %select_n3A_481 : vector<1024x128xf32>
    %jit3A_484 = arith.constant 7.000000e+00 : f32
    %broadcast_in_dim3A_485 = vector.broadcast %jit3A_484 : f32 to vector<1024x128xf32>
    %select_n3A_486 = arith.select %lt3A_483, %broadcast_in_dim3A_485, %select_n3A_480 : vector<1024x128xi1>, vector<1024x128xf32>
    %select_n3A_487 = arith.select %lt3A_483, %slice3A_482, %select_n3A_481 : vector<1024x128xi1>, vector<1024x128xf32>
    %reduce_min3A_488 = arith.constant dense<0x7F800000> : vector<1024xf32>
    %reduce_min3A_489 = vector.multi_reduction <minimumf>, %select_n3A_487, %reduce_min3A_488 [1] : vector<1024x128xf32> to vector<1024xf32>
    %broadcast_in_dim3A_490 = vector.shape_cast %reduce_min3A_489 : vector<1024xf32> to vector<1024x1xf32>
    %eq3A_491 = vector.broadcast %broadcast_in_dim3A_490 : vector<1024x1xf32> to vector<1024x128xf32>
    %eq3A_492 = arith.cmpf oeq, %select_n3A_487, %eq3A_491 : vector<1024x128xf32>
    %mul3A_493 = arith.constant 1.280000e+02 : f32
    %mul3A_494 = vector.broadcast %mul3A_493 : f32 to vector<1024x128xf32>
    %mul3A_495 = arith.mulf %select_n3A_486, %mul3A_494 : vector<1024x128xf32>
    %add3A_496 = arith.addf %mul3A_495, %convert_element_type3A_147 : vector<1024x128xf32>
    %jit3A_497 = arith.constant 1.024000e+03 : f32
    %broadcast_in_dim3A_498 = vector.broadcast %jit3A_497 : f32 to vector<1024x128xf32>
    %select_n3A_499 = arith.select %eq3A_492, %add3A_496, %broadcast_in_dim3A_498 : vector<1024x128xi1>, vector<1024x128xf32>
    %reduce_min3A_500 = arith.constant dense<0x7F800000> : vector<1024xf32>
    %reduce_min3A_501 = vector.multi_reduction <minimumf>, %select_n3A_499, %reduce_min3A_500 [1] : vector<1024x128xf32> to vector<1024xf32>
    %broadcast_in_dim3A_502 = vector.shape_cast %reduce_min3A_501 : vector<1024xf32> to vector<1024x1xf32>
    %convert_element_type3A_503 = arith.fptosi %broadcast_in_dim3A_502 : vector<1024x1xf32> to vector<1024x1xi32>
    %add3A_504 = vector.broadcast %mul3A_131 : i32 to vector<1024x1xi32>
    %add3A_505 = arith.addi %convert_element_type3A_503, %add3A_504 : vector<1024x1xi32>
    %swap3A_506 = arith.constant 0 : index
    %swap3A_507 = arith.constant 0 : index
    %swap3A_508 = arith.constant 5 : index
    %swap3A_509 = vector.load %arg14[%swap3A_506, %swap3A_507, %swap3A_508] : memref<1x1024x24xi32, #tpu.memory_space<vmem>>, vector<1x1024x1xi32>
    %swap3A_510 = vector.shape_cast %swap3A_509 : vector<1x1024x1xi32> to vector<1024x1xi32>
    %swap3A_511 = vector.shape_cast %add3A_505 : vector<1024x1xi32> to vector<1x1024x1xi32>
    tpu.vector_store %arg14[%swap3A_506, %swap3A_507, %swap3A_508], %swap3A_511 {strides = array<i32>} : memref<1x1024x24xi32, #tpu.memory_space<vmem>>, vector<1x1024x1xi32>,
    %eq3A_512 = vector.broadcast %broadcast_in_dim3A_502 : vector<1024x1xf32> to vector<1024x1024xf32>
    %eq3A_513 = arith.cmpf oeq, %convert_element_type3A, %eq3A_512 : vector<1024x1024xf32>
    %jit3A_514 = arith.constant 0x7F800000 : f32
    %broadcast_in_dim3A_515 = vector.broadcast %jit3A_514 : f32 to vector<1024x1024xf32>
    %select_n3A_516 = arith.select %eq3A_513, %broadcast_in_dim3A_515, %select_n3A_442 : vector<1024x1024xi1>, vector<1024x1024xf32>
    %slice3A_517 = vector.extract_strided_slice %select_n3A_516 {offsets = [0, 0], sizes = [1024, 128], strides = [1, 1]} : vector<1024x1024xf32> to vector<1024x128xf32>
    %broadcast_in_dim3A_518 = arith.constant 0.000000e+00 : f32
    %broadcast_in_dim3A_519 = vector.broadcast %broadcast_in_dim3A_518 : f32 to vector<1024x128xf32>
    %slice3A_520 = vector.extract_strided_slice %select_n3A_516 {offsets = [0, 128], sizes = [1024, 128], strides = [1, 1]} : vector<1024x1024xf32> to vector<1024x128xf32>
    %lt3A_521 = arith.cmpf olt, %slice3A_520, %slice3A_517 : vector<1024x128xf32>
    %jit3A_522 = arith.constant 1.000000e+00 : f32
    %broadcast_in_dim3A_523 = vector.broadcast %jit3A_522 : f32 to vector<1024x128xf32>
    %select_n3A_524 = arith.select %lt3A_521, %broadcast_in_dim3A_523, %broadcast_in_dim3A_519 : vector<1024x128xi1>, vector<1024x128xf32>
    %select_n3A_525 = arith.select %lt3A_521, %slice3A_520, %slice3A_517 : vector<1024x128xi1>, vector<1024x128xf32>
    %slice3A_526 = vector.extract_strided_slice %select_n3A_516 {offsets = [0, 256], sizes = [1024, 128], strides = [1, 1]} : vector<1024x1024xf32> to vector<1024x128xf32>
    %lt3A_527 = arith.cmpf olt, %slice3A_526, %select_n3A_525 : vector<1024x128xf32>
    %jit3A_528 = arith.constant 2.000000e+00 : f32
    %broadcast_in_dim3A_529 = vector.broadcast %jit3A_528 : f32 to vector<1024x128xf32>
    %select_n3A_530 = arith.select %lt3A_527, %broadcast_in_dim3A_529, %select_n3A_524 : vector<1024x128xi1>, vector<1024x128xf32>
    %select_n3A_531 = arith.select %lt3A_527, %slice3A_526, %select_n3A_525 : vector<1024x128xi1>, vector<1024x128xf32>
    %slice3A_532 = vector.extract_strided_slice %select_n3A_516 {offsets = [0, 384], sizes = [1024, 128], strides = [1, 1]} : vector<1024x1024xf32> to vector<1024x128xf32>
    %lt3A_533 = arith.cmpf olt, %slice3A_532, %select_n3A_531 : vector<1024x128xf32>
    %jit3A_534 = arith.constant 3.000000e+00 : f32
    %broadcast_in_dim3A_535 = vector.broadcast %jit3A_534 : f32 to vector<1024x128xf32>
    %select_n3A_536 = arith.select %lt3A_533, %broadcast_in_dim3A_535, %select_n3A_530 : vector<1024x128xi1>, vector<1024x128xf32>
    %select_n3A_537 = arith.select %lt3A_533, %slice3A_532, %select_n3A_531 : vector<1024x128xi1>, vector<1024x128xf32>
    %slice3A_538 = vector.extract_strided_slice %select_n3A_516 {offsets = [0, 512], sizes = [1024, 128], strides = [1, 1]} : vector<1024x1024xf32> to vector<1024x128xf32>
    %lt3A_539 = arith.cmpf olt, %slice3A_538, %select_n3A_537 : vector<1024x128xf32>
    %jit3A_540 = arith.constant 4.000000e+00 : f32
    %broadcast_in_dim3A_541 = vector.broadcast %jit3A_540 : f32 to vector<1024x128xf32>
    %select_n3A_542 = arith.select %lt3A_539, %broadcast_in_dim3A_541, %select_n3A_536 : vector<1024x128xi1>, vector<1024x128xf32>
    %select_n3A_543 = arith.select %lt3A_539, %slice3A_538, %select_n3A_537 : vector<1024x128xi1>, vector<1024x128xf32>
    %slice3A_544 = vector.extract_strided_slice %select_n3A_516 {offsets = [0, 640], sizes = [1024, 128], strides = [1, 1]} : vector<1024x1024xf32> to vector<1024x128xf32>
    %lt3A_545 = arith.cmpf olt, %slice3A_544, %select_n3A_543 : vector<1024x128xf32>
    %jit3A_546 = arith.constant 5.000000e+00 : f32
    %broadcast_in_dim3A_547 = vector.broadcast %jit3A_546 : f32 to vector<1024x128xf32>
    %select_n3A_548 = arith.select %lt3A_545, %broadcast_in_dim3A_547, %select_n3A_542 : vector<1024x128xi1>, vector<1024x128xf32>
    %select_n3A_549 = arith.select %lt3A_545, %slice3A_544, %select_n3A_543 : vector<1024x128xi1>, vector<1024x128xf32>
    %slice3A_550 = vector.extract_strided_slice %select_n3A_516 {offsets = [0, 768], sizes = [1024, 128], strides = [1, 1]} : vector<1024x1024xf32> to vector<1024x128xf32>
    %lt3A_551 = arith.cmpf olt, %slice3A_550, %select_n3A_549 : vector<1024x128xf32>
    %jit3A_552 = arith.constant 6.000000e+00 : f32
    %broadcast_in_dim3A_553 = vector.broadcast %jit3A_552 : f32 to vector<1024x128xf32>
    %select_n3A_554 = arith.select %lt3A_551, %broadcast_in_dim3A_553, %select_n3A_548 : vector<1024x128xi1>, vector<1024x128xf32>
    %select_n3A_555 = arith.select %lt3A_551, %slice3A_550, %select_n3A_549 : vector<1024x128xi1>, vector<1024x128xf32>
    %slice3A_556 = vector.extract_strided_slice %select_n3A_516 {offsets = [0, 896], sizes = [1024, 128], strides = [1, 1]} : vector<1024x1024xf32> to vector<1024x128xf32>
    %lt3A_557 = arith.cmpf olt, %slice3A_556, %select_n3A_555 : vector<1024x128xf32>
    %jit3A_558 = arith.constant 7.000000e+00 : f32
    %broadcast_in_dim3A_559 = vector.broadcast %jit3A_558 : f32 to vector<1024x128xf32>
    %select_n3A_560 = arith.select %lt3A_557, %broadcast_in_dim3A_559, %select_n3A_554 : vector<1024x128xi1>, vector<1024x128xf32>
    %select_n3A_561 = arith.select %lt3A_557, %slice3A_556, %select_n3A_555 : vector<1024x128xi1>, vector<1024x128xf32>
    %reduce_min3A_562 = arith.constant dense<0x7F800000> : vector<1024xf32>
    %reduce_min3A_563 = vector.multi_reduction <minimumf>, %select_n3A_561, %reduce_min3A_562 [1] : vector<1024x128xf32> to vector<1024xf32>
    %broadcast_in_dim3A_564 = vector.shape_cast %reduce_min3A_563 : vector<1024xf32> to vector<1024x1xf32>
    %eq3A_565 = vector.broadcast %broadcast_in_dim3A_564 : vector<1024x1xf32> to vector<1024x128xf32>
    %eq3A_566 = arith.cmpf oeq, %select_n3A_561, %eq3A_565 : vector<1024x128xf32>
    %mul3A_567 = arith.constant 1.280000e+02 : f32
    %mul3A_568 = vector.broadcast %mul3A_567 : f32 to vector<1024x128xf32>
    %mul3A_569 = arith.mulf %select_n3A_560, %mul3A_568 : vector<1024x128xf32>
    %add3A_570 = arith.addf %mul3A_569, %convert_element_type3A_147 : vector<1024x128xf32>
    %jit3A_571 = arith.constant 1.024000e+03 : f32
    %broadcast_in_dim3A_572 = vector.broadcast %jit3A_571 : f32 to vector<1024x128xf32>
    %select_n3A_573 = arith.select %eq3A_566, %add3A_570, %broadcast_in_dim3A_572 : vector<1024x128xi1>, vector<1024x128xf32>
    %reduce_min3A_574 = arith.constant dense<0x7F800000> : vector<1024xf32>
    %reduce_min3A_575 = vector.multi_reduction <minimumf>, %select_n3A_573, %reduce_min3A_574 [1] : vector<1024x128xf32> to vector<1024xf32>
    %broadcast_in_dim3A_576 = vector.shape_cast %reduce_min3A_575 : vector<1024xf32> to vector<1024x1xf32>
    %convert_element_type3A_577 = arith.fptosi %broadcast_in_dim3A_576 : vector<1024x1xf32> to vector<1024x1xi32>
    %add3A_578 = vector.broadcast %mul3A_131 : i32 to vector<1024x1xi32>
    %add3A_579 = arith.addi %convert_element_type3A_577, %add3A_578 : vector<1024x1xi32>
    %swap3A_580 = arith.constant 0 : index
    %swap3A_581 = arith.constant 0 : index
    %swap3A_582 = arith.constant 6 : index
    %swap3A_583 = vector.load %arg14[%swap3A_580, %swap3A_581, %swap3A_582] : memref<1x1024x24xi32, #tpu.memory_space<vmem>>, vector<1x1024x1xi32>
    %swap3A_584 = vector.shape_cast %swap3A_583 : vector<1x1024x1xi32> to vector<1024x1xi32>
    %swap3A_585 = vector.shape_cast %add3A_579 : vector<1024x1xi32> to vector<1x1024x1xi32>
    tpu.vector_store %arg14[%swap3A_580, %swap3A_581, %swap3A_582], %swap3A_585 {strides = array<i32>} : memref<1x1024x24xi32, #tpu.memory_space<vmem>>, vector<1x1024x1xi32>,
    %eq3A_586 = vector.broadcast %broadcast_in_dim3A_576 : vector<1024x1xf32> to vector<1024x1024xf32>
    %eq3A_587 = arith.cmpf oeq, %convert_element_type3A, %eq3A_586 : vector<1024x1024xf32>
    %jit3A_588 = arith.constant 0x7F800000 : f32
    %broadcast_in_dim3A_589 = vector.broadcast %jit3A_588 : f32 to vector<1024x1024xf32>
    %select_n3A_590 = arith.select %eq3A_587, %broadcast_in_dim3A_589, %select_n3A_516 : vector<1024x1024xi1>, vector<1024x1024xf32>
    %slice3A_591 = vector.extract_strided_slice %select_n3A_590 {offsets = [0, 0], sizes = [1024, 128], strides = [1, 1]} : vector<1024x1024xf32> to vector<1024x128xf32>
    %broadcast_in_dim3A_592 = arith.constant 0.000000e+00 : f32
    %broadcast_in_dim3A_593 = vector.broadcast %broadcast_in_dim3A_592 : f32 to vector<1024x128xf32>
    %slice3A_594 = vector.extract_strided_slice %select_n3A_590 {offsets = [0, 128], sizes = [1024, 128], strides = [1, 1]} : vector<1024x1024xf32> to vector<1024x128xf32>
    %lt3A_595 = arith.cmpf olt, %slice3A_594, %slice3A_591 : vector<1024x128xf32>
    %jit3A_596 = arith.constant 1.000000e+00 : f32
    %broadcast_in_dim3A_597 = vector.broadcast %jit3A_596 : f32 to vector<1024x128xf32>
    %select_n3A_598 = arith.select %lt3A_595, %broadcast_in_dim3A_597, %broadcast_in_dim3A_593 : vector<1024x128xi1>, vector<1024x128xf32>
    %select_n3A_599 = arith.select %lt3A_595, %slice3A_594, %slice3A_591 : vector<1024x128xi1>, vector<1024x128xf32>
    %slice3A_600 = vector.extract_strided_slice %select_n3A_590 {offsets = [0, 256], sizes = [1024, 128], strides = [1, 1]} : vector<1024x1024xf32> to vector<1024x128xf32>
    %lt3A_601 = arith.cmpf olt, %slice3A_600, %select_n3A_599 : vector<1024x128xf32>
    %jit3A_602 = arith.constant 2.000000e+00 : f32
    %broadcast_in_dim3A_603 = vector.broadcast %jit3A_602 : f32 to vector<1024x128xf32>
    %select_n3A_604 = arith.select %lt3A_601, %broadcast_in_dim3A_603, %select_n3A_598 : vector<1024x128xi1>, vector<1024x128xf32>
    %select_n3A_605 = arith.select %lt3A_601, %slice3A_600, %select_n3A_599 : vector<1024x128xi1>, vector<1024x128xf32>
    %slice3A_606 = vector.extract_strided_slice %select_n3A_590 {offsets = [0, 384], sizes = [1024, 128], strides = [1, 1]} : vector<1024x1024xf32> to vector<1024x128xf32>
    %lt3A_607 = arith.cmpf olt, %slice3A_606, %select_n3A_605 : vector<1024x128xf32>
    %jit3A_608 = arith.constant 3.000000e+00 : f32
    %broadcast_in_dim3A_609 = vector.broadcast %jit3A_608 : f32 to vector<1024x128xf32>
    %select_n3A_610 = arith.select %lt3A_607, %broadcast_in_dim3A_609, %select_n3A_604 : vector<1024x128xi1>, vector<1024x128xf32>
    %select_n3A_611 = arith.select %lt3A_607, %slice3A_606, %select_n3A_605 : vector<1024x128xi1>, vector<1024x128xf32>
    %slice3A_612 = vector.extract_strided_slice %select_n3A_590 {offsets = [0, 512], sizes = [1024, 128], strides = [1, 1]} : vector<1024x1024xf32> to vector<1024x128xf32>
    %lt3A_613 = arith.cmpf olt, %slice3A_612, %select_n3A_611 : vector<1024x128xf32>
    %jit3A_614 = arith.constant 4.000000e+00 : f32
    %broadcast_in_dim3A_615 = vector.broadcast %jit3A_614 : f32 to vector<1024x128xf32>
    %select_n3A_616 = arith.select %lt3A_613, %broadcast_in_dim3A_615, %select_n3A_610 : vector<1024x128xi1>, vector<1024x128xf32>
    %select_n3A_617 = arith.select %lt3A_613, %slice3A_612, %select_n3A_611 : vector<1024x128xi1>, vector<1024x128xf32>
    %slice3A_618 = vector.extract_strided_slice %select_n3A_590 {offsets = [0, 640], sizes = [1024, 128], strides = [1, 1]} : vector<1024x1024xf32> to vector<1024x128xf32>
    %lt3A_619 = arith.cmpf olt, %slice3A_618, %select_n3A_617 : vector<1024x128xf32>
    %jit3A_620 = arith.constant 5.000000e+00 : f32
    %broadcast_in_dim3A_621 = vector.broadcast %jit3A_620 : f32 to vector<1024x128xf32>
    %select_n3A_622 = arith.select %lt3A_619, %broadcast_in_dim3A_621, %select_n3A_616 : vector<1024x128xi1>, vector<1024x128xf32>
    %select_n3A_623 = arith.select %lt3A_619, %slice3A_618, %select_n3A_617 : vector<1024x128xi1>, vector<1024x128xf32>
    %slice3A_624 = vector.extract_strided_slice %select_n3A_590 {offsets = [0, 768], sizes = [1024, 128], strides = [1, 1]} : vector<1024x1024xf32> to vector<1024x128xf32>
    %lt3A_625 = arith.cmpf olt, %slice3A_624, %select_n3A_623 : vector<1024x128xf32>
    %jit3A_626 = arith.constant 6.000000e+00 : f32
    %broadcast_in_dim3A_627 = vector.broadcast %jit3A_626 : f32 to vector<1024x128xf32>
    %select_n3A_628 = arith.select %lt3A_625, %broadcast_in_dim3A_627, %select_n3A_622 : vector<1024x128xi1>, vector<1024x128xf32>
    %select_n3A_629 = arith.select %lt3A_625, %slice3A_624, %select_n3A_623 : vector<1024x128xi1>, vector<1024x128xf32>
    %slice3A_630 = vector.extract_strided_slice %select_n3A_590 {offsets = [0, 896], sizes = [1024, 128], strides = [1, 1]} : vector<1024x1024xf32> to vector<1024x128xf32>
    %lt3A_631 = arith.cmpf olt, %slice3A_630, %select_n3A_629 : vector<1024x128xf32>
    %jit3A_632 = arith.constant 7.000000e+00 : f32
    %broadcast_in_dim3A_633 = vector.broadcast %jit3A_632 : f32 to vector<1024x128xf32>
    %select_n3A_634 = arith.select %lt3A_631, %broadcast_in_dim3A_633, %select_n3A_628 : vector<1024x128xi1>, vector<1024x128xf32>
    %select_n3A_635 = arith.select %lt3A_631, %slice3A_630, %select_n3A_629 : vector<1024x128xi1>, vector<1024x128xf32>
    %reduce_min3A_636 = arith.constant dense<0x7F800000> : vector<1024xf32>
    %reduce_min3A_637 = vector.multi_reduction <minimumf>, %select_n3A_635, %reduce_min3A_636 [1] : vector<1024x128xf32> to vector<1024xf32>
    %broadcast_in_dim3A_638 = vector.shape_cast %reduce_min3A_637 : vector<1024xf32> to vector<1024x1xf32>
    %eq3A_639 = vector.broadcast %broadcast_in_dim3A_638 : vector<1024x1xf32> to vector<1024x128xf32>
    %eq3A_640 = arith.cmpf oeq, %select_n3A_635, %eq3A_639 : vector<1024x128xf32>
    %mul3A_641 = arith.constant 1.280000e+02 : f32
    %mul3A_642 = vector.broadcast %mul3A_641 : f32 to vector<1024x128xf32>
    %mul3A_643 = arith.mulf %select_n3A_634, %mul3A_642 : vector<1024x128xf32>
    %add3A_644 = arith.addf %mul3A_643, %convert_element_type3A_147 : vector<1024x128xf32>
    %jit3A_645 = arith.constant 1.024000e+03 : f32
    %broadcast_in_dim3A_646 = vector.broadcast %jit3A_645 : f32 to vector<1024x128xf32>
    %select_n3A_647 = arith.select %eq3A_640, %add3A_644, %broadcast_in_dim3A_646 : vector<1024x128xi1>, vector<1024x128xf32>
    %reduce_min3A_648 = arith.constant dense<0x7F800000> : vector<1024xf32>
    %reduce_min3A_649 = vector.multi_reduction <minimumf>, %select_n3A_647, %reduce_min3A_648 [1] : vector<1024x128xf32> to vector<1024xf32>
    %broadcast_in_dim3A_650 = vector.shape_cast %reduce_min3A_649 : vector<1024xf32> to vector<1024x1xf32>
    %convert_element_type3A_651 = arith.fptosi %broadcast_in_dim3A_650 : vector<1024x1xf32> to vector<1024x1xi32>
    %add3A_652 = vector.broadcast %mul3A_131 : i32 to vector<1024x1xi32>
    %add3A_653 = arith.addi %convert_element_type3A_651, %add3A_652 : vector<1024x1xi32>
    %swap3A_654 = arith.constant 0 : index
    %swap3A_655 = arith.constant 0 : index
    %swap3A_656 = arith.constant 7 : index
    %swap3A_657 = vector.load %arg14[%swap3A_654, %swap3A_655, %swap3A_656] : memref<1x1024x24xi32, #tpu.memory_space<vmem>>, vector<1x1024x1xi32>
    %swap3A_658 = vector.shape_cast %swap3A_657 : vector<1x1024x1xi32> to vector<1024x1xi32>
    %swap3A_659 = vector.shape_cast %add3A_653 : vector<1024x1xi32> to vector<1x1024x1xi32>
    tpu.vector_store %arg14[%swap3A_654, %swap3A_655, %swap3A_656], %swap3A_659 {strides = array<i32>} : memref<1x1024x24xi32, #tpu.memory_space<vmem>>, vector<1x1024x1xi32>,
    %eq3A_660 = vector.broadcast %broadcast_in_dim3A_650 : vector<1024x1xf32> to vector<1024x1024xf32>
    %eq3A_661 = arith.cmpf oeq, %convert_element_type3A, %eq3A_660 : vector<1024x1024xf32>
    %jit3A_662 = arith.constant 0x7F800000 : f32
    %broadcast_in_dim3A_663 = vector.broadcast %jit3A_662 : f32 to vector<1024x1024xf32>
    %select_n3A_664 = arith.select %eq3A_661, %broadcast_in_dim3A_663, %select_n3A_590 : vector<1024x1024xi1>, vector<1024x1024xf32>
    %slice3A_665 = vector.extract_strided_slice %select_n3A_664 {offsets = [0, 0], sizes = [1024, 128], strides = [1, 1]} : vector<1024x1024xf32> to vector<1024x128xf32>
    %broadcast_in_dim3A_666 = arith.constant 0.000000e+00 : f32
    %broadcast_in_dim3A_667 = vector.broadcast %broadcast_in_dim3A_666 : f32 to vector<1024x128xf32>
    %slice3A_668 = vector.extract_strided_slice %select_n3A_664 {offsets = [0, 128], sizes = [1024, 128], strides = [1, 1]} : vector<1024x1024xf32> to vector<1024x128xf32>
    %lt3A_669 = arith.cmpf olt, %slice3A_668, %slice3A_665 : vector<1024x128xf32>
    %jit3A_670 = arith.constant 1.000000e+00 : f32
    %broadcast_in_dim3A_671 = vector.broadcast %jit3A_670 : f32 to vector<1024x128xf32>
    %select_n3A_672 = arith.select %lt3A_669, %broadcast_in_dim3A_671, %broadcast_in_dim3A_667 : vector<1024x128xi1>, vector<1024x128xf32>
    %select_n3A_673 = arith.select %lt3A_669, %slice3A_668, %slice3A_665 : vector<1024x128xi1>, vector<1024x128xf32>
    %slice3A_674 = vector.extract_strided_slice %select_n3A_664 {offsets = [0, 256], sizes = [1024, 128], strides = [1, 1]} : vector<1024x1024xf32> to vector<1024x128xf32>
    %lt3A_675 = arith.cmpf olt, %slice3A_674, %select_n3A_673 : vector<1024x128xf32>
    %jit3A_676 = arith.constant 2.000000e+00 : f32
    %broadcast_in_dim3A_677 = vector.broadcast %jit3A_676 : f32 to vector<1024x128xf32>
    %select_n3A_678 = arith.select %lt3A_675, %broadcast_in_dim3A_677, %select_n3A_672 : vector<1024x128xi1>, vector<1024x128xf32>
    %select_n3A_679 = arith.select %lt3A_675, %slice3A_674, %select_n3A_673 : vector<1024x128xi1>, vector<1024x128xf32>
    %slice3A_680 = vector.extract_strided_slice %select_n3A_664 {offsets = [0, 384], sizes = [1024, 128], strides = [1, 1]} : vector<1024x1024xf32> to vector<1024x128xf32>
    %lt3A_681 = arith.cmpf olt, %slice3A_680, %select_n3A_679 : vector<1024x128xf32>
    %jit3A_682 = arith.constant 3.000000e+00 : f32
    %broadcast_in_dim3A_683 = vector.broadcast %jit3A_682 : f32 to vector<1024x128xf32>
    %select_n3A_684 = arith.select %lt3A_681, %broadcast_in_dim3A_683, %select_n3A_678 : vector<1024x128xi1>, vector<1024x128xf32>
    %select_n3A_685 = arith.select %lt3A_681, %slice3A_680, %select_n3A_679 : vector<1024x128xi1>, vector<1024x128xf32>
    %slice3A_686 = vector.extract_strided_slice %select_n3A_664 {offsets = [0, 512], sizes = [1024, 128], strides = [1, 1]} : vector<1024x1024xf32> to vector<1024x128xf32>
    %lt3A_687 = arith.cmpf olt, %slice3A_686, %select_n3A_685 : vector<1024x128xf32>
    %jit3A_688 = arith.constant 4.000000e+00 : f32
    %broadcast_in_dim3A_689 = vector.broadcast %jit3A_688 : f32 to vector<1024x128xf32>
    %select_n3A_690 = arith.select %lt3A_687, %broadcast_in_dim3A_689, %select_n3A_684 : vector<1024x128xi1>, vector<1024x128xf32>
    %select_n3A_691 = arith.select %lt3A_687, %slice3A_686, %select_n3A_685 : vector<1024x128xi1>, vector<1024x128xf32>
    %slice3A_692 = vector.extract_strided_slice %select_n3A_664 {offsets = [0, 640], sizes = [1024, 128], strides = [1, 1]} : vector<1024x1024xf32> to vector<1024x128xf32>
    %lt3A_693 = arith.cmpf olt, %slice3A_692, %select_n3A_691 : vector<1024x128xf32>
    %jit3A_694 = arith.constant 5.000000e+00 : f32
    %broadcast_in_dim3A_695 = vector.broadcast %jit3A_694 : f32 to vector<1024x128xf32>
    %select_n3A_696 = arith.select %lt3A_693, %broadcast_in_dim3A_695, %select_n3A_690 : vector<1024x128xi1>, vector<1024x128xf32>
    %select_n3A_697 = arith.select %lt3A_693, %slice3A_692, %select_n3A_691 : vector<1024x128xi1>, vector<1024x128xf32>
    %slice3A_698 = vector.extract_strided_slice %select_n3A_664 {offsets = [0, 768], sizes = [1024, 128], strides = [1, 1]} : vector<1024x1024xf32> to vector<1024x128xf32>
    %lt3A_699 = arith.cmpf olt, %slice3A_698, %select_n3A_697 : vector<1024x128xf32>
    %jit3A_700 = arith.constant 6.000000e+00 : f32
    %broadcast_in_dim3A_701 = vector.broadcast %jit3A_700 : f32 to vector<1024x128xf32>
    %select_n3A_702 = arith.select %lt3A_699, %broadcast_in_dim3A_701, %select_n3A_696 : vector<1024x128xi1>, vector<1024x128xf32>
    %select_n3A_703 = arith.select %lt3A_699, %slice3A_698, %select_n3A_697 : vector<1024x128xi1>, vector<1024x128xf32>
    %slice3A_704 = vector.extract_strided_slice %select_n3A_664 {offsets = [0, 896], sizes = [1024, 128], strides = [1, 1]} : vector<1024x1024xf32> to vector<1024x128xf32>
    %lt3A_705 = arith.cmpf olt, %slice3A_704, %select_n3A_703 : vector<1024x128xf32>
    %jit3A_706 = arith.constant 7.000000e+00 : f32
    %broadcast_in_dim3A_707 = vector.broadcast %jit3A_706 : f32 to vector<1024x128xf32>
    %select_n3A_708 = arith.select %lt3A_705, %broadcast_in_dim3A_707, %select_n3A_702 : vector<1024x128xi1>, vector<1024x128xf32>
    %select_n3A_709 = arith.select %lt3A_705, %slice3A_704, %select_n3A_703 : vector<1024x128xi1>, vector<1024x128xf32>
    %reduce_min3A_710 = arith.constant dense<0x7F800000> : vector<1024xf32>
    %reduce_min3A_711 = vector.multi_reduction <minimumf>, %select_n3A_709, %reduce_min3A_710 [1] : vector<1024x128xf32> to vector<1024xf32>
    %broadcast_in_dim3A_712 = vector.shape_cast %reduce_min3A_711 : vector<1024xf32> to vector<1024x1xf32>
    %eq3A_713 = vector.broadcast %broadcast_in_dim3A_712 : vector<1024x1xf32> to vector<1024x128xf32>
    %eq3A_714 = arith.cmpf oeq, %select_n3A_709, %eq3A_713 : vector<1024x128xf32>
    %mul3A_715 = arith.constant 1.280000e+02 : f32
    %mul3A_716 = vector.broadcast %mul3A_715 : f32 to vector<1024x128xf32>
    %mul3A_717 = arith.mulf %select_n3A_708, %mul3A_716 : vector<1024x128xf32>
    %add3A_718 = arith.addf %mul3A_717, %convert_element_type3A_147 : vector<1024x128xf32>
    %jit3A_719 = arith.constant 1.024000e+03 : f32
    %broadcast_in_dim3A_720 = vector.broadcast %jit3A_719 : f32 to vector<1024x128xf32>
    %select_n3A_721 = arith.select %eq3A_714, %add3A_718, %broadcast_in_dim3A_720 : vector<1024x128xi1>, vector<1024x128xf32>
    %reduce_min3A_722 = arith.constant dense<0x7F800000> : vector<1024xf32>
    %reduce_min3A_723 = vector.multi_reduction <minimumf>, %select_n3A_721, %reduce_min3A_722 [1] : vector<1024x128xf32> to vector<1024xf32>
    %broadcast_in_dim3A_724 = vector.shape_cast %reduce_min3A_723 : vector<1024xf32> to vector<1024x1xf32>
    %convert_element_type3A_725 = arith.fptosi %broadcast_in_dim3A_724 : vector<1024x1xf32> to vector<1024x1xi32>
    %add3A_726 = vector.broadcast %mul3A_131 : i32 to vector<1024x1xi32>
    %add3A_727 = arith.addi %convert_element_type3A_725, %add3A_726 : vector<1024x1xi32>
    %swap3A_728 = arith.constant 0 : index
    %swap3A_729 = arith.constant 0 : index
    %swap3A_730 = arith.constant 8 : index
    %swap3A_731 = vector.load %arg14[%swap3A_728, %swap3A_729, %swap3A_730] : memref<1x1024x24xi32, #tpu.memory_space<vmem>>, vector<1x1024x1xi32>
    %swap3A_732 = vector.shape_cast %swap3A_731 : vector<1x1024x1xi32> to vector<1024x1xi32>
    %swap3A_733 = vector.shape_cast %add3A_727 : vector<1024x1xi32> to vector<1x1024x1xi32>
    tpu.vector_store %arg14[%swap3A_728, %swap3A_729, %swap3A_730], %swap3A_733 {strides = array<i32>} : memref<1x1024x24xi32, #tpu.memory_space<vmem>>, vector<1x1024x1xi32>,
    %eq3A_734 = vector.broadcast %broadcast_in_dim3A_724 : vector<1024x1xf32> to vector<1024x1024xf32>
    %eq3A_735 = arith.cmpf oeq, %convert_element_type3A, %eq3A_734 : vector<1024x1024xf32>
    %jit3A_736 = arith.constant 0x7F800000 : f32
    %broadcast_in_dim3A_737 = vector.broadcast %jit3A_736 : f32 to vector<1024x1024xf32>
    %select_n3A_738 = arith.select %eq3A_735, %broadcast_in_dim3A_737, %select_n3A_664 : vector<1024x1024xi1>, vector<1024x1024xf32>
    %slice3A_739 = vector.extract_strided_slice %select_n3A_738 {offsets = [0, 0], sizes = [1024, 128], strides = [1, 1]} : vector<1024x1024xf32> to vector<1024x128xf32>
    %broadcast_in_dim3A_740 = arith.constant 0.000000e+00 : f32
    %broadcast_in_dim3A_741 = vector.broadcast %broadcast_in_dim3A_740 : f32 to vector<1024x128xf32>
    %slice3A_742 = vector.extract_strided_slice %select_n3A_738 {offsets = [0, 128], sizes = [1024, 128], strides = [1, 1]} : vector<1024x1024xf32> to vector<1024x128xf32>
    %lt3A_743 = arith.cmpf olt, %slice3A_742, %slice3A_739 : vector<1024x128xf32>
    %jit3A_744 = arith.constant 1.000000e+00 : f32
    %broadcast_in_dim3A_745 = vector.broadcast %jit3A_744 : f32 to vector<1024x128xf32>
    %select_n3A_746 = arith.select %lt3A_743, %broadcast_in_dim3A_745, %broadcast_in_dim3A_741 : vector<1024x128xi1>, vector<1024x128xf32>
    %select_n3A_747 = arith.select %lt3A_743, %slice3A_742, %slice3A_739 : vector<1024x128xi1>, vector<1024x128xf32>
    %slice3A_748 = vector.extract_strided_slice %select_n3A_738 {offsets = [0, 256], sizes = [1024, 128], strides = [1, 1]} : vector<1024x1024xf32> to vector<1024x128xf32>
    %lt3A_749 = arith.cmpf olt, %slice3A_748, %select_n3A_747 : vector<1024x128xf32>
    %jit3A_750 = arith.constant 2.000000e+00 : f32
    %broadcast_in_dim3A_751 = vector.broadcast %jit3A_750 : f32 to vector<1024x128xf32>
    %select_n3A_752 = arith.select %lt3A_749, %broadcast_in_dim3A_751, %select_n3A_746 : vector<1024x128xi1>, vector<1024x128xf32>
    %select_n3A_753 = arith.select %lt3A_749, %slice3A_748, %select_n3A_747 : vector<1024x128xi1>, vector<1024x128xf32>
    %slice3A_754 = vector.extract_strided_slice %select_n3A_738 {offsets = [0, 384], sizes = [1024, 128], strides = [1, 1]} : vector<1024x1024xf32> to vector<1024x128xf32>
    %lt3A_755 = arith.cmpf olt, %slice3A_754, %select_n3A_753 : vector<1024x128xf32>
    %jit3A_756 = arith.constant 3.000000e+00 : f32
    %broadcast_in_dim3A_757 = vector.broadcast %jit3A_756 : f32 to vector<1024x128xf32>
    %select_n3A_758 = arith.select %lt3A_755, %broadcast_in_dim3A_757, %select_n3A_752 : vector<1024x128xi1>, vector<1024x128xf32>
    %select_n3A_759 = arith.select %lt3A_755, %slice3A_754, %select_n3A_753 : vector<1024x128xi1>, vector<1024x128xf32>
    %slice3A_760 = vector.extract_strided_slice %select_n3A_738 {offsets = [0, 512], sizes = [1024, 128], strides = [1, 1]} : vector<1024x1024xf32> to vector<1024x128xf32>
    %lt3A_761 = arith.cmpf olt, %slice3A_760, %select_n3A_759 : vector<1024x128xf32>
    %jit3A_762 = arith.constant 4.000000e+00 : f32
    %broadcast_in_dim3A_763 = vector.broadcast %jit3A_762 : f32 to vector<1024x128xf32>
    %select_n3A_764 = arith.select %lt3A_761, %broadcast_in_dim3A_763, %select_n3A_758 : vector<1024x128xi1>, vector<1024x128xf32>
    %select_n3A_765 = arith.select %lt3A_761, %slice3A_760, %select_n3A_759 : vector<1024x128xi1>, vector<1024x128xf32>
    %slice3A_766 = vector.extract_strided_slice %select_n3A_738 {offsets = [0, 640], sizes = [1024, 128], strides = [1, 1]} : vector<1024x1024xf32> to vector<1024x128xf32>
    %lt3A_767 = arith.cmpf olt, %slice3A_766, %select_n3A_765 : vector<1024x128xf32>
    %jit3A_768 = arith.constant 5.000000e+00 : f32
    %broadcast_in_dim3A_769 = vector.broadcast %jit3A_768 : f32 to vector<1024x128xf32>
    %select_n3A_770 = arith.select %lt3A_767, %broadcast_in_dim3A_769, %select_n3A_764 : vector<1024x128xi1>, vector<1024x128xf32>
    %select_n3A_771 = arith.select %lt3A_767, %slice3A_766, %select_n3A_765 : vector<1024x128xi1>, vector<1024x128xf32>
    %slice3A_772 = vector.extract_strided_slice %select_n3A_738 {offsets = [0, 768], sizes = [1024, 128], strides = [1, 1]} : vector<1024x1024xf32> to vector<1024x128xf32>
    %lt3A_773 = arith.cmpf olt, %slice3A_772, %select_n3A_771 : vector<1024x128xf32>
    %jit3A_774 = arith.constant 6.000000e+00 : f32
    %broadcast_in_dim3A_775 = vector.broadcast %jit3A_774 : f32 to vector<1024x128xf32>
    %select_n3A_776 = arith.select %lt3A_773, %broadcast_in_dim3A_775, %select_n3A_770 : vector<1024x128xi1>, vector<1024x128xf32>
    %select_n3A_777 = arith.select %lt3A_773, %slice3A_772, %select_n3A_771 : vector<1024x128xi1>, vector<1024x128xf32>
    %slice3A_778 = vector.extract_strided_slice %select_n3A_738 {offsets = [0, 896], sizes = [1024, 128], strides = [1, 1]} : vector<1024x1024xf32> to vector<1024x128xf32>
    %lt3A_779 = arith.cmpf olt, %slice3A_778, %select_n3A_777 : vector<1024x128xf32>
    %jit3A_780 = arith.constant 7.000000e+00 : f32
    %broadcast_in_dim3A_781 = vector.broadcast %jit3A_780 : f32 to vector<1024x128xf32>
    %select_n3A_782 = arith.select %lt3A_779, %broadcast_in_dim3A_781, %select_n3A_776 : vector<1024x128xi1>, vector<1024x128xf32>
    %select_n3A_783 = arith.select %lt3A_779, %slice3A_778, %select_n3A_777 : vector<1024x128xi1>, vector<1024x128xf32>
    %reduce_min3A_784 = arith.constant dense<0x7F800000> : vector<1024xf32>
    %reduce_min3A_785 = vector.multi_reduction <minimumf>, %select_n3A_783, %reduce_min3A_784 [1] : vector<1024x128xf32> to vector<1024xf32>
    %broadcast_in_dim3A_786 = vector.shape_cast %reduce_min3A_785 : vector<1024xf32> to vector<1024x1xf32>
    %eq3A_787 = vector.broadcast %broadcast_in_dim3A_786 : vector<1024x1xf32> to vector<1024x128xf32>
    %eq3A_788 = arith.cmpf oeq, %select_n3A_783, %eq3A_787 : vector<1024x128xf32>
    %mul3A_789 = arith.constant 1.280000e+02 : f32
    %mul3A_790 = vector.broadcast %mul3A_789 : f32 to vector<1024x128xf32>
    %mul3A_791 = arith.mulf %select_n3A_782, %mul3A_790 : vector<1024x128xf32>
    %add3A_792 = arith.addf %mul3A_791, %convert_element_type3A_147 : vector<1024x128xf32>
    %jit3A_793 = arith.constant 1.024000e+03 : f32
    %broadcast_in_dim3A_794 = vector.broadcast %jit3A_793 : f32 to vector<1024x128xf32>
    %select_n3A_795 = arith.select %eq3A_788, %add3A_792, %broadcast_in_dim3A_794 : vector<1024x128xi1>, vector<1024x128xf32>
    %reduce_min3A_796 = arith.constant dense<0x7F800000> : vector<1024xf32>
    %reduce_min3A_797 = vector.multi_reduction <minimumf>, %select_n3A_795, %reduce_min3A_796 [1] : vector<1024x128xf32> to vector<1024xf32>
    %broadcast_in_dim3A_798 = vector.shape_cast %reduce_min3A_797 : vector<1024xf32> to vector<1024x1xf32>
    %convert_element_type3A_799 = arith.fptosi %broadcast_in_dim3A_798 : vector<1024x1xf32> to vector<1024x1xi32>
    %add3A_800 = vector.broadcast %mul3A_131 : i32 to vector<1024x1xi32>
    %add3A_801 = arith.addi %convert_element_type3A_799, %add3A_800 : vector<1024x1xi32>
    %swap3A_802 = arith.constant 0 : index
    %swap3A_803 = arith.constant 0 : index
    %swap3A_804 = arith.constant 9 : index
    %swap3A_805 = vector.load %arg14[%swap3A_802, %swap3A_803, %swap3A_804] : memref<1x1024x24xi32, #tpu.memory_space<vmem>>, vector<1x1024x1xi32>
    %swap3A_806 = vector.shape_cast %swap3A_805 : vector<1x1024x1xi32> to vector<1024x1xi32>
    %swap3A_807 = vector.shape_cast %add3A_801 : vector<1024x1xi32> to vector<1x1024x1xi32>
    tpu.vector_store %arg14[%swap3A_802, %swap3A_803, %swap3A_804], %swap3A_807 {strides = array<i32>} : memref<1x1024x24xi32, #tpu.memory_space<vmem>>, vector<1x1024x1xi32>,
    %eq3A_808 = vector.broadcast %broadcast_in_dim3A_798 : vector<1024x1xf32> to vector<1024x1024xf32>
    %eq3A_809 = arith.cmpf oeq, %convert_element_type3A, %eq3A_808 : vector<1024x1024xf32>
    %jit3A_810 = arith.constant 0x7F800000 : f32
    %broadcast_in_dim3A_811 = vector.broadcast %jit3A_810 : f32 to vector<1024x1024xf32>
    %select_n3A_812 = arith.select %eq3A_809, %broadcast_in_dim3A_811, %select_n3A_738 : vector<1024x1024xi1>, vector<1024x1024xf32>
    %slice3A_813 = vector.extract_strided_slice %select_n3A_812 {offsets = [0, 0], sizes = [1024, 128], strides = [1, 1]} : vector<1024x1024xf32> to vector<1024x128xf32>
    %broadcast_in_dim3A_814 = arith.constant 0.000000e+00 : f32
    %broadcast_in_dim3A_815 = vector.broadcast %broadcast_in_dim3A_814 : f32 to vector<1024x128xf32>
    %slice3A_816 = vector.extract_strided_slice %select_n3A_812 {offsets = [0, 128], sizes = [1024, 128], strides = [1, 1]} : vector<1024x1024xf32> to vector<1024x128xf32>
    %lt3A_817 = arith.cmpf olt, %slice3A_816, %slice3A_813 : vector<1024x128xf32>
    %jit3A_818 = arith.constant 1.000000e+00 : f32
    %broadcast_in_dim3A_819 = vector.broadcast %jit3A_818 : f32 to vector<1024x128xf32>
    %select_n3A_820 = arith.select %lt3A_817, %broadcast_in_dim3A_819, %broadcast_in_dim3A_815 : vector<1024x128xi1>, vector<1024x128xf32>
    %select_n3A_821 = arith.select %lt3A_817, %slice3A_816, %slice3A_813 : vector<1024x128xi1>, vector<1024x128xf32>
    %slice3A_822 = vector.extract_strided_slice %select_n3A_812 {offsets = [0, 256], sizes = [1024, 128], strides = [1, 1]} : vector<1024x1024xf32> to vector<1024x128xf32>
    %lt3A_823 = arith.cmpf olt, %slice3A_822, %select_n3A_821 : vector<1024x128xf32>
    %jit3A_824 = arith.constant 2.000000e+00 : f32
    %broadcast_in_dim3A_825 = vector.broadcast %jit3A_824 : f32 to vector<1024x128xf32>
    %select_n3A_826 = arith.select %lt3A_823, %broadcast_in_dim3A_825, %select_n3A_820 : vector<1024x128xi1>, vector<1024x128xf32>
    %select_n3A_827 = arith.select %lt3A_823, %slice3A_822, %select_n3A_821 : vector<1024x128xi1>, vector<1024x128xf32>
    %slice3A_828 = vector.extract_strided_slice %select_n3A_812 {offsets = [0, 384], sizes = [1024, 128], strides = [1, 1]} : vector<1024x1024xf32> to vector<1024x128xf32>
    %lt3A_829 = arith.cmpf olt, %slice3A_828, %select_n3A_827 : vector<1024x128xf32>
    %jit3A_830 = arith.constant 3.000000e+00 : f32
    %broadcast_in_dim3A_831 = vector.broadcast %jit3A_830 : f32 to vector<1024x128xf32>
    %select_n3A_832 = arith.select %lt3A_829, %broadcast_in_dim3A_831, %select_n3A_826 : vector<1024x128xi1>, vector<1024x128xf32>
    %select_n3A_833 = arith.select %lt3A_829, %slice3A_828, %select_n3A_827 : vector<1024x128xi1>, vector<1024x128xf32>
    %slice3A_834 = vector.extract_strided_slice %select_n3A_812 {offsets = [0, 512], sizes = [1024, 128], strides = [1, 1]} : vector<1024x1024xf32> to vector<1024x128xf32>
    %lt3A_835 = arith.cmpf olt, %slice3A_834, %select_n3A_833 : vector<1024x128xf32>
    %jit3A_836 = arith.constant 4.000000e+00 : f32
    %broadcast_in_dim3A_837 = vector.broadcast %jit3A_836 : f32 to vector<1024x128xf32>
    %select_n3A_838 = arith.select %lt3A_835, %broadcast_in_dim3A_837, %select_n3A_832 : vector<1024x128xi1>, vector<1024x128xf32>
    %select_n3A_839 = arith.select %lt3A_835, %slice3A_834, %select_n3A_833 : vector<1024x128xi1>, vector<1024x128xf32>
    %slice3A_840 = vector.extract_strided_slice %select_n3A_812 {offsets = [0, 640], sizes = [1024, 128], strides = [1, 1]} : vector<1024x1024xf32> to vector<1024x128xf32>
    %lt3A_841 = arith.cmpf olt, %slice3A_840, %select_n3A_839 : vector<1024x128xf32>
    %jit3A_842 = arith.constant 5.000000e+00 : f32
    %broadcast_in_dim3A_843 = vector.broadcast %jit3A_842 : f32 to vector<1024x128xf32>
    %select_n3A_844 = arith.select %lt3A_841, %broadcast_in_dim3A_843, %select_n3A_838 : vector<1024x128xi1>, vector<1024x128xf32>
    %select_n3A_845 = arith.select %lt3A_841, %slice3A_840, %select_n3A_839 : vector<1024x128xi1>, vector<1024x128xf32>
    %slice3A_846 = vector.extract_strided_slice %select_n3A_812 {offsets = [0, 768], sizes = [1024, 128], strides = [1, 1]} : vector<1024x1024xf32> to vector<1024x128xf32>
    %lt3A_847 = arith.cmpf olt, %slice3A_846, %select_n3A_845 : vector<1024x128xf32>
    %jit3A_848 = arith.constant 6.000000e+00 : f32
    %broadcast_in_dim3A_849 = vector.broadcast %jit3A_848 : f32 to vector<1024x128xf32>
    %select_n3A_850 = arith.select %lt3A_847, %broadcast_in_dim3A_849, %select_n3A_844 : vector<1024x128xi1>, vector<1024x128xf32>
    %select_n3A_851 = arith.select %lt3A_847, %slice3A_846, %select_n3A_845 : vector<1024x128xi1>, vector<1024x128xf32>
    %slice3A_852 = vector.extract_strided_slice %select_n3A_812 {offsets = [0, 896], sizes = [1024, 128], strides = [1, 1]} : vector<1024x1024xf32> to vector<1024x128xf32>
    %lt3A_853 = arith.cmpf olt, %slice3A_852, %select_n3A_851 : vector<1024x128xf32>
    %jit3A_854 = arith.constant 7.000000e+00 : f32
    %broadcast_in_dim3A_855 = vector.broadcast %jit3A_854 : f32 to vector<1024x128xf32>
    %select_n3A_856 = arith.select %lt3A_853, %broadcast_in_dim3A_855, %select_n3A_850 : vector<1024x128xi1>, vector<1024x128xf32>
    %select_n3A_857 = arith.select %lt3A_853, %slice3A_852, %select_n3A_851 : vector<1024x128xi1>, vector<1024x128xf32>
    %reduce_min3A_858 = arith.constant dense<0x7F800000> : vector<1024xf32>
    %reduce_min3A_859 = vector.multi_reduction <minimumf>, %select_n3A_857, %reduce_min3A_858 [1] : vector<1024x128xf32> to vector<1024xf32>
    %broadcast_in_dim3A_860 = vector.shape_cast %reduce_min3A_859 : vector<1024xf32> to vector<1024x1xf32>
    %eq3A_861 = vector.broadcast %broadcast_in_dim3A_860 : vector<1024x1xf32> to vector<1024x128xf32>
    %eq3A_862 = arith.cmpf oeq, %select_n3A_857, %eq3A_861 : vector<1024x128xf32>
    %mul3A_863 = arith.constant 1.280000e+02 : f32
    %mul3A_864 = vector.broadcast %mul3A_863 : f32 to vector<1024x128xf32>
    %mul3A_865 = arith.mulf %select_n3A_856, %mul3A_864 : vector<1024x128xf32>
    %add3A_866 = arith.addf %mul3A_865, %convert_element_type3A_147 : vector<1024x128xf32>
    %jit3A_867 = arith.constant 1.024000e+03 : f32
    %broadcast_in_dim3A_868 = vector.broadcast %jit3A_867 : f32 to vector<1024x128xf32>
    %select_n3A_869 = arith.select %eq3A_862, %add3A_866, %broadcast_in_dim3A_868 : vector<1024x128xi1>, vector<1024x128xf32>
    %reduce_min3A_870 = arith.constant dense<0x7F800000> : vector<1024xf32>
    %reduce_min3A_871 = vector.multi_reduction <minimumf>, %select_n3A_869, %reduce_min3A_870 [1] : vector<1024x128xf32> to vector<1024xf32>
    %broadcast_in_dim3A_872 = vector.shape_cast %reduce_min3A_871 : vector<1024xf32> to vector<1024x1xf32>
    %convert_element_type3A_873 = arith.fptosi %broadcast_in_dim3A_872 : vector<1024x1xf32> to vector<1024x1xi32>
    %add3A_874 = vector.broadcast %mul3A_131 : i32 to vector<1024x1xi32>
    %add3A_875 = arith.addi %convert_element_type3A_873, %add3A_874 : vector<1024x1xi32>
    %swap3A_876 = arith.constant 0 : index
    %swap3A_877 = arith.constant 0 : index
    %swap3A_878 = arith.constant 10 : index
    %swap3A_879 = vector.load %arg14[%swap3A_876, %swap3A_877, %swap3A_878] : memref<1x1024x24xi32, #tpu.memory_space<vmem>>, vector<1x1024x1xi32>
    %swap3A_880 = vector.shape_cast %swap3A_879 : vector<1x1024x1xi32> to vector<1024x1xi32>
    %swap3A_881 = vector.shape_cast %add3A_875 : vector<1024x1xi32> to vector<1x1024x1xi32>
    tpu.vector_store %arg14[%swap3A_876, %swap3A_877, %swap3A_878], %swap3A_881 {strides = array<i32>} : memref<1x1024x24xi32, #tpu.memory_space<vmem>>, vector<1x1024x1xi32>,
    %eq3A_882 = vector.broadcast %broadcast_in_dim3A_872 : vector<1024x1xf32> to vector<1024x1024xf32>
    %eq3A_883 = arith.cmpf oeq, %convert_element_type3A, %eq3A_882 : vector<1024x1024xf32>
    %jit3A_884 = arith.constant 0x7F800000 : f32
    %broadcast_in_dim3A_885 = vector.broadcast %jit3A_884 : f32 to vector<1024x1024xf32>
    %select_n3A_886 = arith.select %eq3A_883, %broadcast_in_dim3A_885, %select_n3A_812 : vector<1024x1024xi1>, vector<1024x1024xf32>
    %slice3A_887 = vector.extract_strided_slice %select_n3A_886 {offsets = [0, 0], sizes = [1024, 128], strides = [1, 1]} : vector<1024x1024xf32> to vector<1024x128xf32>
    %broadcast_in_dim3A_888 = arith.constant 0.000000e+00 : f32
    %broadcast_in_dim3A_889 = vector.broadcast %broadcast_in_dim3A_888 : f32 to vector<1024x128xf32>
    %slice3A_890 = vector.extract_strided_slice %select_n3A_886 {offsets = [0, 128], sizes = [1024, 128], strides = [1, 1]} : vector<1024x1024xf32> to vector<1024x128xf32>
    %lt3A_891 = arith.cmpf olt, %slice3A_890, %slice3A_887 : vector<1024x128xf32>
    %jit3A_892 = arith.constant 1.000000e+00 : f32
    %broadcast_in_dim3A_893 = vector.broadcast %jit3A_892 : f32 to vector<1024x128xf32>
    %select_n3A_894 = arith.select %lt3A_891, %broadcast_in_dim3A_893, %broadcast_in_dim3A_889 : vector<1024x128xi1>, vector<1024x128xf32>
    %select_n3A_895 = arith.select %lt3A_891, %slice3A_890, %slice3A_887 : vector<1024x128xi1>, vector<1024x128xf32>
    %slice3A_896 = vector.extract_strided_slice %select_n3A_886 {offsets = [0, 256], sizes = [1024, 128], strides = [1, 1]} : vector<1024x1024xf32> to vector<1024x128xf32>
    %lt3A_897 = arith.cmpf olt, %slice3A_896, %select_n3A_895 : vector<1024x128xf32>
    %jit3A_898 = arith.constant 2.000000e+00 : f32
    %broadcast_in_dim3A_899 = vector.broadcast %jit3A_898 : f32 to vector<1024x128xf32>
    %select_n3A_900 = arith.select %lt3A_897, %broadcast_in_dim3A_899, %select_n3A_894 : vector<1024x128xi1>, vector<1024x128xf32>
    %select_n3A_901 = arith.select %lt3A_897, %slice3A_896, %select_n3A_895 : vector<1024x128xi1>, vector<1024x128xf32>
    %slice3A_902 = vector.extract_strided_slice %select_n3A_886 {offsets = [0, 384], sizes = [1024, 128], strides = [1, 1]} : vector<1024x1024xf32> to vector<1024x128xf32>
    %lt3A_903 = arith.cmpf olt, %slice3A_902, %select_n3A_901 : vector<1024x128xf32>
    %jit3A_904 = arith.constant 3.000000e+00 : f32
    %broadcast_in_dim3A_905 = vector.broadcast %jit3A_904 : f32 to vector<1024x128xf32>
    %select_n3A_906 = arith.select %lt3A_903, %broadcast_in_dim3A_905, %select_n3A_900 : vector<1024x128xi1>, vector<1024x128xf32>
    %select_n3A_907 = arith.select %lt3A_903, %slice3A_902, %select_n3A_901 : vector<1024x128xi1>, vector<1024x128xf32>
    %slice3A_908 = vector.extract_strided_slice %select_n3A_886 {offsets = [0, 512], sizes = [1024, 128], strides = [1, 1]} : vector<1024x1024xf32> to vector<1024x128xf32>
    %lt3A_909 = arith.cmpf olt, %slice3A_908, %select_n3A_907 : vector<1024x128xf32>
    %jit3A_910 = arith.constant 4.000000e+00 : f32
    %broadcast_in_dim3A_911 = vector.broadcast %jit3A_910 : f32 to vector<1024x128xf32>
    %select_n3A_912 = arith.select %lt3A_909, %broadcast_in_dim3A_911, %select_n3A_906 : vector<1024x128xi1>, vector<1024x128xf32>
    %select_n3A_913 = arith.select %lt3A_909, %slice3A_908, %select_n3A_907 : vector<1024x128xi1>, vector<1024x128xf32>
    %slice3A_914 = vector.extract_strided_slice %select_n3A_886 {offsets = [0, 640], sizes = [1024, 128], strides = [1, 1]} : vector<1024x1024xf32> to vector<1024x128xf32>
    %lt3A_915 = arith.cmpf olt, %slice3A_914, %select_n3A_913 : vector<1024x128xf32>
    %jit3A_916 = arith.constant 5.000000e+00 : f32
    %broadcast_in_dim3A_917 = vector.broadcast %jit3A_916 : f32 to vector<1024x128xf32>
    %select_n3A_918 = arith.select %lt3A_915, %broadcast_in_dim3A_917, %select_n3A_912 : vector<1024x128xi1>, vector<1024x128xf32>
    %select_n3A_919 = arith.select %lt3A_915, %slice3A_914, %select_n3A_913 : vector<1024x128xi1>, vector<1024x128xf32>
    %slice3A_920 = vector.extract_strided_slice %select_n3A_886 {offsets = [0, 768], sizes = [1024, 128], strides = [1, 1]} : vector<1024x1024xf32> to vector<1024x128xf32>
    %lt3A_921 = arith.cmpf olt, %slice3A_920, %select_n3A_919 : vector<1024x128xf32>
    %jit3A_922 = arith.constant 6.000000e+00 : f32
    %broadcast_in_dim3A_923 = vector.broadcast %jit3A_922 : f32 to vector<1024x128xf32>
    %select_n3A_924 = arith.select %lt3A_921, %broadcast_in_dim3A_923, %select_n3A_918 : vector<1024x128xi1>, vector<1024x128xf32>
    %select_n3A_925 = arith.select %lt3A_921, %slice3A_920, %select_n3A_919 : vector<1024x128xi1>, vector<1024x128xf32>
    %slice3A_926 = vector.extract_strided_slice %select_n3A_886 {offsets = [0, 896], sizes = [1024, 128], strides = [1, 1]} : vector<1024x1024xf32> to vector<1024x128xf32>
    %lt3A_927 = arith.cmpf olt, %slice3A_926, %select_n3A_925 : vector<1024x128xf32>
    %jit3A_928 = arith.constant 7.000000e+00 : f32
    %broadcast_in_dim3A_929 = vector.broadcast %jit3A_928 : f32 to vector<1024x128xf32>
    %select_n3A_930 = arith.select %lt3A_927, %broadcast_in_dim3A_929, %select_n3A_924 : vector<1024x128xi1>, vector<1024x128xf32>
    %select_n3A_931 = arith.select %lt3A_927, %slice3A_926, %select_n3A_925 : vector<1024x128xi1>, vector<1024x128xf32>
    %reduce_min3A_932 = arith.constant dense<0x7F800000> : vector<1024xf32>
    %reduce_min3A_933 = vector.multi_reduction <minimumf>, %select_n3A_931, %reduce_min3A_932 [1] : vector<1024x128xf32> to vector<1024xf32>
    %broadcast_in_dim3A_934 = vector.shape_cast %reduce_min3A_933 : vector<1024xf32> to vector<1024x1xf32>
    %eq3A_935 = vector.broadcast %broadcast_in_dim3A_934 : vector<1024x1xf32> to vector<1024x128xf32>
    %eq3A_936 = arith.cmpf oeq, %select_n3A_931, %eq3A_935 : vector<1024x128xf32>
    %mul3A_937 = arith.constant 1.280000e+02 : f32
    %mul3A_938 = vector.broadcast %mul3A_937 : f32 to vector<1024x128xf32>
    %mul3A_939 = arith.mulf %select_n3A_930, %mul3A_938 : vector<1024x128xf32>
    %add3A_940 = arith.addf %mul3A_939, %convert_element_type3A_147 : vector<1024x128xf32>
    %jit3A_941 = arith.constant 1.024000e+03 : f32
    %broadcast_in_dim3A_942 = vector.broadcast %jit3A_941 : f32 to vector<1024x128xf32>
    %select_n3A_943 = arith.select %eq3A_936, %add3A_940, %broadcast_in_dim3A_942 : vector<1024x128xi1>, vector<1024x128xf32>
    %reduce_min3A_944 = arith.constant dense<0x7F800000> : vector<1024xf32>
    %reduce_min3A_945 = vector.multi_reduction <minimumf>, %select_n3A_943, %reduce_min3A_944 [1] : vector<1024x128xf32> to vector<1024xf32>
    %broadcast_in_dim3A_946 = vector.shape_cast %reduce_min3A_945 : vector<1024xf32> to vector<1024x1xf32>
    %convert_element_type3A_947 = arith.fptosi %broadcast_in_dim3A_946 : vector<1024x1xf32> to vector<1024x1xi32>
    %add3A_948 = vector.broadcast %mul3A_131 : i32 to vector<1024x1xi32>
    %add3A_949 = arith.addi %convert_element_type3A_947, %add3A_948 : vector<1024x1xi32>
    %swap3A_950 = arith.constant 0 : index
    %swap3A_951 = arith.constant 0 : index
    %swap3A_952 = arith.constant 11 : index
    %swap3A_953 = vector.load %arg14[%swap3A_950, %swap3A_951, %swap3A_952] : memref<1x1024x24xi32, #tpu.memory_space<vmem>>, vector<1x1024x1xi32>
    %swap3A_954 = vector.shape_cast %swap3A_953 : vector<1x1024x1xi32> to vector<1024x1xi32>
    %swap3A_955 = vector.shape_cast %add3A_949 : vector<1024x1xi32> to vector<1x1024x1xi32>
    tpu.vector_store %arg14[%swap3A_950, %swap3A_951, %swap3A_952], %swap3A_955 {strides = array<i32>} : memref<1x1024x24xi32, #tpu.memory_space<vmem>>, vector<1x1024x1xi32>,
    %eq3A_956 = vector.broadcast %broadcast_in_dim3A_946 : vector<1024x1xf32> to vector<1024x1024xf32>
    %eq3A_957 = arith.cmpf oeq, %convert_element_type3A, %eq3A_956 : vector<1024x1024xf32>
    %jit3A_958 = arith.constant 0x7F800000 : f32
    %broadcast_in_dim3A_959 = vector.broadcast %jit3A_958 : f32 to vector<1024x1024xf32>
    %select_n3A_960 = arith.select %eq3A_957, %broadcast_in_dim3A_959, %select_n3A_886 : vector<1024x1024xi1>, vector<1024x1024xf32>
    %slice3A_961 = vector.extract_strided_slice %select_n3A_960 {offsets = [0, 0], sizes = [1024, 128], strides = [1, 1]} : vector<1024x1024xf32> to vector<1024x128xf32>
    %broadcast_in_dim3A_962 = arith.constant 0.000000e+00 : f32
    %broadcast_in_dim3A_963 = vector.broadcast %broadcast_in_dim3A_962 : f32 to vector<1024x128xf32>
    %slice3A_964 = vector.extract_strided_slice %select_n3A_960 {offsets = [0, 128], sizes = [1024, 128], strides = [1, 1]} : vector<1024x1024xf32> to vector<1024x128xf32>
    %lt3A_965 = arith.cmpf olt, %slice3A_964, %slice3A_961 : vector<1024x128xf32>
    %jit3A_966 = arith.constant 1.000000e+00 : f32
    %broadcast_in_dim3A_967 = vector.broadcast %jit3A_966 : f32 to vector<1024x128xf32>
    %select_n3A_968 = arith.select %lt3A_965, %broadcast_in_dim3A_967, %broadcast_in_dim3A_963 : vector<1024x128xi1>, vector<1024x128xf32>
    %select_n3A_969 = arith.select %lt3A_965, %slice3A_964, %slice3A_961 : vector<1024x128xi1>, vector<1024x128xf32>
    %slice3A_970 = vector.extract_strided_slice %select_n3A_960 {offsets = [0, 256], sizes = [1024, 128], strides = [1, 1]} : vector<1024x1024xf32> to vector<1024x128xf32>
    %lt3A_971 = arith.cmpf olt, %slice3A_970, %select_n3A_969 : vector<1024x128xf32>
    %jit3A_972 = arith.constant 2.000000e+00 : f32
    %broadcast_in_dim3A_973 = vector.broadcast %jit3A_972 : f32 to vector<1024x128xf32>
    %select_n3A_974 = arith.select %lt3A_971, %broadcast_in_dim3A_973, %select_n3A_968 : vector<1024x128xi1>, vector<1024x128xf32>
    %select_n3A_975 = arith.select %lt3A_971, %slice3A_970, %select_n3A_969 : vector<1024x128xi1>, vector<1024x128xf32>
    %slice3A_976 = vector.extract_strided_slice %select_n3A_960 {offsets = [0, 384], sizes = [1024, 128], strides = [1, 1]} : vector<1024x1024xf32> to vector<1024x128xf32>
    %lt3A_977 = arith.cmpf olt, %slice3A_976, %select_n3A_975 : vector<1024x128xf32>
    %jit3A_978 = arith.constant 3.000000e+00 : f32
    %broadcast_in_dim3A_979 = vector.broadcast %jit3A_978 : f32 to vector<1024x128xf32>
    %select_n3A_980 = arith.select %lt3A_977, %broadcast_in_dim3A_979, %select_n3A_974 : vector<1024x128xi1>, vector<1024x128xf32>
    %select_n3A_981 = arith.select %lt3A_977, %slice3A_976, %select_n3A_975 : vector<1024x128xi1>, vector<1024x128xf32>
    %slice3A_982 = vector.extract_strided_slice %select_n3A_960 {offsets = [0, 512], sizes = [1024, 128], strides = [1, 1]} : vector<1024x1024xf32> to vector<1024x128xf32>
    %lt3A_983 = arith.cmpf olt, %slice3A_982, %select_n3A_981 : vector<1024x128xf32>
    %jit3A_984 = arith.constant 4.000000e+00 : f32
    %broadcast_in_dim3A_985 = vector.broadcast %jit3A_984 : f32 to vector<1024x128xf32>
    %select_n3A_986 = arith.select %lt3A_983, %broadcast_in_dim3A_985, %select_n3A_980 : vector<1024x128xi1>, vector<1024x128xf32>
    %select_n3A_987 = arith.select %lt3A_983, %slice3A_982, %select_n3A_981 : vector<1024x128xi1>, vector<1024x128xf32>
    %slice3A_988 = vector.extract_strided_slice %select_n3A_960 {offsets = [0, 640], sizes = [1024, 128], strides = [1, 1]} : vector<1024x1024xf32> to vector<1024x128xf32>
    %lt3A_989 = arith.cmpf olt, %slice3A_988, %select_n3A_987 : vector<1024x128xf32>
    %jit3A_990 = arith.constant 5.000000e+00 : f32
    %broadcast_in_dim3A_991 = vector.broadcast %jit3A_990 : f32 to vector<1024x128xf32>
    %select_n3A_992 = arith.select %lt3A_989, %broadcast_in_dim3A_991, %select_n3A_986 : vector<1024x128xi1>, vector<1024x128xf32>
    %select_n3A_993 = arith.select %lt3A_989, %slice3A_988, %select_n3A_987 : vector<1024x128xi1>, vector<1024x128xf32>
    %slice3A_994 = vector.extract_strided_slice %select_n3A_960 {offsets = [0, 768], sizes = [1024, 128], strides = [1, 1]} : vector<1024x1024xf32> to vector<1024x128xf32>
    %lt3A_995 = arith.cmpf olt, %slice3A_994, %select_n3A_993 : vector<1024x128xf32>
    %jit3A_996 = arith.constant 6.000000e+00 : f32
    %broadcast_in_dim3A_997 = vector.broadcast %jit3A_996 : f32 to vector<1024x128xf32>
    %select_n3A_998 = arith.select %lt3A_995, %broadcast_in_dim3A_997, %select_n3A_992 : vector<1024x128xi1>, vector<1024x128xf32>
    %select_n3A_999 = arith.select %lt3A_995, %slice3A_994, %select_n3A_993 : vector<1024x128xi1>, vector<1024x128xf32>
    %slice3A_1000 = vector.extract_strided_slice %select_n3A_960 {offsets = [0, 896], sizes = [1024, 128], strides = [1, 1]} : vector<1024x1024xf32> to vector<1024x128xf32>
    %lt3A_1001 = arith.cmpf olt, %slice3A_1000, %select_n3A_999 : vector<1024x128xf32>
    %jit3A_1002 = arith.constant 7.000000e+00 : f32
    %broadcast_in_dim3A_1003 = vector.broadcast %jit3A_1002 : f32 to vector<1024x128xf32>
    %select_n3A_1004 = arith.select %lt3A_1001, %broadcast_in_dim3A_1003, %select_n3A_998 : vector<1024x128xi1>, vector<1024x128xf32>
    %select_n3A_1005 = arith.select %lt3A_1001, %slice3A_1000, %select_n3A_999 : vector<1024x128xi1>, vector<1024x128xf32>
    %reduce_min3A_1006 = arith.constant dense<0x7F800000> : vector<1024xf32>
    %reduce_min3A_1007 = vector.multi_reduction <minimumf>, %select_n3A_1005, %reduce_min3A_1006 [1] : vector<1024x128xf32> to vector<1024xf32>
    %broadcast_in_dim3A_1008 = vector.shape_cast %reduce_min3A_1007 : vector<1024xf32> to vector<1024x1xf32>
    %eq3A_1009 = vector.broadcast %broadcast_in_dim3A_1008 : vector<1024x1xf32> to vector<1024x128xf32>
    %eq3A_1010 = arith.cmpf oeq, %select_n3A_1005, %eq3A_1009 : vector<1024x128xf32>
    %mul3A_1011 = arith.constant 1.280000e+02 : f32
    %mul3A_1012 = vector.broadcast %mul3A_1011 : f32 to vector<1024x128xf32>
    %mul3A_1013 = arith.mulf %select_n3A_1004, %mul3A_1012 : vector<1024x128xf32>
    %add3A_1014 = arith.addf %mul3A_1013, %convert_element_type3A_147 : vector<1024x128xf32>
    %jit3A_1015 = arith.constant 1.024000e+03 : f32
    %broadcast_in_dim3A_1016 = vector.broadcast %jit3A_1015 : f32 to vector<1024x128xf32>
    %select_n3A_1017 = arith.select %eq3A_1010, %add3A_1014, %broadcast_in_dim3A_1016 : vector<1024x128xi1>, vector<1024x128xf32>
    %reduce_min3A_1018 = arith.constant dense<0x7F800000> : vector<1024xf32>
    %reduce_min3A_1019 = vector.multi_reduction <minimumf>, %select_n3A_1017, %reduce_min3A_1018 [1] : vector<1024x128xf32> to vector<1024xf32>
    %broadcast_in_dim3A_1020 = vector.shape_cast %reduce_min3A_1019 : vector<1024xf32> to vector<1024x1xf32>
    %convert_element_type3A_1021 = arith.fptosi %broadcast_in_dim3A_1020 : vector<1024x1xf32> to vector<1024x1xi32>
    %add3A_1022 = vector.broadcast %mul3A_131 : i32 to vector<1024x1xi32>
    %add3A_1023 = arith.addi %convert_element_type3A_1021, %add3A_1022 : vector<1024x1xi32>
    %swap3A_1024 = arith.constant 0 : index
    %swap3A_1025 = arith.constant 0 : index
    %swap3A_1026 = arith.constant 12 : index
    %swap3A_1027 = vector.load %arg14[%swap3A_1024, %swap3A_1025, %swap3A_1026] : memref<1x1024x24xi32, #tpu.memory_space<vmem>>, vector<1x1024x1xi32>
    %swap3A_1028 = vector.shape_cast %swap3A_1027 : vector<1x1024x1xi32> to vector<1024x1xi32>
    %swap3A_1029 = vector.shape_cast %add3A_1023 : vector<1024x1xi32> to vector<1x1024x1xi32>
    tpu.vector_store %arg14[%swap3A_1024, %swap3A_1025, %swap3A_1026], %swap3A_1029 {strides = array<i32>} : memref<1x1024x24xi32, #tpu.memory_space<vmem>>, vector<1x1024x1xi32>,
    %eq3A_1030 = vector.broadcast %broadcast_in_dim3A_1020 : vector<1024x1xf32> to vector<1024x1024xf32>
    %eq3A_1031 = arith.cmpf oeq, %convert_element_type3A, %eq3A_1030 : vector<1024x1024xf32>
    %jit3A_1032 = arith.constant 0x7F800000 : f32
    %broadcast_in_dim3A_1033 = vector.broadcast %jit3A_1032 : f32 to vector<1024x1024xf32>
    %select_n3A_1034 = arith.select %eq3A_1031, %broadcast_in_dim3A_1033, %select_n3A_960 : vector<1024x1024xi1>, vector<1024x1024xf32>
    %slice3A_1035 = vector.extract_strided_slice %select_n3A_1034 {offsets = [0, 0], sizes = [1024, 128], strides = [1, 1]} : vector<1024x1024xf32> to vector<1024x128xf32>
    %broadcast_in_dim3A_1036 = arith.constant 0.000000e+00 : f32
    %broadcast_in_dim3A_1037 = vector.broadcast %broadcast_in_dim3A_1036 : f32 to vector<1024x128xf32>
    %slice3A_1038 = vector.extract_strided_slice %select_n3A_1034 {offsets = [0, 128], sizes = [1024, 128], strides = [1, 1]} : vector<1024x1024xf32> to vector<1024x128xf32>
    %lt3A_1039 = arith.cmpf olt, %slice3A_1038, %slice3A_1035 : vector<1024x128xf32>
    %jit3A_1040 = arith.constant 1.000000e+00 : f32
    %broadcast_in_dim3A_1041 = vector.broadcast %jit3A_1040 : f32 to vector<1024x128xf32>
    %select_n3A_1042 = arith.select %lt3A_1039, %broadcast_in_dim3A_1041, %broadcast_in_dim3A_1037 : vector<1024x128xi1>, vector<1024x128xf32>
    %select_n3A_1043 = arith.select %lt3A_1039, %slice3A_1038, %slice3A_1035 : vector<1024x128xi1>, vector<1024x128xf32>
    %slice3A_1044 = vector.extract_strided_slice %select_n3A_1034 {offsets = [0, 256], sizes = [1024, 128], strides = [1, 1]} : vector<1024x1024xf32> to vector<1024x128xf32>
    %lt3A_1045 = arith.cmpf olt, %slice3A_1044, %select_n3A_1043 : vector<1024x128xf32>
    %jit3A_1046 = arith.constant 2.000000e+00 : f32
    %broadcast_in_dim3A_1047 = vector.broadcast %jit3A_1046 : f32 to vector<1024x128xf32>
    %select_n3A_1048 = arith.select %lt3A_1045, %broadcast_in_dim3A_1047, %select_n3A_1042 : vector<1024x128xi1>, vector<1024x128xf32>
    %select_n3A_1049 = arith.select %lt3A_1045, %slice3A_1044, %select_n3A_1043 : vector<1024x128xi1>, vector<1024x128xf32>
    %slice3A_1050 = vector.extract_strided_slice %select_n3A_1034 {offsets = [0, 384], sizes = [1024, 128], strides = [1, 1]} : vector<1024x1024xf32> to vector<1024x128xf32>
    %lt3A_1051 = arith.cmpf olt, %slice3A_1050, %select_n3A_1049 : vector<1024x128xf32>
    %jit3A_1052 = arith.constant 3.000000e+00 : f32
    %broadcast_in_dim3A_1053 = vector.broadcast %jit3A_1052 : f32 to vector<1024x128xf32>
    %select_n3A_1054 = arith.select %lt3A_1051, %broadcast_in_dim3A_1053, %select_n3A_1048 : vector<1024x128xi1>, vector<1024x128xf32>
    %select_n3A_1055 = arith.select %lt3A_1051, %slice3A_1050, %select_n3A_1049 : vector<1024x128xi1>, vector<1024x128xf32>
    %slice3A_1056 = vector.extract_strided_slice %select_n3A_1034 {offsets = [0, 512], sizes = [1024, 128], strides = [1, 1]} : vector<1024x1024xf32> to vector<1024x128xf32>
    %lt3A_1057 = arith.cmpf olt, %slice3A_1056, %select_n3A_1055 : vector<1024x128xf32>
    %jit3A_1058 = arith.constant 4.000000e+00 : f32
    %broadcast_in_dim3A_1059 = vector.broadcast %jit3A_1058 : f32 to vector<1024x128xf32>
    %select_n3A_1060 = arith.select %lt3A_1057, %broadcast_in_dim3A_1059, %select_n3A_1054 : vector<1024x128xi1>, vector<1024x128xf32>
    %select_n3A_1061 = arith.select %lt3A_1057, %slice3A_1056, %select_n3A_1055 : vector<1024x128xi1>, vector<1024x128xf32>
    %slice3A_1062 = vector.extract_strided_slice %select_n3A_1034 {offsets = [0, 640], sizes = [1024, 128], strides = [1, 1]} : vector<1024x1024xf32> to vector<1024x128xf32>
    %lt3A_1063 = arith.cmpf olt, %slice3A_1062, %select_n3A_1061 : vector<1024x128xf32>
    %jit3A_1064 = arith.constant 5.000000e+00 : f32
    %broadcast_in_dim3A_1065 = vector.broadcast %jit3A_1064 : f32 to vector<1024x128xf32>
    %select_n3A_1066 = arith.select %lt3A_1063, %broadcast_in_dim3A_1065, %select_n3A_1060 : vector<1024x128xi1>, vector<1024x128xf32>
    %select_n3A_1067 = arith.select %lt3A_1063, %slice3A_1062, %select_n3A_1061 : vector<1024x128xi1>, vector<1024x128xf32>
    %slice3A_1068 = vector.extract_strided_slice %select_n3A_1034 {offsets = [0, 768], sizes = [1024, 128], strides = [1, 1]} : vector<1024x1024xf32> to vector<1024x128xf32>
    %lt3A_1069 = arith.cmpf olt, %slice3A_1068, %select_n3A_1067 : vector<1024x128xf32>
    %jit3A_1070 = arith.constant 6.000000e+00 : f32
    %broadcast_in_dim3A_1071 = vector.broadcast %jit3A_1070 : f32 to vector<1024x128xf32>
    %select_n3A_1072 = arith.select %lt3A_1069, %broadcast_in_dim3A_1071, %select_n3A_1066 : vector<1024x128xi1>, vector<1024x128xf32>
    %select_n3A_1073 = arith.select %lt3A_1069, %slice3A_1068, %select_n3A_1067 : vector<1024x128xi1>, vector<1024x128xf32>
    %slice3A_1074 = vector.extract_strided_slice %select_n3A_1034 {offsets = [0, 896], sizes = [1024, 128], strides = [1, 1]} : vector<1024x1024xf32> to vector<1024x128xf32>
    %lt3A_1075 = arith.cmpf olt, %slice3A_1074, %select_n3A_1073 : vector<1024x128xf32>
    %jit3A_1076 = arith.constant 7.000000e+00 : f32
    %broadcast_in_dim3A_1077 = vector.broadcast %jit3A_1076 : f32 to vector<1024x128xf32>
    %select_n3A_1078 = arith.select %lt3A_1075, %broadcast_in_dim3A_1077, %select_n3A_1072 : vector<1024x128xi1>, vector<1024x128xf32>
    %select_n3A_1079 = arith.select %lt3A_1075, %slice3A_1074, %select_n3A_1073 : vector<1024x128xi1>, vector<1024x128xf32>
    %reduce_min3A_1080 = arith.constant dense<0x7F800000> : vector<1024xf32>
    %reduce_min3A_1081 = vector.multi_reduction <minimumf>, %select_n3A_1079, %reduce_min3A_1080 [1] : vector<1024x128xf32> to vector<1024xf32>
    %broadcast_in_dim3A_1082 = vector.shape_cast %reduce_min3A_1081 : vector<1024xf32> to vector<1024x1xf32>
    %eq3A_1083 = vector.broadcast %broadcast_in_dim3A_1082 : vector<1024x1xf32> to vector<1024x128xf32>
    %eq3A_1084 = arith.cmpf oeq, %select_n3A_1079, %eq3A_1083 : vector<1024x128xf32>
    %mul3A_1085 = arith.constant 1.280000e+02 : f32
    %mul3A_1086 = vector.broadcast %mul3A_1085 : f32 to vector<1024x128xf32>
    %mul3A_1087 = arith.mulf %select_n3A_1078, %mul3A_1086 : vector<1024x128xf32>
    %add3A_1088 = arith.addf %mul3A_1087, %convert_element_type3A_147 : vector<1024x128xf32>
    %jit3A_1089 = arith.constant 1.024000e+03 : f32
    %broadcast_in_dim3A_1090 = vector.broadcast %jit3A_1089 : f32 to vector<1024x128xf32>
    %select_n3A_1091 = arith.select %eq3A_1084, %add3A_1088, %broadcast_in_dim3A_1090 : vector<1024x128xi1>, vector<1024x128xf32>
    %reduce_min3A_1092 = arith.constant dense<0x7F800000> : vector<1024xf32>
    %reduce_min3A_1093 = vector.multi_reduction <minimumf>, %select_n3A_1091, %reduce_min3A_1092 [1] : vector<1024x128xf32> to vector<1024xf32>
    %broadcast_in_dim3A_1094 = vector.shape_cast %reduce_min3A_1093 : vector<1024xf32> to vector<1024x1xf32>
    %convert_element_type3A_1095 = arith.fptosi %broadcast_in_dim3A_1094 : vector<1024x1xf32> to vector<1024x1xi32>
    %add3A_1096 = vector.broadcast %mul3A_131 : i32 to vector<1024x1xi32>
    %add3A_1097 = arith.addi %convert_element_type3A_1095, %add3A_1096 : vector<1024x1xi32>
    %swap3A_1098 = arith.constant 0 : index
    %swap3A_1099 = arith.constant 0 : index
    %swap3A_1100 = arith.constant 13 : index
    %swap3A_1101 = vector.load %arg14[%swap3A_1098, %swap3A_1099, %swap3A_1100] : memref<1x1024x24xi32, #tpu.memory_space<vmem>>, vector<1x1024x1xi32>
    %swap3A_1102 = vector.shape_cast %swap3A_1101 : vector<1x1024x1xi32> to vector<1024x1xi32>
    %swap3A_1103 = vector.shape_cast %add3A_1097 : vector<1024x1xi32> to vector<1x1024x1xi32>
    tpu.vector_store %arg14[%swap3A_1098, %swap3A_1099, %swap3A_1100], %swap3A_1103 {strides = array<i32>} : memref<1x1024x24xi32, #tpu.memory_space<vmem>>, vector<1x1024x1xi32>,
    %eq3A_1104 = vector.broadcast %broadcast_in_dim3A_1094 : vector<1024x1xf32> to vector<1024x1024xf32>
    %eq3A_1105 = arith.cmpf oeq, %convert_element_type3A, %eq3A_1104 : vector<1024x1024xf32>
    %jit3A_1106 = arith.constant 0x7F800000 : f32
    %broadcast_in_dim3A_1107 = vector.broadcast %jit3A_1106 : f32 to vector<1024x1024xf32>
    %select_n3A_1108 = arith.select %eq3A_1105, %broadcast_in_dim3A_1107, %select_n3A_1034 : vector<1024x1024xi1>, vector<1024x1024xf32>
    %slice3A_1109 = vector.extract_strided_slice %select_n3A_1108 {offsets = [0, 0], sizes = [1024, 128], strides = [1, 1]} : vector<1024x1024xf32> to vector<1024x128xf32>
    %broadcast_in_dim3A_1110 = arith.constant 0.000000e+00 : f32
    %broadcast_in_dim3A_1111 = vector.broadcast %broadcast_in_dim3A_1110 : f32 to vector<1024x128xf32>
    %slice3A_1112 = vector.extract_strided_slice %select_n3A_1108 {offsets = [0, 128], sizes = [1024, 128], strides = [1, 1]} : vector<1024x1024xf32> to vector<1024x128xf32>
    %lt3A_1113 = arith.cmpf olt, %slice3A_1112, %slice3A_1109 : vector<1024x128xf32>
    %jit3A_1114 = arith.constant 1.000000e+00 : f32
    %broadcast_in_dim3A_1115 = vector.broadcast %jit3A_1114 : f32 to vector<1024x128xf32>
    %select_n3A_1116 = arith.select %lt3A_1113, %broadcast_in_dim3A_1115, %broadcast_in_dim3A_1111 : vector<1024x128xi1>, vector<1024x128xf32>
    %select_n3A_1117 = arith.select %lt3A_1113, %slice3A_1112, %slice3A_1109 : vector<1024x128xi1>, vector<1024x128xf32>
    %slice3A_1118 = vector.extract_strided_slice %select_n3A_1108 {offsets = [0, 256], sizes = [1024, 128], strides = [1, 1]} : vector<1024x1024xf32> to vector<1024x128xf32>
    %lt3A_1119 = arith.cmpf olt, %slice3A_1118, %select_n3A_1117 : vector<1024x128xf32>
    %jit3A_1120 = arith.constant 2.000000e+00 : f32
    %broadcast_in_dim3A_1121 = vector.broadcast %jit3A_1120 : f32 to vector<1024x128xf32>
    %select_n3A_1122 = arith.select %lt3A_1119, %broadcast_in_dim3A_1121, %select_n3A_1116 : vector<1024x128xi1>, vector<1024x128xf32>
    %select_n3A_1123 = arith.select %lt3A_1119, %slice3A_1118, %select_n3A_1117 : vector<1024x128xi1>, vector<1024x128xf32>
    %slice3A_1124 = vector.extract_strided_slice %select_n3A_1108 {offsets = [0, 384], sizes = [1024, 128], strides = [1, 1]} : vector<1024x1024xf32> to vector<1024x128xf32>
    %lt3A_1125 = arith.cmpf olt, %slice3A_1124, %select_n3A_1123 : vector<1024x128xf32>
    %jit3A_1126 = arith.constant 3.000000e+00 : f32
    %broadcast_in_dim3A_1127 = vector.broadcast %jit3A_1126 : f32 to vector<1024x128xf32>
    %select_n3A_1128 = arith.select %lt3A_1125, %broadcast_in_dim3A_1127, %select_n3A_1122 : vector<1024x128xi1>, vector<1024x128xf32>
    %select_n3A_1129 = arith.select %lt3A_1125, %slice3A_1124, %select_n3A_1123 : vector<1024x128xi1>, vector<1024x128xf32>
    %slice3A_1130 = vector.extract_strided_slice %select_n3A_1108 {offsets = [0, 512], sizes = [1024, 128], strides = [1, 1]} : vector<1024x1024xf32> to vector<1024x128xf32>
    %lt3A_1131 = arith.cmpf olt, %slice3A_1130, %select_n3A_1129 : vector<1024x128xf32>
    %jit3A_1132 = arith.constant 4.000000e+00 : f32
    %broadcast_in_dim3A_1133 = vector.broadcast %jit3A_1132 : f32 to vector<1024x128xf32>
    %select_n3A_1134 = arith.select %lt3A_1131, %broadcast_in_dim3A_1133, %select_n3A_1128 : vector<1024x128xi1>, vector<1024x128xf32>
    %select_n3A_1135 = arith.select %lt3A_1131, %slice3A_1130, %select_n3A_1129 : vector<1024x128xi1>, vector<1024x128xf32>
    %slice3A_1136 = vector.extract_strided_slice %select_n3A_1108 {offsets = [0, 640], sizes = [1024, 128], strides = [1, 1]} : vector<1024x1024xf32> to vector<1024x128xf32>
    %lt3A_1137 = arith.cmpf olt, %slice3A_1136, %select_n3A_1135 : vector<1024x128xf32>
    %jit3A_1138 = arith.constant 5.000000e+00 : f32
    %broadcast_in_dim3A_1139 = vector.broadcast %jit3A_1138 : f32 to vector<1024x128xf32>
    %select_n3A_1140 = arith.select %lt3A_1137, %broadcast_in_dim3A_1139, %select_n3A_1134 : vector<1024x128xi1>, vector<1024x128xf32>
    %select_n3A_1141 = arith.select %lt3A_1137, %slice3A_1136, %select_n3A_1135 : vector<1024x128xi1>, vector<1024x128xf32>
    %slice3A_1142 = vector.extract_strided_slice %select_n3A_1108 {offsets = [0, 768], sizes = [1024, 128], strides = [1, 1]} : vector<1024x1024xf32> to vector<1024x128xf32>
    %lt3A_1143 = arith.cmpf olt, %slice3A_1142, %select_n3A_1141 : vector<1024x128xf32>
    %jit3A_1144 = arith.constant 6.000000e+00 : f32
    %broadcast_in_dim3A_1145 = vector.broadcast %jit3A_1144 : f32 to vector<1024x128xf32>
    %select_n3A_1146 = arith.select %lt3A_1143, %broadcast_in_dim3A_1145, %select_n3A_1140 : vector<1024x128xi1>, vector<1024x128xf32>
    %select_n3A_1147 = arith.select %lt3A_1143, %slice3A_1142, %select_n3A_1141 : vector<1024x128xi1>, vector<1024x128xf32>
    %slice3A_1148 = vector.extract_strided_slice %select_n3A_1108 {offsets = [0, 896], sizes = [1024, 128], strides = [1, 1]} : vector<1024x1024xf32> to vector<1024x128xf32>
    %lt3A_1149 = arith.cmpf olt, %slice3A_1148, %select_n3A_1147 : vector<1024x128xf32>
    %jit3A_1150 = arith.constant 7.000000e+00 : f32
    %broadcast_in_dim3A_1151 = vector.broadcast %jit3A_1150 : f32 to vector<1024x128xf32>
    %select_n3A_1152 = arith.select %lt3A_1149, %broadcast_in_dim3A_1151, %select_n3A_1146 : vector<1024x128xi1>, vector<1024x128xf32>
    %select_n3A_1153 = arith.select %lt3A_1149, %slice3A_1148, %select_n3A_1147 : vector<1024x128xi1>, vector<1024x128xf32>
    %reduce_min3A_1154 = arith.constant dense<0x7F800000> : vector<1024xf32>
    %reduce_min3A_1155 = vector.multi_reduction <minimumf>, %select_n3A_1153, %reduce_min3A_1154 [1] : vector<1024x128xf32> to vector<1024xf32>
    %broadcast_in_dim3A_1156 = vector.shape_cast %reduce_min3A_1155 : vector<1024xf32> to vector<1024x1xf32>
    %eq3A_1157 = vector.broadcast %broadcast_in_dim3A_1156 : vector<1024x1xf32> to vector<1024x128xf32>
    %eq3A_1158 = arith.cmpf oeq, %select_n3A_1153, %eq3A_1157 : vector<1024x128xf32>
    %mul3A_1159 = arith.constant 1.280000e+02 : f32
    %mul3A_1160 = vector.broadcast %mul3A_1159 : f32 to vector<1024x128xf32>
    %mul3A_1161 = arith.mulf %select_n3A_1152, %mul3A_1160 : vector<1024x128xf32>
    %add3A_1162 = arith.addf %mul3A_1161, %convert_element_type3A_147 : vector<1024x128xf32>
    %jit3A_1163 = arith.constant 1.024000e+03 : f32
    %broadcast_in_dim3A_1164 = vector.broadcast %jit3A_1163 : f32 to vector<1024x128xf32>
    %select_n3A_1165 = arith.select %eq3A_1158, %add3A_1162, %broadcast_in_dim3A_1164 : vector<1024x128xi1>, vector<1024x128xf32>
    %reduce_min3A_1166 = arith.constant dense<0x7F800000> : vector<1024xf32>
    %reduce_min3A_1167 = vector.multi_reduction <minimumf>, %select_n3A_1165, %reduce_min3A_1166 [1] : vector<1024x128xf32> to vector<1024xf32>
    %broadcast_in_dim3A_1168 = vector.shape_cast %reduce_min3A_1167 : vector<1024xf32> to vector<1024x1xf32>
    %convert_element_type3A_1169 = arith.fptosi %broadcast_in_dim3A_1168 : vector<1024x1xf32> to vector<1024x1xi32>
    %add3A_1170 = vector.broadcast %mul3A_131 : i32 to vector<1024x1xi32>
    %add3A_1171 = arith.addi %convert_element_type3A_1169, %add3A_1170 : vector<1024x1xi32>
    %swap3A_1172 = arith.constant 0 : index
    %swap3A_1173 = arith.constant 0 : index
    %swap3A_1174 = arith.constant 14 : index
    %swap3A_1175 = vector.load %arg14[%swap3A_1172, %swap3A_1173, %swap3A_1174] : memref<1x1024x24xi32, #tpu.memory_space<vmem>>, vector<1x1024x1xi32>
    %swap3A_1176 = vector.shape_cast %swap3A_1175 : vector<1x1024x1xi32> to vector<1024x1xi32>
    %swap3A_1177 = vector.shape_cast %add3A_1171 : vector<1024x1xi32> to vector<1x1024x1xi32>
    tpu.vector_store %arg14[%swap3A_1172, %swap3A_1173, %swap3A_1174], %swap3A_1177 {strides = array<i32>} : memref<1x1024x24xi32, #tpu.memory_space<vmem>>, vector<1x1024x1xi32>,
    %eq3A_1178 = vector.broadcast %broadcast_in_dim3A_1168 : vector<1024x1xf32> to vector<1024x1024xf32>
    %eq3A_1179 = arith.cmpf oeq, %convert_element_type3A, %eq3A_1178 : vector<1024x1024xf32>
    %jit3A_1180 = arith.constant 0x7F800000 : f32
    %broadcast_in_dim3A_1181 = vector.broadcast %jit3A_1180 : f32 to vector<1024x1024xf32>
    %select_n3A_1182 = arith.select %eq3A_1179, %broadcast_in_dim3A_1181, %select_n3A_1108 : vector<1024x1024xi1>, vector<1024x1024xf32>
    %slice3A_1183 = vector.extract_strided_slice %select_n3A_1182 {offsets = [0, 0], sizes = [1024, 128], strides = [1, 1]} : vector<1024x1024xf32> to vector<1024x128xf32>
    %broadcast_in_dim3A_1184 = arith.constant 0.000000e+00 : f32
    %broadcast_in_dim3A_1185 = vector.broadcast %broadcast_in_dim3A_1184 : f32 to vector<1024x128xf32>
    %slice3A_1186 = vector.extract_strided_slice %select_n3A_1182 {offsets = [0, 128], sizes = [1024, 128], strides = [1, 1]} : vector<1024x1024xf32> to vector<1024x128xf32>
    %lt3A_1187 = arith.cmpf olt, %slice3A_1186, %slice3A_1183 : vector<1024x128xf32>
    %jit3A_1188 = arith.constant 1.000000e+00 : f32
    %broadcast_in_dim3A_1189 = vector.broadcast %jit3A_1188 : f32 to vector<1024x128xf32>
    %select_n3A_1190 = arith.select %lt3A_1187, %broadcast_in_dim3A_1189, %broadcast_in_dim3A_1185 : vector<1024x128xi1>, vector<1024x128xf32>
    %select_n3A_1191 = arith.select %lt3A_1187, %slice3A_1186, %slice3A_1183 : vector<1024x128xi1>, vector<1024x128xf32>
    %slice3A_1192 = vector.extract_strided_slice %select_n3A_1182 {offsets = [0, 256], sizes = [1024, 128], strides = [1, 1]} : vector<1024x1024xf32> to vector<1024x128xf32>
    %lt3A_1193 = arith.cmpf olt, %slice3A_1192, %select_n3A_1191 : vector<1024x128xf32>
    %jit3A_1194 = arith.constant 2.000000e+00 : f32
    %broadcast_in_dim3A_1195 = vector.broadcast %jit3A_1194 : f32 to vector<1024x128xf32>
    %select_n3A_1196 = arith.select %lt3A_1193, %broadcast_in_dim3A_1195, %select_n3A_1190 : vector<1024x128xi1>, vector<1024x128xf32>
    %select_n3A_1197 = arith.select %lt3A_1193, %slice3A_1192, %select_n3A_1191 : vector<1024x128xi1>, vector<1024x128xf32>
    %slice3A_1198 = vector.extract_strided_slice %select_n3A_1182 {offsets = [0, 384], sizes = [1024, 128], strides = [1, 1]} : vector<1024x1024xf32> to vector<1024x128xf32>
    %lt3A_1199 = arith.cmpf olt, %slice3A_1198, %select_n3A_1197 : vector<1024x128xf32>
    %jit3A_1200 = arith.constant 3.000000e+00 : f32
    %broadcast_in_dim3A_1201 = vector.broadcast %jit3A_1200 : f32 to vector<1024x128xf32>
    %select_n3A_1202 = arith.select %lt3A_1199, %broadcast_in_dim3A_1201, %select_n3A_1196 : vector<1024x128xi1>, vector<1024x128xf32>
    %select_n3A_1203 = arith.select %lt3A_1199, %slice3A_1198, %select_n3A_1197 : vector<1024x128xi1>, vector<1024x128xf32>
    %slice3A_1204 = vector.extract_strided_slice %select_n3A_1182 {offsets = [0, 512], sizes = [1024, 128], strides = [1, 1]} : vector<1024x1024xf32> to vector<1024x128xf32>
    %lt3A_1205 = arith.cmpf olt, %slice3A_1204, %select_n3A_1203 : vector<1024x128xf32>
    %jit3A_1206 = arith.constant 4.000000e+00 : f32
    %broadcast_in_dim3A_1207 = vector.broadcast %jit3A_1206 : f32 to vector<1024x128xf32>
    %select_n3A_1208 = arith.select %lt3A_1205, %broadcast_in_dim3A_1207, %select_n3A_1202 : vector<1024x128xi1>, vector<1024x128xf32>
    %select_n3A_1209 = arith.select %lt3A_1205, %slice3A_1204, %select_n3A_1203 : vector<1024x128xi1>, vector<1024x128xf32>
    %slice3A_1210 = vector.extract_strided_slice %select_n3A_1182 {offsets = [0, 640], sizes = [1024, 128], strides = [1, 1]} : vector<1024x1024xf32> to vector<1024x128xf32>
    %lt3A_1211 = arith.cmpf olt, %slice3A_1210, %select_n3A_1209 : vector<1024x128xf32>
    %jit3A_1212 = arith.constant 5.000000e+00 : f32
    %broadcast_in_dim3A_1213 = vector.broadcast %jit3A_1212 : f32 to vector<1024x128xf32>
    %select_n3A_1214 = arith.select %lt3A_1211, %broadcast_in_dim3A_1213, %select_n3A_1208 : vector<1024x128xi1>, vector<1024x128xf32>
    %select_n3A_1215 = arith.select %lt3A_1211, %slice3A_1210, %select_n3A_1209 : vector<1024x128xi1>, vector<1024x128xf32>
    %slice3A_1216 = vector.extract_strided_slice %select_n3A_1182 {offsets = [0, 768], sizes = [1024, 128], strides = [1, 1]} : vector<1024x1024xf32> to vector<1024x128xf32>
    %lt3A_1217 = arith.cmpf olt, %slice3A_1216, %select_n3A_1215 : vector<1024x128xf32>
    %jit3A_1218 = arith.constant 6.000000e+00 : f32
    %broadcast_in_dim3A_1219 = vector.broadcast %jit3A_1218 : f32 to vector<1024x128xf32>
    %select_n3A_1220 = arith.select %lt3A_1217, %broadcast_in_dim3A_1219, %select_n3A_1214 : vector<1024x128xi1>, vector<1024x128xf32>
    %select_n3A_1221 = arith.select %lt3A_1217, %slice3A_1216, %select_n3A_1215 : vector<1024x128xi1>, vector<1024x128xf32>
    %slice3A_1222 = vector.extract_strided_slice %select_n3A_1182 {offsets = [0, 896], sizes = [1024, 128], strides = [1, 1]} : vector<1024x1024xf32> to vector<1024x128xf32>
    %lt3A_1223 = arith.cmpf olt, %slice3A_1222, %select_n3A_1221 : vector<1024x128xf32>
    %jit3A_1224 = arith.constant 7.000000e+00 : f32
    %broadcast_in_dim3A_1225 = vector.broadcast %jit3A_1224 : f32 to vector<1024x128xf32>
    %select_n3A_1226 = arith.select %lt3A_1223, %broadcast_in_dim3A_1225, %select_n3A_1220 : vector<1024x128xi1>, vector<1024x128xf32>
    %select_n3A_1227 = arith.select %lt3A_1223, %slice3A_1222, %select_n3A_1221 : vector<1024x128xi1>, vector<1024x128xf32>
    %reduce_min3A_1228 = arith.constant dense<0x7F800000> : vector<1024xf32>
    %reduce_min3A_1229 = vector.multi_reduction <minimumf>, %select_n3A_1227, %reduce_min3A_1228 [1] : vector<1024x128xf32> to vector<1024xf32>
    %broadcast_in_dim3A_1230 = vector.shape_cast %reduce_min3A_1229 : vector<1024xf32> to vector<1024x1xf32>
    %eq3A_1231 = vector.broadcast %broadcast_in_dim3A_1230 : vector<1024x1xf32> to vector<1024x128xf32>
    %eq3A_1232 = arith.cmpf oeq, %select_n3A_1227, %eq3A_1231 : vector<1024x128xf32>
    %mul3A_1233 = arith.constant 1.280000e+02 : f32
    %mul3A_1234 = vector.broadcast %mul3A_1233 : f32 to vector<1024x128xf32>
    %mul3A_1235 = arith.mulf %select_n3A_1226, %mul3A_1234 : vector<1024x128xf32>
    %add3A_1236 = arith.addf %mul3A_1235, %convert_element_type3A_147 : vector<1024x128xf32>
    %jit3A_1237 = arith.constant 1.024000e+03 : f32
    %broadcast_in_dim3A_1238 = vector.broadcast %jit3A_1237 : f32 to vector<1024x128xf32>
    %select_n3A_1239 = arith.select %eq3A_1232, %add3A_1236, %broadcast_in_dim3A_1238 : vector<1024x128xi1>, vector<1024x128xf32>
    %reduce_min3A_1240 = arith.constant dense<0x7F800000> : vector<1024xf32>
    %reduce_min3A_1241 = vector.multi_reduction <minimumf>, %select_n3A_1239, %reduce_min3A_1240 [1] : vector<1024x128xf32> to vector<1024xf32>
    %broadcast_in_dim3A_1242 = vector.shape_cast %reduce_min3A_1241 : vector<1024xf32> to vector<1024x1xf32>
    %convert_element_type3A_1243 = arith.fptosi %broadcast_in_dim3A_1242 : vector<1024x1xf32> to vector<1024x1xi32>
    %add3A_1244 = vector.broadcast %mul3A_131 : i32 to vector<1024x1xi32>
    %add3A_1245 = arith.addi %convert_element_type3A_1243, %add3A_1244 : vector<1024x1xi32>
    %swap3A_1246 = arith.constant 0 : index
    %swap3A_1247 = arith.constant 0 : index
    %swap3A_1248 = arith.constant 15 : index
    %swap3A_1249 = vector.load %arg14[%swap3A_1246, %swap3A_1247, %swap3A_1248] : memref<1x1024x24xi32, #tpu.memory_space<vmem>>, vector<1x1024x1xi32>
    %swap3A_1250 = vector.shape_cast %swap3A_1249 : vector<1x1024x1xi32> to vector<1024x1xi32>
    %swap3A_1251 = vector.shape_cast %add3A_1245 : vector<1024x1xi32> to vector<1x1024x1xi32>
    tpu.vector_store %arg14[%swap3A_1246, %swap3A_1247, %swap3A_1248], %swap3A_1251 {strides = array<i32>} : memref<1x1024x24xi32, #tpu.memory_space<vmem>>, vector<1x1024x1xi32>,
    %eq3A_1252 = vector.broadcast %broadcast_in_dim3A_1242 : vector<1024x1xf32> to vector<1024x1024xf32>
    %eq3A_1253 = arith.cmpf oeq, %convert_element_type3A, %eq3A_1252 : vector<1024x1024xf32>
    %jit3A_1254 = arith.constant 0x7F800000 : f32
    %broadcast_in_dim3A_1255 = vector.broadcast %jit3A_1254 : f32 to vector<1024x1024xf32>
    %select_n3A_1256 = arith.select %eq3A_1253, %broadcast_in_dim3A_1255, %select_n3A_1182 : vector<1024x1024xi1>, vector<1024x1024xf32>
    %slice3A_1257 = vector.extract_strided_slice %select_n3A_1256 {offsets = [0, 0], sizes = [1024, 128], strides = [1, 1]} : vector<1024x1024xf32> to vector<1024x128xf32>
    %broadcast_in_dim3A_1258 = arith.constant 0.000000e+00 : f32
    %broadcast_in_dim3A_1259 = vector.broadcast %broadcast_in_dim3A_1258 : f32 to vector<1024x128xf32>
    %slice3A_1260 = vector.extract_strided_slice %select_n3A_1256 {offsets = [0, 128], sizes = [1024, 128], strides = [1, 1]} : vector<1024x1024xf32> to vector<1024x128xf32>
    %lt3A_1261 = arith.cmpf olt, %slice3A_1260, %slice3A_1257 : vector<1024x128xf32>
    %jit3A_1262 = arith.constant 1.000000e+00 : f32
    %broadcast_in_dim3A_1263 = vector.broadcast %jit3A_1262 : f32 to vector<1024x128xf32>
    %select_n3A_1264 = arith.select %lt3A_1261, %broadcast_in_dim3A_1263, %broadcast_in_dim3A_1259 : vector<1024x128xi1>, vector<1024x128xf32>
    %select_n3A_1265 = arith.select %lt3A_1261, %slice3A_1260, %slice3A_1257 : vector<1024x128xi1>, vector<1024x128xf32>
    %slice3A_1266 = vector.extract_strided_slice %select_n3A_1256 {offsets = [0, 256], sizes = [1024, 128], strides = [1, 1]} : vector<1024x1024xf32> to vector<1024x128xf32>
    %lt3A_1267 = arith.cmpf olt, %slice3A_1266, %select_n3A_1265 : vector<1024x128xf32>
    %jit3A_1268 = arith.constant 2.000000e+00 : f32
    %broadcast_in_dim3A_1269 = vector.broadcast %jit3A_1268 : f32 to vector<1024x128xf32>
    %select_n3A_1270 = arith.select %lt3A_1267, %broadcast_in_dim3A_1269, %select_n3A_1264 : vector<1024x128xi1>, vector<1024x128xf32>
    %select_n3A_1271 = arith.select %lt3A_1267, %slice3A_1266, %select_n3A_1265 : vector<1024x128xi1>, vector<1024x128xf32>
    %slice3A_1272 = vector.extract_strided_slice %select_n3A_1256 {offsets = [0, 384], sizes = [1024, 128], strides = [1, 1]} : vector<1024x1024xf32> to vector<1024x128xf32>
    %lt3A_1273 = arith.cmpf olt, %slice3A_1272, %select_n3A_1271 : vector<1024x128xf32>
    %jit3A_1274 = arith.constant 3.000000e+00 : f32
    %broadcast_in_dim3A_1275 = vector.broadcast %jit3A_1274 : f32 to vector<1024x128xf32>
    %select_n3A_1276 = arith.select %lt3A_1273, %broadcast_in_dim3A_1275, %select_n3A_1270 : vector<1024x128xi1>, vector<1024x128xf32>
    %select_n3A_1277 = arith.select %lt3A_1273, %slice3A_1272, %select_n3A_1271 : vector<1024x128xi1>, vector<1024x128xf32>
    %slice3A_1278 = vector.extract_strided_slice %select_n3A_1256 {offsets = [0, 512], sizes = [1024, 128], strides = [1, 1]} : vector<1024x1024xf32> to vector<1024x128xf32>
    %lt3A_1279 = arith.cmpf olt, %slice3A_1278, %select_n3A_1277 : vector<1024x128xf32>
    %jit3A_1280 = arith.constant 4.000000e+00 : f32
    %broadcast_in_dim3A_1281 = vector.broadcast %jit3A_1280 : f32 to vector<1024x128xf32>
    %select_n3A_1282 = arith.select %lt3A_1279, %broadcast_in_dim3A_1281, %select_n3A_1276 : vector<1024x128xi1>, vector<1024x128xf32>
    %select_n3A_1283 = arith.select %lt3A_1279, %slice3A_1278, %select_n3A_1277 : vector<1024x128xi1>, vector<1024x128xf32>
    %slice3A_1284 = vector.extract_strided_slice %select_n3A_1256 {offsets = [0, 640], sizes = [1024, 128], strides = [1, 1]} : vector<1024x1024xf32> to vector<1024x128xf32>
    %lt3A_1285 = arith.cmpf olt, %slice3A_1284, %select_n3A_1283 : vector<1024x128xf32>
    %jit3A_1286 = arith.constant 5.000000e+00 : f32
    %broadcast_in_dim3A_1287 = vector.broadcast %jit3A_1286 : f32 to vector<1024x128xf32>
    %select_n3A_1288 = arith.select %lt3A_1285, %broadcast_in_dim3A_1287, %select_n3A_1282 : vector<1024x128xi1>, vector<1024x128xf32>
    %select_n3A_1289 = arith.select %lt3A_1285, %slice3A_1284, %select_n3A_1283 : vector<1024x128xi1>, vector<1024x128xf32>
    %slice3A_1290 = vector.extract_strided_slice %select_n3A_1256 {offsets = [0, 768], sizes = [1024, 128], strides = [1, 1]} : vector<1024x1024xf32> to vector<1024x128xf32>
    %lt3A_1291 = arith.cmpf olt, %slice3A_1290, %select_n3A_1289 : vector<1024x128xf32>
    %jit3A_1292 = arith.constant 6.000000e+00 : f32
    %broadcast_in_dim3A_1293 = vector.broadcast %jit3A_1292 : f32 to vector<1024x128xf32>
    %select_n3A_1294 = arith.select %lt3A_1291, %broadcast_in_dim3A_1293, %select_n3A_1288 : vector<1024x128xi1>, vector<1024x128xf32>
    %select_n3A_1295 = arith.select %lt3A_1291, %slice3A_1290, %select_n3A_1289 : vector<1024x128xi1>, vector<1024x128xf32>
    %slice3A_1296 = vector.extract_strided_slice %select_n3A_1256 {offsets = [0, 896], sizes = [1024, 128], strides = [1, 1]} : vector<1024x1024xf32> to vector<1024x128xf32>
    %lt3A_1297 = arith.cmpf olt, %slice3A_1296, %select_n3A_1295 : vector<1024x128xf32>
    %jit3A_1298 = arith.constant 7.000000e+00 : f32
    %broadcast_in_dim3A_1299 = vector.broadcast %jit3A_1298 : f32 to vector<1024x128xf32>
    %select_n3A_1300 = arith.select %lt3A_1297, %broadcast_in_dim3A_1299, %select_n3A_1294 : vector<1024x128xi1>, vector<1024x128xf32>
    %select_n3A_1301 = arith.select %lt3A_1297, %slice3A_1296, %select_n3A_1295 : vector<1024x128xi1>, vector<1024x128xf32>
    %reduce_min3A_1302 = arith.constant dense<0x7F800000> : vector<1024xf32>
    %reduce_min3A_1303 = vector.multi_reduction <minimumf>, %select_n3A_1301, %reduce_min3A_1302 [1] : vector<1024x128xf32> to vector<1024xf32>
    %broadcast_in_dim3A_1304 = vector.shape_cast %reduce_min3A_1303 : vector<1024xf32> to vector<1024x1xf32>
    %eq3A_1305 = vector.broadcast %broadcast_in_dim3A_1304 : vector<1024x1xf32> to vector<1024x128xf32>
    %eq3A_1306 = arith.cmpf oeq, %select_n3A_1301, %eq3A_1305 : vector<1024x128xf32>
    %mul3A_1307 = arith.constant 1.280000e+02 : f32
    %mul3A_1308 = vector.broadcast %mul3A_1307 : f32 to vector<1024x128xf32>
    %mul3A_1309 = arith.mulf %select_n3A_1300, %mul3A_1308 : vector<1024x128xf32>
    %add3A_1310 = arith.addf %mul3A_1309, %convert_element_type3A_147 : vector<1024x128xf32>
    %jit3A_1311 = arith.constant 1.024000e+03 : f32
    %broadcast_in_dim3A_1312 = vector.broadcast %jit3A_1311 : f32 to vector<1024x128xf32>
    %select_n3A_1313 = arith.select %eq3A_1306, %add3A_1310, %broadcast_in_dim3A_1312 : vector<1024x128xi1>, vector<1024x128xf32>
    %reduce_min3A_1314 = arith.constant dense<0x7F800000> : vector<1024xf32>
    %reduce_min3A_1315 = vector.multi_reduction <minimumf>, %select_n3A_1313, %reduce_min3A_1314 [1] : vector<1024x128xf32> to vector<1024xf32>
    %broadcast_in_dim3A_1316 = vector.shape_cast %reduce_min3A_1315 : vector<1024xf32> to vector<1024x1xf32>
    %convert_element_type3A_1317 = arith.fptosi %broadcast_in_dim3A_1316 : vector<1024x1xf32> to vector<1024x1xi32>
    %add3A_1318 = vector.broadcast %mul3A_131 : i32 to vector<1024x1xi32>
    %add3A_1319 = arith.addi %convert_element_type3A_1317, %add3A_1318 : vector<1024x1xi32>
    %swap3A_1320 = arith.constant 0 : index
    %swap3A_1321 = arith.constant 0 : index
    %swap3A_1322 = arith.constant 16 : index
    %swap3A_1323 = vector.load %arg14[%swap3A_1320, %swap3A_1321, %swap3A_1322] : memref<1x1024x24xi32, #tpu.memory_space<vmem>>, vector<1x1024x1xi32>
    %swap3A_1324 = vector.shape_cast %swap3A_1323 : vector<1x1024x1xi32> to vector<1024x1xi32>
    %swap3A_1325 = vector.shape_cast %add3A_1319 : vector<1024x1xi32> to vector<1x1024x1xi32>
    tpu.vector_store %arg14[%swap3A_1320, %swap3A_1321, %swap3A_1322], %swap3A_1325 {strides = array<i32>} : memref<1x1024x24xi32, #tpu.memory_space<vmem>>, vector<1x1024x1xi32>,
    return
  }
  func.func @transform_0(%arg0: i32) -> (i32, i32, i32) {
    %c0_i32 = arith.constant 0 : i32
    %c0_i32_0 = arith.constant 0 : i32
    %c0_i32_1 = arith.constant 0 : i32
    return %arg0, %c0_i32, %c0_i32_0 : i32, i32, i32
  }
  func.func @transform_1(%arg0: i32) -> (i32, i32, i32) {
    %c0_i32 = arith.constant 0 : i32
    %c0_i32_0 = arith.constant 0 : i32
    %c0_i32_1 = arith.constant 0 : i32
    return %arg0, %c0_i32, %c0_i32_0 : i32, i32, i32
  }
  func.func @transform_2(%arg0: i32) -> (i32, i32, i32) {
    %c0_i32 = arith.constant 0 : i32
    %c0_i32_0 = arith.constant 0 : i32
    %c0_i32_1 = arith.constant 0 : i32
    return %arg0, %c0_i32, %c0_i32_0 : i32, i32, i32
  }
  func.func @transform_3(%arg0: i32) -> (i32, i32, i32) {
    %c0_i32 = arith.constant 0 : i32
    %c0_i32_0 = arith.constant 0 : i32
    %c0_i32_1 = arith.constant 0 : i32
    return %arg0, %c0_i32, %c0_i32_0 : i32, i32, i32
  }
  func.func @transform_4(%arg0: i32) -> (i32, i32, i32) {
    %c0_i32 = arith.constant 0 : i32
    %c0_i32_0 = arith.constant 0 : i32
    %c0_i32_1 = arith.constant 0 : i32
    return %arg0, %c0_i32, %c0_i32_0 : i32, i32, i32
  }
  func.func @transform_5(%arg0: i32) -> (i32, i32) {
    %c0_i32 = arith.constant 0 : i32
    %c0_i32_0 = arith.constant 0 : i32
    %c0_i32_1 = arith.constant 0 : i32
    return %c0_i32, %c0_i32_0 : i32, i32
  }
  func.func @transform_6(%arg0: i32) -> (i32, i32) {
    %c0_i32 = arith.constant 0 : i32
    %c0_i32_0 = arith.constant 0 : i32
    %c0_i32_1 = arith.constant 0 : i32
    return %c0_i32, %c0_i32_0 : i32, i32
  }
  func.func @transform_7(%arg0: i32) -> (i32, i32) {
    %c0_i32 = arith.constant 0 : i32
    %c0_i32_0 = arith.constant 0 : i32
    %c0_i32_1 = arith.constant 0 : i32
    return %c0_i32, %c0_i32_0 : i32, i32
  }
  func.func @transform_8(%arg0: i32) -> (i32, i32) {
    %c0_i32 = arith.constant 0 : i32
    %c0_i32_0 = arith.constant 0 : i32
    %c0_i32_1 = arith.constant 0 : i32
    return %c0_i32, %c0_i32_0 : i32, i32
  }
  func.func @transform_9(%arg0: i32) -> (i32, i32) {
    %c0_i32 = arith.constant 0 : i32
    %c0_i32_0 = arith.constant 0 : i32
    %c0_i32_1 = arith.constant 0 : i32
    return %c0_i32, %c0_i32_0 : i32, i32
  }
  func.func @transform_10(%arg0: i32) -> (i32, i32) {
    %c0_i32 = arith.constant 0 : i32
    %c0_i32_0 = arith.constant 0 : i32
    %c0_i32_1 = arith.constant 0 : i32
    return %c0_i32, %c0_i32_0 : i32, i32
  }
  func.func @transform_11(%arg0: i32) -> (i32, i32) {
    %c0_i32 = arith.constant 0 : i32
    %c0_i32_0 = arith.constant 0 : i32
    %c0_i32_1 = arith.constant 0 : i32
    return %c0_i32, %c0_i32_0 : i32, i32
  }
  func.func @transform_12(%arg0: i32) -> (i32, i32) {
    %c0_i32 = arith.constant 0 : i32
    %c0_i32_0 = arith.constant 0 : i32
    %c0_i32_1 = arith.constant 0 : i32
    return %c0_i32, %c0_i32_0 : i32, i32
  }
  func.func @transform_13(%arg0: i32) -> (i32, i32, i32) {
    %c0_i32 = arith.constant 0 : i32
    %c0_i32_0 = arith.constant 0 : i32
    %c0_i32_1 = arith.constant 0 : i32
    return %arg0, %c0_i32, %c0_i32_0 : i32, i32, i32
  }
  func.func @transform_14(%arg0: i32) -> (i32, i32, i32) {
    %c0_i32 = arith.constant 0 : i32
    %c0_i32_0 = arith.constant 0 : i32
    %c0_i32_1 = arith.constant 0 : i32
    return %arg0, %c0_i32, %c0_i32_0 : i32, i32, i32
  }
  func.func @transform_15(%arg0: i32) -> (i32, i32, i32) {
    %c0_i32 = arith.constant 0 : i32
    %c0_i32_0 = arith.constant 0 : i32
    %c0_i32_1 = arith.constant 0 : i32
    return %arg0, %c0_i32, %c0_i32_0 : i32, i32, i32
  }
}

module attributes {stable_mosaic.version = 14 : i64} {
  func.func @body(%arg0: i32, %arg1: memref<1x17x1024x128xf32, #tpu.memory_space<vmem>>, %arg2: memref<1x1024x16xf32, #tpu.memory_space<vmem>>, %arg3: memref<1x1024x64xf32, #tpu.memory_space<vmem>>, %arg4: memref<16x64xf32, #tpu.memory_space<vmem>>, %arg5: memref<16x64xf32, #tpu.memory_space<vmem>>, %arg6: memref<16x64xf32, #tpu.memory_space<vmem>>, %arg7: memref<1x64xf32, #tpu.memory_space<vmem>>, %arg8: memref<64x64xf32, #tpu.memory_space<vmem>>, %arg9: memref<1x64xf32, #tpu.memory_space<vmem>>, %arg10: memref<1x1024x64xf32, #tpu.memory_space<vmem>>, %arg11: memref<1x1024x1xf32, #tpu.memory_space<vmem>>) attributes {dimension_semantics = [#tpu.dimension_semantics<arbitrary>], iteration_bounds = array<i64: 8>, scalar_prefetch = 0 : i64, scratch_operands = 0 : i64, tpu.core_type = #tpu.core_type<tc>, window_params = [{transform_indices = @transform_0, window_bounds = array<i64: 1, 17, 1024, 128>}, {transform_indices = @transform_1, window_bounds = array<i64: 1, 1024, 16>}, {transform_indices = @transform_2, window_bounds = array<i64: 1, 1024, 64>}, {pipeline_mode = #tpu.pipeline_mode<synchronous>, transform_indices = @transform_3, window_bounds = array<i64: 16, 64>}, {pipeline_mode = #tpu.pipeline_mode<synchronous>, transform_indices = @transform_4, window_bounds = array<i64: 16, 64>}, {pipeline_mode = #tpu.pipeline_mode<synchronous>, transform_indices = @transform_5, window_bounds = array<i64: 16, 64>}, {pipeline_mode = #tpu.pipeline_mode<synchronous>, transform_indices = @transform_6, window_bounds = array<i64: 1, 64>}, {pipeline_mode = #tpu.pipeline_mode<synchronous>, transform_indices = @transform_7, window_bounds = array<i64: 64, 64>}, {pipeline_mode = #tpu.pipeline_mode<synchronous>, transform_indices = @transform_8, window_bounds = array<i64: 1, 64>}, {transform_indices = @transform_9, window_bounds = array<i64: 1, 1024, 64>}, {transform_indices = @transform_10, window_bounds = array<i64: 1, 1024, 1>}]} {
    %get3A = arith.constant 0 : index
    %get3A_0 = arith.constant 0 : index
    %get3A_1 = arith.constant 0 : index
    %get3A_2 = arith.constant 0 : index
    %get3A_3 = vector.load %arg1[%get3A, %get3A_0, %get3A_1, %get3A_2] : memref<1x17x1024x128xf32, #tpu.memory_space<vmem>>, vector<1x17x1024x128xf32>
    %get3A_4 = vector.shape_cast %get3A_3 : vector<1x17x1024x128xf32> to vector<17x1024x128xf32>
    %get3A_5 = arith.constant 0 : index
    %get3A_6 = arith.constant 0 : index
    %get3A_7 = arith.constant 0 : index
    %get3A_8 = vector.load %arg2[%get3A_5, %get3A_6, %get3A_7] : memref<1x1024x16xf32, #tpu.memory_space<vmem>>, vector<1x1024x16xf32>
    %get3A_9 = vector.shape_cast %get3A_8 : vector<1x1024x16xf32> to vector<1024x16xf32>
    %slice3A = vector.extract_strided_slice %get3A_4 {offsets = [0, 0, 0], sizes = [17, 1024, 16], strides = [1, 1, 1]} : vector<17x1024x128xf32> to vector<17x1024x16xf32>
    %broadcast_in_dim3A = vector.shape_cast %get3A_9 : vector<1024x16xf32> to vector<1x1024x16xf32>
    %sub3A = vector.broadcast %broadcast_in_dim3A : vector<1x1024x16xf32> to vector<17x1024x16xf32>
    %sub3A_10 = arith.subf %slice3A, %sub3A : vector<17x1024x16xf32>
    %mul3A = arith.mulf %sub3A_10, %sub3A_10 : vector<17x1024x16xf32>
    %reshape3A = vector.shape_cast %mul3A : vector<17x1024x16xf32> to vector<17408x16xf32>
    %iota3A = tpu.iota {dimensions = array<i32: 0>} : vector<16x16xi32>
    %lt3A = arith.constant 3 : i32
    %lt3A_11 = vector.broadcast %lt3A : i32 to vector<16x16xi32>
    %lt3A_12 = arith.cmpi slt, %iota3A, %lt3A_11 : vector<16x16xi32>
    %jit3A = arith.constant 1.000000e+00 : f32
    %jit3A_13 = arith.constant 0.000000e+00 : f32
    %broadcast_in_dim3A_14 = vector.broadcast %jit3A : f32 to vector<16x16xf32>
    %broadcast_in_dim3A_15 = vector.broadcast %jit3A_13 : f32 to vector<16x16xf32>
    %select_n3A = arith.select %lt3A_12, %broadcast_in_dim3A_14, %broadcast_in_dim3A_15 : vector<16x16xi1>, vector<16x16xf32>
    %dot_general3A = arith.constant dense<0.000000e+00> : vector<17408x16xf32>
    %dot_general3A_16 = tpu.matmul %reshape3A, %select_n3A, %dot_general3A {dimension_numbers = #tpu.dot_dimension_numbers<[1], [0], [0], [1], [0, 0, 1, 1], [], []>, transpose_lhs_hint = false} : vector<17408x16xf32>, vector<16x16xf32>, vector<17408x16xf32> -> vector<17408x16xf32>
    %eq3A = arith.constant 0.000000e+00 : f32
    %eq3A_17 = vector.broadcast %eq3A : f32 to vector<17408x16xf32>
    %eq3A_18 = arith.cmpf oeq, %dot_general3A_16, %eq3A_17 : vector<17408x16xf32>
    %sqrt3A = math.sqrt %dot_general3A_16 : vector<17408x16xf32>
    %jit3A_19 = arith.constant 0.000000e+00 : f32
    %broadcast_in_dim3A_20 = vector.broadcast %jit3A_19 : f32 to vector<17408x16xf32>
    %select_n3A_21 = arith.select %eq3A_18, %broadcast_in_dim3A_20, %sqrt3A : vector<17408x16xi1>, vector<17408x16xf32>
    %reshape3A_22 = vector.shape_cast %slice3A : vector<17x1024x16xf32> to vector<17408x16xf32>
    %get3A_23 = arith.constant 0 : index
    %get3A_24 = arith.constant 0 : index
    %get3A_25 = vector.load %arg4[%get3A_23, %get3A_24] : memref<16x64xf32, #tpu.memory_space<vmem>>, vector<16x64xf32>
    %dot_general3A_26 = arith.constant dense<0.000000e+00> : vector<17408x64xf32>
    %dot_general3A_27 = tpu.matmul %reshape3A_22, %get3A_25, %dot_general3A_26 {dimension_numbers = #tpu.dot_dimension_numbers<[1], [0], [0], [1], [0, 0, 1, 1], [], []>, transpose_lhs_hint = false} : vector<17408x16xf32>, vector<16x64xf32>, vector<17408x64xf32> -> vector<17408x64xf32>
    %get3A_28 = arith.constant 0 : index
    %get3A_29 = arith.constant 0 : index
    %get3A_30 = vector.load %arg6[%get3A_28, %get3A_29] : memref<16x64xf32, #tpu.memory_space<vmem>>, vector<16x64xf32>
    %dot_general3A_31 = arith.constant dense<0.000000e+00> : vector<17408x64xf32>
    %dot_general3A_32 = tpu.matmul %select_n3A_21, %get3A_30, %dot_general3A_31 {dimension_numbers = #tpu.dot_dimension_numbers<[1], [0], [0], [1], [0, 0, 1, 1], [], []>, transpose_lhs_hint = false} : vector<17408x16xf32>, vector<16x64xf32>, vector<17408x64xf32> -> vector<17408x64xf32>
    %get3A_33 = arith.constant 0 : index
    %get3A_34 = arith.constant 0 : index
    %get3A_35 = vector.load %arg5[%get3A_33, %get3A_34] : memref<16x64xf32, #tpu.memory_space<vmem>>, vector<16x64xf32>
    %dot_general3A_36 = arith.constant dense<0.000000e+00> : vector<1024x64xf32>
    %dot_general3A_37 = tpu.matmul %get3A_9, %get3A_35, %dot_general3A_36 {dimension_numbers = #tpu.dot_dimension_numbers<[1], [0], [0], [1], [0, 0, 1, 1], [], []>, transpose_lhs_hint = false} : vector<1024x16xf32>, vector<16x64xf32>, vector<1024x64xf32> -> vector<1024x64xf32>
    %get3A_38 = arith.constant 0 : index
    %get3A_39 = arith.constant 0 : index
    %get3A_40 = vector.load %arg7[%get3A_38, %get3A_39] : memref<1x64xf32, #tpu.memory_space<vmem>>, vector<1x64xf32>
    %add3A = vector.broadcast %get3A_40 : vector<1x64xf32> to vector<1024x64xf32>
    %add3A_41 = arith.addf %dot_general3A_37, %add3A : vector<1024x64xf32>
    %add3A_42 = arith.addf %dot_general3A_27, %dot_general3A_32 : vector<17408x64xf32>
    %reshape3A_43 = vector.shape_cast %add3A_42 : vector<17408x64xf32> to vector<17x1024x64xf32>
    %broadcast_in_dim3A_44 = vector.shape_cast %add3A_41 : vector<1024x64xf32> to vector<1x1024x64xf32>
    %add3A_45 = vector.broadcast %broadcast_in_dim3A_44 : vector<1x1024x64xf32> to vector<17x1024x64xf32>
    %add3A_46 = arith.addf %reshape3A_43, %add3A_45 : vector<17x1024x64xf32>
    %max3A = arith.constant 0.000000e+00 : f32
    %max3A_47 = vector.broadcast %max3A : f32 to vector<17x1024x64xf32>
    %max3A_48 = arith.maximumf %add3A_46, %max3A_47 : vector<17x1024x64xf32>
    %reshape3A_49 = vector.shape_cast %max3A_48 : vector<17x1024x64xf32> to vector<17408x64xf32>
    %get3A_50 = arith.constant 0 : index
    %get3A_51 = arith.constant 0 : index
    %get3A_52 = vector.load %arg8[%get3A_50, %get3A_51] : memref<64x64xf32, #tpu.memory_space<vmem>>, vector<64x64xf32>
    %dot_general3A_53 = arith.constant dense<0.000000e+00> : vector<17408x64xf32>
    %dot_general3A_54 = tpu.matmul %reshape3A_49, %get3A_52, %dot_general3A_53 {dimension_numbers = #tpu.dot_dimension_numbers<[1], [0], [0], [1], [0, 0, 1, 1], [], []>, transpose_lhs_hint = false} : vector<17408x64xf32>, vector<64x64xf32>, vector<17408x64xf32> -> vector<17408x64xf32>
    %reshape3A_55 = vector.shape_cast %dot_general3A_54 : vector<17408x64xf32> to vector<17x1024x64xf32>
    %get3A_56 = arith.constant 0 : index
    %get3A_57 = arith.constant 0 : index
    %get3A_58 = vector.load %arg9[%get3A_56, %get3A_57] : memref<1x64xf32, #tpu.memory_space<vmem>>, vector<1x64xf32>
    %broadcast_in_dim3A_59 = vector.shape_cast %get3A_58 : vector<1x64xf32> to vector<1x1x64xf32>
    %add3A_60 = vector.broadcast %broadcast_in_dim3A_59 : vector<1x1x64xf32> to vector<17x1024x64xf32>
    %add3A_61 = arith.addf %reshape3A_55, %add3A_60 : vector<17x1024x64xf32>
    %slice3A_62 = vector.extract_strided_slice %get3A_4 {offsets = [0, 0, 64], sizes = [17, 1024, 64], strides = [1, 1, 1]} : vector<17x1024x128xf32> to vector<17x1024x64xf32>
    %mul3A_63 = arith.mulf %slice3A_62, %add3A_61 : vector<17x1024x64xf32>
    %reduce_sum3A = arith.constant dense<0.000000e+00> : vector<1024x64xf32>
    %reduce_sum3A_64 = vector.multi_reduction <add>, %mul3A_63, %reduce_sum3A [0] : vector<17x1024x64xf32> to vector<1024x64xf32>
    %get3A_65 = arith.constant 0 : index
    %get3A_66 = arith.constant 0 : index
    %get3A_67 = arith.constant 0 : index
    %get3A_68 = vector.load %arg3[%get3A_65, %get3A_66, %get3A_67] : memref<1x1024x64xf32, #tpu.memory_space<vmem>>, vector<1x1024x64xf32>
    %get3A_69 = vector.shape_cast %get3A_68 : vector<1x1024x64xf32> to vector<1024x64xf32>
    %add3A_70 = arith.addf %reduce_sum3A_64, %get3A_69 : vector<1024x64xf32>
    %swap3A = arith.constant 0 : index
    %swap3A_71 = arith.constant 0 : index
    %swap3A_72 = arith.constant 0 : index
    %swap3A_73 = vector.load %arg10[%swap3A, %swap3A_71, %swap3A_72] : memref<1x1024x64xf32, #tpu.memory_space<vmem>>, vector<1x1024x64xf32>
    %swap3A_74 = vector.shape_cast %swap3A_73 : vector<1x1024x64xf32> to vector<1024x64xf32>
    %swap3A_75 = vector.shape_cast %add3A_70 : vector<1024x64xf32> to vector<1x1024x64xf32>
    tpu.vector_store %arg10[%swap3A, %swap3A_71, %swap3A_72], %swap3A_75 {strides = array<i32>} : memref<1x1024x64xf32, #tpu.memory_space<vmem>>, vector<1x1024x64xf32>,
    %reduce_sum3A_76 = arith.constant dense<0.000000e+00> : vector<1024xf32>
    %reduce_sum3A_77 = vector.multi_reduction <add>, %add3A_70, %reduce_sum3A_76 [1] : vector<1024x64xf32> to vector<1024xf32>
    %broadcast_in_dim3A_78 = vector.shape_cast %reduce_sum3A_77 : vector<1024xf32> to vector<1024x1xf32>
    %swap3A_79 = arith.constant 0 : index
    %swap3A_80 = arith.constant 0 : index
    %swap3A_81 = arith.constant 0 : index
    %swap3A_82 = vector.load %arg11[%swap3A_79, %swap3A_80, %swap3A_81] : memref<1x1024x1xf32, #tpu.memory_space<vmem>>, vector<1x1024x1xf32>
    %swap3A_83 = vector.shape_cast %swap3A_82 : vector<1x1024x1xf32> to vector<1024x1xf32>
    %swap3A_84 = vector.shape_cast %broadcast_in_dim3A_78 : vector<1024x1xf32> to vector<1x1024x1xf32>
    tpu.vector_store %arg11[%swap3A_79, %swap3A_80, %swap3A_81], %swap3A_84 {strides = array<i32>} : memref<1x1024x1xf32, #tpu.memory_space<vmem>>, vector<1x1024x1xf32>,
    return
  }
  func.func @transform_0(%arg0: i32) -> (i32, i32, i32, i32) {
    %c0_i32 = arith.constant 0 : i32
    %c0_i32_0 = arith.constant 0 : i32
    %c0_i32_1 = arith.constant 0 : i32
    %c0_i32_2 = arith.constant 0 : i32
    return %arg0, %c0_i32, %c0_i32_0, %c0_i32_1 : i32, i32, i32, i32
  }
  func.func @transform_1(%arg0: i32) -> (i32, i32, i32) {
    %c0_i32 = arith.constant 0 : i32
    %c0_i32_0 = arith.constant 0 : i32
    %c0_i32_1 = arith.constant 0 : i32
    return %arg0, %c0_i32, %c0_i32_0 : i32, i32, i32
  }
  func.func @transform_2(%arg0: i32) -> (i32, i32, i32) {
    %c0_i32 = arith.constant 0 : i32
    %c0_i32_0 = arith.constant 0 : i32
    %c0_i32_1 = arith.constant 0 : i32
    return %arg0, %c0_i32, %c0_i32_0 : i32, i32, i32
  }
  func.func @transform_3(%arg0: i32) -> (i32, i32) {
    %c0_i32 = arith.constant 0 : i32
    %c0_i32_0 = arith.constant 0 : i32
    %c0_i32_1 = arith.constant 0 : i32
    return %c0_i32, %c0_i32_0 : i32, i32
  }
  func.func @transform_4(%arg0: i32) -> (i32, i32) {
    %c0_i32 = arith.constant 0 : i32
    %c0_i32_0 = arith.constant 0 : i32
    %c0_i32_1 = arith.constant 0 : i32
    return %c0_i32, %c0_i32_0 : i32, i32
  }
  func.func @transform_5(%arg0: i32) -> (i32, i32) {
    %c0_i32 = arith.constant 0 : i32
    %c0_i32_0 = arith.constant 0 : i32
    %c0_i32_1 = arith.constant 0 : i32
    return %c0_i32, %c0_i32_0 : i32, i32
  }
  func.func @transform_6(%arg0: i32) -> (i32, i32) {
    %c0_i32 = arith.constant 0 : i32
    %c0_i32_0 = arith.constant 0 : i32
    %c0_i32_1 = arith.constant 0 : i32
    return %c0_i32, %c0_i32_0 : i32, i32
  }
  func.func @transform_7(%arg0: i32) -> (i32, i32) {
    %c0_i32 = arith.constant 0 : i32
    %c0_i32_0 = arith.constant 0 : i32
    %c0_i32_1 = arith.constant 0 : i32
    return %c0_i32, %c0_i32_0 : i32, i32
  }
  func.func @transform_8(%arg0: i32) -> (i32, i32) {
    %c0_i32 = arith.constant 0 : i32
    %c0_i32_0 = arith.constant 0 : i32
    %c0_i32_1 = arith.constant 0 : i32
    return %c0_i32, %c0_i32_0 : i32, i32
  }
  func.func @transform_9(%arg0: i32) -> (i32, i32, i32) {
    %c0_i32 = arith.constant 0 : i32
    %c0_i32_0 = arith.constant 0 : i32
    %c0_i32_1 = arith.constant 0 : i32
    return %arg0, %c0_i32, %c0_i32_0 : i32, i32, i32
  }
  func.func @transform_10(%arg0: i32) -> (i32, i32, i32) {
    %c0_i32 = arith.constant 0 : i32
    %c0_i32_0 = arith.constant 0 : i32
    %c0_i32_1 = arith.constant 0 : i32
    return %arg0, %c0_i32, %c0_i32_0 : i32, i32, i32
  }
}

</mosaic_0001>

<sc_bundles>
// kernel: kernel.14.cloned.1.call-start
scs
__scs_entry_jumppad:
0x0: {  	(pc) =	sbr.rel $0x88, $3  }
0x1: {  	(tag) =	ssettag $0x0;
	lr =	simm.s32 $0x1  }
0x2: {  	[smem:$0x3F91] =	sst lr;
	_ =	strace $0xD0000000  }
0x3: {  	_ = 	snop  }
0x4: {  	_ = 	snop  }
0x5: {  	_ = 	snop  }
0x6: {  	_ = 	snop  }
0x7: {  	_ = 	snop  }
__scs_overlays_trampoline_lowered:
0x8: {  	[smem:$0x3FA0] =	sst s0  }
0x9: {  	[smem:$0x3FA1] =	sst s1  }
0xa: {  	[smem:$0x3FA2] =	sst s2  }
0xb: {  	[smem:$0x3FA3] =	sst s3  }
0xc: {  	[smem:$0x3FA4] =	sst s4  }
0xd: {  	[smem:$0x3FA5] =	sst s5  }
0xe: {  	[smem:$0x3FA6] =	sst s6  }
0xf: {  	[smem:$0x3FA7] =	sst s7  }
0x10: {  	[smem:$0x3FA8] =	sst s8  }
0x11: {  	[smem:$0x3FA9] =	sst s9;
	s0 =	simm.s32 @!p0 $0x0  }
0x12: {  	s1 =	sld [smem:$0x3F8F];
	s0 =	simm.s32 @p0 $0x1  }
0x13: {  	[smem:$0x3FAA] =	sst s0;
	s0 =	simm.s32 @!p1 $0x0  }
0x14: {  	s2 =	sld [smem:$0x3F8E];
	s0 =	simm.s32 @p1 $0x1  }
0x15: {  	[smem:$0x3FAB] =	sst s0;
	s0 =	simm.s32 @!p2 $0x0  }
0x16: {  	s3 =	sld [smem:$0x3FDB];
	s0 =	simm.s32 @p2 $0x1  }
0x17: {  	s4 =	simm.s32 $0x1BF5;
	[smem:$0x3FAD] =	sst s0  }
0x18: {  	s0 =	sld [smem:$0x3F90];
	_ =	swait.ge [sflag:s4], $0x0  }
0x19: {  	s7 =	sld [smem:$0x3F91]  }
0x1a: {  	s8 =	sadd.s32 $0xFFFFE003, lr  }
0x1b: {  	s9 =	sadd.s32 $0xFFFFFEF7, lr;
	s5 =	simm.s32 $0xFFFFFFFF;
	p2 =	slt.u32 s8, $0xFFFFF086  }
0x1c: {  	p1 =	slt.u32 s9, $0xF7A;
	s5 =	simm.s32 @!p2 $0x0  }
0x1d: {  	s5 =	simm.s32 @p1 $0x1;
	p0 =	seq.s32 s7, s2  }
0x1e: {  	s7 =	smul.u32 @!p0 $0xF7A, s2;
	p2 =	seq.s32 @!p0 s5, $0x0  }
0x1f: {  	s9 =	smul.u32 $0xF7A, s1;
	s8 =	simm.s32 @!p0 $0x1BF5;
	p2 =	por !p2, p0  }
0x20: {  	[sflag:s8] =	ssyncset.s32 @!p0 $0xFFFFF086;
	s6 =	sadd.s32 @!p0 s3, s7;
	s7 =	simm.s32 @!p0 $0x108  }
0x21: {  	s3 =	sadd.s32 s3, s9;
	s6 =	sadd.s32 @!p0 $0x88, s6;
	s7 =	simm.s32 @p2 $0x1082  }
0x22: {  	[simem:s7], [sflag:s8] =	dma.local @!p0 [hbm:s6], $0xF7A  }
0x23: {  	s9 =	sor.u32 $0xD0000000, s2;
	s6 =	simm.s32 $0x108;
	_ =	swait.ge @!p0 [sflag:s8], $0x0  }
0x24: {  	s3 =	sadd.s32 $0x88, s3;
	s6 =	simm.s32 @!p1 $0x1082;
	[sflag:s4] =	ssyncset.s32 $0xFFFFF086  }
0x25: {  	[simem:s6], [sflag:s4] =	dma.local [hbm:s3], $0xF7A  }
0x26: {  	[smem:$0x3F91] =	sst s1;
	(tag) =	ssettag s2;
	_ =	strace s9  }
0x27: {  	s1 =	sld [smem:$0x3FA1]  }
0x28: {  	s2 =	sld [smem:$0x3FA2]  }
0x29: {  	s4 =	sld [smem:$0x3FA4]  }
0x2a: {  	p0 =	seq.s32 s5, $0x0;
	s5 =	sld [smem:$0x3FA5]  }
0x2b: {  	s6 =	sld [smem:$0x3FA6]  }
0x2c: {  	s7 =	sld [smem:$0x3FA7]  }
0x2d: {  	s3 =	simm.s32 $0x108;
	s8 =	sld [smem:$0x3FA8]  }
0x2e: {  	s3 =	simm.s32 @!p0 $0x1082;
	s9 =	sld [smem:$0x3FA9]  }
0x2f: {  	lr =	sadd.s32 s0, s3;
	s0 =	sld [smem:$0x3FA0]  }
0x30: {  	s3 =	sld [smem:$0x3FA3]  }
0x31: {  	[smem:$0x3FAC] =	sst s10  }
0x32: {  	s10 =	sld [smem:$0x3FAA];
	_ =	sdelay $0x3  }
0x33: {  	p0 =	seq.s32 s10, $0x1;
	s10 =	sld [smem:$0x3FAC];
	_ =	sdelay $0x3  }
0x34: {  	[smem:$0x3FAC] =	sst s10  }
0x35: {  	s10 =	sld [smem:$0x3FAB];
	_ =	sdelay $0x3  }
0x36: {  	p1 =	seq.s32 s10, $0x1;
	s10 =	sld [smem:$0x3FAC];
	_ =	sdelay $0x3  }
0x37: {  	[smem:$0x3FAC] =	sst s10  }
0x38: {  	s10 =	sld [smem:$0x3FAD]  }
0x39: {  	_ = 	snop;
	(pc) =	sbr.ind lr, $3  }
0x3a: {  	_ = 	snop  }
0x3b: {  	_ = 	snop  }
0x3c: {  	p2 =	seq.s32 s10, $0x1;
	s10 =	sld [smem:$0x3FAC]  }
0x3d: {  	_ =	shalt  }
0x3e: {  	_ =	shalt  }
0x3f: {  	_ =	shalt  }
0x40: {  	_ =	shalt  }
0x41: {  	_ =	shalt  }
0x42: {  	_ =	shalt  }
0x43: {  	_ =	shalt  }
0x44: {  	_ =	shalt  }
0x45: {  	_ =	shalt  }
0x46: {  	_ =	shalt  }
0x47: {  	_ =	shalt  }
0x48: {  	_ =	shalt  }
0x49: {  	_ =	shalt  }
0x4a: {  	_ =	shalt  }
0x4b: {  	_ =	shalt  }
0x4c: {  	_ =	shalt  }
0x4d: {  	_ =	shalt  }
0x4e: {  	_ =	shalt  }
0x4f: {  	_ =	shalt  }
0x50: {  	_ =	shalt  }
0x51: {  	_ =	shalt  }
0x52: {  	_ =	shalt  }
0x53: {  	_ =	shalt  }
0x54: {  	_ =	shalt  }
0x55: {  	_ =	shalt  }
0x56: {  	_ =	shalt  }
0x57: {  	_ =	shalt  }
0x58: {  	_ =	shalt  }
0x59: {  	_ =	shalt  }
0x5a: {  	_ =	shalt  }
0x5b: {  	_ =	shalt  }
0x5c: {  	_ =	shalt  }
0x5d: {  	_ =	shalt  }
0x5e: {  	_ =	shalt  }
0x5f: {  	_ =	shalt  }
0x60: {  	_ =	shalt  }
0x61: {  	_ =	shalt  }
0x62: {  	_ =	shalt  }
0x63: {  	_ =	shalt  }
0x64: {  	_ =	shalt  }
0x65: {  	_ =	shalt  }
0x66: {  	_ =	shalt  }
0x67: {  	_ =	shalt  }
0x68: {  	_ =	shalt  }
0x69: {  	_ =	shalt  }
0x6a: {  	_ =	shalt  }
0x6b: {  	_ =	shalt  }
0x6c: {  	_ =	shalt  }
0x6d: {  	_ =	shalt  }
0x6e: {  	_ =	shalt  }
0x6f: {  	_ =	shalt  }
0x70: {  	_ =	shalt  }
0x71: {  	_ =	shalt  }
0x72: {  	_ =	shalt  }
0x73: {  	_ =	shalt  }
0x74: {  	_ =	shalt  }
0x75: {  	_ =	shalt  }
0x76: {  	_ =	shalt  }
0x77: {  	_ =	shalt  }
0x78: {  	_ =	shalt  }
0x79: {  	_ =	shalt  }
0x7a: {  	_ =	shalt  }
0x7b: {  	_ =	shalt  }
0x7c: {  	_ =	shalt  }
0x7d: {  	_ =	shalt  }
0x7e: {  	_ =	shalt  }
0x7f: {  	_ =	shalt  }
0x80: {  	_ =	shalt  }
0x81: {  	_ =	shalt  }
0x82: {  	_ =	shalt  }
0x83: {  	_ =	shalt  }
0x84: {  	_ =	shalt  }
0x85: {  	_ =	shalt  }
0x86: {  	_ =	shalt  }
0x87: {  	_ =	shalt  }
.Lfunc_end0:
.L_simem_size_0:
called_computation_lowered:
.L_overlay_start_0:
0x88: {  	s2 =	sld [smem:$0x3FD9]  }
0x89: {  	s3 =	sld [smem:$0x3FFE];
	_ =	sdelay $0x1  }
0x8a: {  	s1 =	srdreg.scid  }
0x8b: {  	s0 =	sand.u32 $0x1, s1  }
0x8c: {  	s17 =	sshll.u32 s0, $0xA;
	s2 =	sadd.s32 s3, s2  }
0x8d: {  	s2 =	sadd.s32 s2, s17  }
0x8e: {  	[smem:$0x3FB8] =	sst s2  }
0x8f: {  	_ = 	snop  }
0x90: {  	(tm) =	ssettm $0x1  }
0x91: {  	s18 =	sld [smem:$0x3FFB];
	_ =	sdelay $0x3  }
0x92: {  	_ =	strace s18  }
0x93: {  	s2 =	sld [smem:$0x3FFC];
	_ =	sdelay $0x3  }
0x94: {  	_ =	strace s2  }
0x95: {  	s2 =	sld [smem:$0x3FFD];
	_ =	sdelay $0x3  }
0x96: {  	_ =	strace s2  }
0x97: {  	_ =	strace $0x8FFFFFFF  }
0x98: {  	s19 =	sld [smem:$0x3FDB];
	_ =	sdelay $0x1  }
0x99: {  	s20 =	simm.s32 $_scs_section_size  }
0x9a: {  	s4 =	simm.s32 $_size__tile_overlayer_lowered;
	s5 =	simm.s32 $_tile_overlayer_lowered  }
0x9b: {  	s6 =	simm.s32 $0x1BFF;
	s21 =	sshll.u32 s5, $0x1;
	s3 =	sadd.s32 s20, s19  }
0x9c: {  	s22 =	simm.s32 $0x0;
	s4 =	sshll.u32 s4, $0x1;
	s5 =	sadd.s32 s21, s3  }
0x9d: {  	[timem:s22], [sflag:s6] =	dma.local [hbm:s5], s4  }
0x9e: {  	_ =	swait.ge [sflag:s6], s4  }
0x9f: {  	s4 =	ssub.s32 $0x0, s4;
	[sflag:s6] =	ssyncset.done $0x0  }
0xa0: {  	[sflag:s6] =	ssyncadd.s32 s4;
	_ =	sdelay $0x1  }
0xa1: {  	s23 =	simm.s32 $0x1B8B  }
0xa2: {  	_ =	swait.ge [sflag:s23], $0x1  }
0xa3: {  	[sflag:s23] =	ssyncset.done $0x0  }
0xa4: {  	[sflag:s23] =	ssyncadd.s32 $0xFFFFFFFF  }
0xa5: {  	s4 =	sld [smem:$0x0]  }
0xa6: {  	s5 =	sand.u32 $0xFFFFFFFE, s1  }
0xa7: {  	p0 =	sne.s32 s1, s5  }
0xa8: {  	s5 =	sshll.u32 @p0 s5, $0xE  }
0xa9: {  	s5 =	sadd.s32 @p0 $0x11B8D, s5;
	s6 =	sshll.u32 @p0 s4, $0x11  }
0xaa: {  	s5 =	sor.u32 @p0 s6, s5  }
0xab: {  	[sflag:s5] =	ssyncadd.remote.s32 @p0 $0x1;
	_ =	sdelay $0x1  }
0xac: {  	s5 =	simm.s32 @p0 $0x1B8D  }
0xad: {  	_ =	swait.eq @p0 [sflag:s5], $0x1  }
0xae: {  	[sflag:s5] =	ssyncadd.s32 @p0 $0xFFFFFFFF  }
0xaf: {  	s6 =	sshll.u32 @!p0 s1, $0xE  }
0xb0: {  	s6 =	sor.u32 @!p0 $0x4000, s6;
	s5 =	simm.s32 @!p0 $0x1B8D  }
0xb1: {  	s4 =	sshll.u32 @!p0 s4, $0x11;
	s6 =	sadd.s32 @!p0 $0x11B8D, s6;
	_ =	swait.eq @!p0 [sflag:s5], $0x1  }
0xb2: {  	s4 =	sor.u32 @!p0 s4, s6;
	[sflag:s5] =	ssyncadd.s32 @!p0 $0xFFFFFFFF  }
0xb3: {  	s25 =	simm.s32 $0x1B8E;
	s24 =	sld [smem:$0x3FFE];
	[sflag:s4] =	ssyncadd.remote.s32 @!p0 $0x1  }
0xb4: {  	s26 =	simm.s32 $execute0_lowered;
	[smem:$0x3FD2] =	sst s25  }
0xb5: {  	s5 =	sshll.u32 s26, $0x1;
	_ =	strace $0x8000004F;
	[dreg:$0x1] =	wrdreg $0xFFFFFFFF  }
0xb6: {  	s28 =	simm.s32 $_size_execute0_lowered;
	s3 =	sadd.s32 s3, s5;
	[dreg:$0x0] =	wrdreg $0x0  }
0xb7: {  	s5 =	sshll.u32 s28, $0x1;
	[dreg:$0x2] =	wrdreg s3  }
0xb8: {  	[dreg:$0x3] =	wrdreg s5  }
0xb9: {  	[dreg:$0x4] =	wrdreg $0xC0  }
0xba: {  	_ =	task [dreg:s22], $0x5FFFF  }
0xbb: {  	[dreg:$0x1] =	wrdreg $0xFFFFFFFF  }
0xbc: {  	[dreg:$0x0] =	wrdreg $0x60  }
0xbd: {  	[dreg:$0x2] =	wrdreg s24  }
0xbe: {  	[dreg:$0x3] =	wrdreg $0x9  }
0xbf: {  	_ =	task.clear_ibuf [dreg:s22], $0x4FFFF;
	_ =	strace $0x9000004F  }
0xc0: {  	s29 =	simm.s32 $0x9;
	_ =	strace $0x80000051  }
0xc1: {  	_ =	swait.ge [sflag:s29], $0x1  }
0xc2: {  	[sflag:s29] =	ssyncadd.s32 $0xFFFFFFFF  }
0xc3: {  	_ =	strace $0x90000051  }
0xc4: {  	_ =	sfence  }
0xc5: {  	s30 =	sld [smem:$0x0];
	_ =	sdelay $0x2  }
0xc6: {  	s31 =	sshll.u32 s1, $0xD;
	s1 =	sshrl.u32 s1, $0x2  }
0xc7: {  	s4 =	sand.u32 $0x4000, s31;
	s1 =	sadd.s32 s1, s30  }
0xc8: {  	s0 =	sor.u32 s4, s0;
	s1 =	sshll.u32 s1, $0x11  }
0xc9: {  	s0 =	sor.u32 s1, s0  }
0xca: {  	s0 =	sadd.s32 $0x8F2B, s0  }
0xcb: {  	[sflag:s0] =	ssyncadd.remote.s32 $0x1  }
0xcc: {  	_ =	sfence.sel $0xFFFF  }
0xcd: {  	[dreg:$0x0] =	wrdreg $0xFFFFFFFF;
	(pc) =	sbr.abs _section_cstart, $3  }
0xce: {  	[dreg:$0x1] =	wrdreg $0xFFFFFFFF  }
0xcf: {  	_ =	task.clear_ibuf [dreg:s22], $0x2FFFF;
	_ =	strace $0x9FFFFFFF  }
0xd0: {  	(tm) =	ssettm $0x7FFFFFFF  }
0xd1: {  	_ =	shalt  }
tec
execute0_lowered:
.L_overlay_start_1:
0x0: {  	(tag) =	ssettag $0x1  }
0x1: {  	s4 =	rddreg [dreg:$0x0]  }
0x2: {  	s0 =	rddreg [dreg:$0x1]  }
0x3: {  	s3 =	srdreg.scid;
	s1 =	stileid.u32  }
0x4: {  	s2 =	simm.s32 $0x0;
	s9 =	simm.s32 $0x1100;
	s10 =	simm.s32 $0x5100  }
0x5: {  	s11 =	simm.s32 $0x1;
	s12 =	simm.s32 $0x2;
	s5 =	sand.u32 $0x1, s3  }
0x6: {  	s29 =	sshll.u32 s1, $0x1;
	[smem:$0x7FF] =	sst s2;
	s7 =	smul.u32 $0x22000, s1  }
0x7: {  	s3 =	sor.u32 s5, s29;
	s8 =	ssub.s32 $0x2, s5;
	s5 =	smul.u32 $0x11000, s5  }
0x8: {  	s13 =	simm.s32 $0x0;
	_ =	strace $0x80000050;
	s6 =	smul.u32 $0x1100, s3  }
0x9: {  	s3 =	sadd.s32 $0x7C1200, s4;
	s7 =	sadd.s32 s7, s4;
	s30 =	sshrl.u32 s8, $0x1  }
0xa: {  	s8 =	ssub.s32 s8, s30;
	s31 =	sadd.s32 s5, s7;
	s6 =	sshrl.u32 s6, $0x3  }
0xb: {  	s7 =	simm.s32 $0x3;
	s5 =	smax.u32 s8, $0x1;
	s6 =	sadd.s32 s6, s4  }
0xc: {  	s8 =	simm.s32 $0x80;
	s4 =	sadd.s32 $0xA8600, s6;
	s6 =	sadd.s32 $0x801A00, s31  }
.LBB2_1:
0xd: {  	[tilespmem:s2], [sflag:$0x3] =	stream.linear.gather [hbm4b:s4+s2], $0x1100, $0x38;
	[tilespmem:$0x9100] =	vst v63  }
0xe: {  	_ =	swait.ge [sflag:s7], $0x1100  }
0xf: {  	[sflag:s7] =	ssyncset.done $0x0  }
0x10: {  	s14 =	simm.s32 $0x0;
	[sflag:s7] =	ssyncadd.s32 $0xFFFFEF00  }
0x11: {  	[tilespmem:s9], [sflag:$0x1] =	stream.indirect.gather [hbm4b:s3+s8], $0x80, s14, s8, $0xb8;
	[tilespmem:$0x9100] =	vst v63  }
0x12: {  	s30 =	simm.s32 $0x80  }
0x13: {  	[tilespmem:s10], [sflag:$0x2] =	stream.indirect.gather [hbm4b:s3+s8], $0x80, s30, s8, $0xb8;
	[tilespmem:$0x9100] =	vst v63  }
0x14: {  	_ =	swait.ge [sflag:s11], $0x4000  }
0x15: {  	[sflag:s11] =	ssyncset.done $0x0  }
0x16: {  	s31 =	sadd.s32 $0xFFFFF800, s6;
	[sflag:s11] =	ssyncadd.s32 $0xFFFFC000  }
0x17: {  	[hbm4b:s31+s2] =	stream.linear.scatter [tilespmem:s9], [sflag:$0x3], $0x4000, $0x38;
	[tilespmem:$0x9100] =	vst v63  }
0x18: {  	_ =	swait.ge [sflag:s7], $0x4000  }
0x19: {  	[sflag:s7] =	ssyncset.done $0x0  }
0x1a: {  	[sflag:s7] =	ssyncadd.s32 $0xFFFFC000  }
0x1b: {  	_ =	swait.ge [sflag:s12], $0x4000  }
0x1c: {  	[sflag:s12] =	ssyncset.done $0x0  }
0x1d: {  	[sflag:s12] =	ssyncadd.s32 $0xFFFFC000  }
0x1e: {  	[hbm4b:s6+s2] =	stream.linear.scatter [tilespmem:s10], [sflag:$0x3], $0x4000, $0x38;
	[tilespmem:$0x9100] =	vst v63  }
0x1f: {  	s15 =	simm.s32 $0x400;
	_ =	swait.ge [sflag:s7], $0x4000  }
0x20: {  	s16 =	simm.s32 $0x800;
	s14 =	sadd.s32 $0x1000, s6;
	[sflag:s7] =	ssyncset.done $0x0  }
.LBB2_2:
0x21: {  	s17 =	sshra.s32 s15, $0x2  }
0x22: {  	[sflag:s7] =	ssyncadd.s32 $0xFFFFC000;
	s15 =	smov.u32 s16;
	s18 =	sadd.s32 $0x400, s16  }
0x23: {  	[tilespmem:s9], [sflag:$0x1] =	stream.indirect.gather [hbm4b:s3+s8], $0x80, s17, s8, $0xb8;
	[tilespmem:$0x9100] =	vst v63  }
0x24: {  	p0 =	sne.s32 s16, $0x4000;
	s16 =	sadd.s32 $0x80, s17  }
0x25: {  	[tilespmem:s10], [sflag:$0x2] =	stream.indirect.gather [hbm4b:s3+s8], $0x80, s16, s8, $0xb8;
	[tilespmem:$0x9100] =	vst v63  }
0x26: {  	_ =	swait.ge [sflag:s11], $0x4000  }
0x27: {  	[sflag:s11] =	ssyncset.done $0x0  }
0x28: {  	s16 =	sadd.s32 $0xFFFFF800, s14;
	[sflag:s11] =	ssyncadd.s32 $0xFFFFC000  }
0x29: {  	[hbm4b:s16+s2] =	stream.linear.scatter [tilespmem:s9], [sflag:$0x3], $0x4000, $0x38;
	[tilespmem:$0x9100] =	vst v63  }
0x2a: {  	_ =	swait.ge [sflag:s7], $0x4000  }
0x2b: {  	[sflag:s7] =	ssyncset.done $0x0  }
0x2c: {  	[sflag:s7] =	ssyncadd.s32 $0xFFFFC000  }
0x2d: {  	_ =	swait.ge [sflag:s12], $0x4000  }
.Ltmp0:
0x2e: {  	[sflag:s12] =	ssyncset.done $0x0;
	(pc) =	sbr.rel @p0 .LBB2_2-.Ltmp0, $4  }
0x2f: {  	[sflag:s12] =	ssyncadd.s32 $0xFFFFC000  }
0x30: {  	[hbm4b:s14+s2] =	stream.linear.scatter [tilespmem:s10], [sflag:$0x3], $0x4000, $0x38;
	[tilespmem:$0x9100] =	vst v63  }
0x31: {  	_ =	swait.ge [sflag:s7], $0x4000  }
0x32: {  	s16 =	smov.u32 s18;
	s14 =	sadd.s32 $0x1000, s14;
	[sflag:s7] =	ssyncset.done $0x0  }
0x33: {  	s15 =	sshra.s32 s15, $0x2;
	[sflag:s7] =	ssyncadd.s32 $0xFFFFC000  }
0x34: {  	[tilespmem:s9], [sflag:$0x1] =	stream.indirect.gather [hbm4b:s3+s8], $0x80, s15, s8, $0xb8;
	[tilespmem:$0x9100] =	vst v63  }
0x35: {  	s15 =	sadd.s32 $0x80, s15  }
0x36: {  	[tilespmem:s10], [sflag:$0x2] =	stream.indirect.gather [hbm4b:s3+s8], $0x80, s15, s8, $0xb8;
	[tilespmem:$0x9100] =	vst v63  }
0x37: {  	_ =	swait.ge [sflag:s11], $0x4000  }
0x38: {  	[sflag:s11] =	ssyncset.done $0x0  }
0x39: {  	s31 =	sadd.s32 $0xFFFFF800, s14;
	[sflag:s11] =	ssyncadd.s32 $0xFFFFC000  }
0x3a: {  	[hbm4b:s31+s2] =	stream.linear.scatter [tilespmem:s9], [sflag:$0x3], $0x4000, $0x38;
	[tilespmem:$0x9100] =	vst v63  }
0x3b: {  	_ =	swait.ge [sflag:s7], $0x4000  }
0x3c: {  	[sflag:s7] =	ssyncset.done $0x0  }
0x3d: {  	[sflag:s7] =	ssyncadd.s32 $0xFFFFC000  }
0x3e: {  	s13 =	sadd.s32 $0x1, s13;
	_ =	swait.ge [sflag:s12], $0x4000  }
0x3f: {  	p0 =	sne.s32 s13, s5;
	[sflag:s12] =	ssyncset.done $0x0  }
.Ltmp1:
0x40: {  	[sflag:s12] =	ssyncadd.s32 $0xFFFFC000;
	(pc) =	sbr.rel @p0 .LBB2_1-.Ltmp1, $4  }
0x41: {  	[hbm4b:s14+s2] =	stream.linear.scatter [tilespmem:s10], [sflag:$0x3], $0x4000, $0x38;
	[tilespmem:$0x9100] =	vst v63  }
0x42: {  	_ =	swait.ge [sflag:s7], $0x4000  }
0x43: {  	[sflag:s7] =	ssyncset.done $0x0  }
0x44: {  	[sflag:s7] =	ssyncadd.s32 $0xFFFFC000  }
0x45: {  	_ =	sfence.sel $0x180000  }
0x46: {  	[bflag:$0x0] =	sbarrier.arrive $0xFFFF  }
0x47: {  	p0 =	sne.s32 s1, $0x0;
	_ =	strace $0x90000050  }
0x48: {  	s0 =	sadd.s32 @!p0 $0x100000, s0;
	[bflag:$0x2] =	sbarrier.arrive $0xFFFF  }
0x49: {  	[sflag:s0] =	ssyncadd.tile.s32 @!p0 $0x1;
	_ =	shalt  }
.Lfunc_end2:
_tile_overlayer_lowered:
.L_overlay_start_2:
0x4a: {  	(tag) =	ssettag $0x2  }
0x4b: {  	s0 =	rddreg [dreg:$0x0];
	s2 =	stileid.u32  }
0x4c: {  	s1 =	rddreg [dreg:$0x1];
	p0 =	sne.s32 s2, $0x0  }
0x4d: {  	s3 =	rddreg [dreg:$0x2];
	[bflag:$0x3] =	sbarrier.arrive $0xFFFF;
	s2 =	simm.s32 @!p0 $0x1C03  }
0x4e: {  	[timem:s3], [sflag:s2] =	dma.local @!p0 [hbm:s0], s1  }
0x4f: {  	s0 =	simm.s32 @!p0 $0x3  }
0x50: {  	_ =	swait.ge @!p0 [sflag:s0], s1  }
0x51: {  	s1 =	ssub.s32 @!p0 $0x0, s1;
	[sflag:s0] =	ssyncset.done @!p0 $0x0  }
0x52: {  	[sflag:s0] =	ssyncadd.s32 @!p0 s1  }
0x53: {  	[bflag:$0x3] =	sbarrier.arrive $0xFFFF  }
0x54: {  	_ =	shalt  }

// kernel: kernel.17.cloned.1.call-start
scs
__scs_entry_jumppad:
0x0: {  	(pc) =	sbr.rel $0x88, $3  }
0x1: {  	(tag) =	ssettag $0x0;
	lr =	simm.s32 $0x1  }
0x2: {  	[smem:$0x3F91] =	sst lr;
	_ =	strace $0xD0000000  }
0x3: {  	_ = 	snop  }
0x4: {  	_ = 	snop  }
0x5: {  	_ = 	snop  }
0x6: {  	_ = 	snop  }
0x7: {  	_ = 	snop  }
__scs_overlays_trampoline_lowered:
0x8: {  	[smem:$0x3FA0] =	sst s0  }
0x9: {  	[smem:$0x3FA1] =	sst s1  }
0xa: {  	[smem:$0x3FA2] =	sst s2  }
0xb: {  	[smem:$0x3FA3] =	sst s3  }
0xc: {  	[smem:$0x3FA4] =	sst s4  }
0xd: {  	[smem:$0x3FA5] =	sst s5  }
0xe: {  	[smem:$0x3FA6] =	sst s6  }
0xf: {  	[smem:$0x3FA7] =	sst s7  }
0x10: {  	[smem:$0x3FA8] =	sst s8  }
0x11: {  	[smem:$0x3FA9] =	sst s9;
	s0 =	simm.s32 @!p0 $0x0  }
0x12: {  	s1 =	sld [smem:$0x3F8F];
	s0 =	simm.s32 @p0 $0x1  }
0x13: {  	[smem:$0x3FAA] =	sst s0;
	s0 =	simm.s32 @!p1 $0x0  }
0x14: {  	s2 =	sld [smem:$0x3F8E];
	s0 =	simm.s32 @p1 $0x1  }
0x15: {  	[smem:$0x3FAB] =	sst s0;
	s0 =	simm.s32 @!p2 $0x0  }
0x16: {  	s3 =	sld [smem:$0x3FDB];
	s0 =	simm.s32 @p2 $0x1  }
0x17: {  	s4 =	simm.s32 $0x1BF5;
	[smem:$0x3FAD] =	sst s0  }
0x18: {  	s0 =	sld [smem:$0x3F90];
	_ =	swait.ge [sflag:s4], $0x0  }
0x19: {  	s7 =	sld [smem:$0x3F91]  }
0x1a: {  	s8 =	sadd.s32 $0xFFFFE003, lr  }
0x1b: {  	s9 =	sadd.s32 $0xFFFFFEF7, lr;
	s5 =	simm.s32 $0xFFFFFFFF;
	p2 =	slt.u32 s8, $0xFFFFF086  }
0x1c: {  	p1 =	slt.u32 s9, $0xF7A;
	s5 =	simm.s32 @!p2 $0x0  }
0x1d: {  	s5 =	simm.s32 @p1 $0x1;
	p0 =	seq.s32 s7, s2  }
0x1e: {  	s7 =	smul.u32 @!p0 $0xF7A, s2;
	p2 =	seq.s32 @!p0 s5, $0x0  }
0x1f: {  	s9 =	smul.u32 $0xF7A, s1;
	s8 =	simm.s32 @!p0 $0x1BF5;
	p2 =	por !p2, p0  }
0x20: {  	[sflag:s8] =	ssyncset.s32 @!p0 $0xFFFFF086;
	s6 =	sadd.s32 @!p0 s3, s7;
	s7 =	simm.s32 @!p0 $0x108  }
0x21: {  	s3 =	sadd.s32 s3, s9;
	s6 =	sadd.s32 @!p0 $0x88, s6;
	s7 =	simm.s32 @p2 $0x1082  }
0x22: {  	[simem:s7], [sflag:s8] =	dma.local @!p0 [hbm:s6], $0xF7A  }
0x23: {  	s9 =	sor.u32 $0xD0000000, s2;
	s6 =	simm.s32 $0x108;
	_ =	swait.ge @!p0 [sflag:s8], $0x0  }
0x24: {  	s3 =	sadd.s32 $0x88, s3;
	s6 =	simm.s32 @!p1 $0x1082;
	[sflag:s4] =	ssyncset.s32 $0xFFFFF086  }
0x25: {  	[simem:s6], [sflag:s4] =	dma.local [hbm:s3], $0xF7A  }
0x26: {  	[smem:$0x3F91] =	sst s1;
	(tag) =	ssettag s2;
	_ =	strace s9  }
0x27: {  	s1 =	sld [smem:$0x3FA1]  }
0x28: {  	s2 =	sld [smem:$0x3FA2]  }
0x29: {  	s4 =	sld [smem:$0x3FA4]  }
0x2a: {  	p0 =	seq.s32 s5, $0x0;
	s5 =	sld [smem:$0x3FA5]  }
0x2b: {  	s6 =	sld [smem:$0x3FA6]  }
0x2c: {  	s7 =	sld [smem:$0x3FA7]  }
0x2d: {  	s3 =	simm.s32 $0x108;
	s8 =	sld [smem:$0x3FA8]  }
0x2e: {  	s3 =	simm.s32 @!p0 $0x1082;
	s9 =	sld [smem:$0x3FA9]  }
0x2f: {  	lr =	sadd.s32 s0, s3;
	s0 =	sld [smem:$0x3FA0]  }
0x30: {  	s3 =	sld [smem:$0x3FA3]  }
0x31: {  	[smem:$0x3FAC] =	sst s10  }
0x32: {  	s10 =	sld [smem:$0x3FAA];
	_ =	sdelay $0x3  }
0x33: {  	p0 =	seq.s32 s10, $0x1;
	s10 =	sld [smem:$0x3FAC];
	_ =	sdelay $0x3  }
0x34: {  	[smem:$0x3FAC] =	sst s10  }
0x35: {  	s10 =	sld [smem:$0x3FAB];
	_ =	sdelay $0x3  }
0x36: {  	p1 =	seq.s32 s10, $0x1;
	s10 =	sld [smem:$0x3FAC];
	_ =	sdelay $0x3  }
0x37: {  	[smem:$0x3FAC] =	sst s10  }
0x38: {  	s10 =	sld [smem:$0x3FAD]  }
0x39: {  	_ = 	snop;
	(pc) =	sbr.ind lr, $3  }
0x3a: {  	_ = 	snop  }
0x3b: {  	_ = 	snop  }
0x3c: {  	p2 =	seq.s32 s10, $0x1;
	s10 =	sld [smem:$0x3FAC]  }
0x3d: {  	_ =	shalt  }
0x3e: {  	_ =	shalt  }
0x3f: {  	_ =	shalt  }
0x40: {  	_ =	shalt  }
0x41: {  	_ =	shalt  }
0x42: {  	_ =	shalt  }
0x43: {  	_ =	shalt  }
0x44: {  	_ =	shalt  }
0x45: {  	_ =	shalt  }
0x46: {  	_ =	shalt  }
0x47: {  	_ =	shalt  }
0x48: {  	_ =	shalt  }
0x49: {  	_ =	shalt  }
0x4a: {  	_ =	shalt  }
0x4b: {  	_ =	shalt  }
0x4c: {  	_ =	shalt  }
0x4d: {  	_ =	shalt  }
0x4e: {  	_ =	shalt  }
0x4f: {  	_ =	shalt  }
0x50: {  	_ =	shalt  }
0x51: {  	_ =	shalt  }
0x52: {  	_ =	shalt  }
0x53: {  	_ =	shalt  }
0x54: {  	_ =	shalt  }
0x55: {  	_ =	shalt  }
0x56: {  	_ =	shalt  }
0x57: {  	_ =	shalt  }
0x58: {  	_ =	shalt  }
0x59: {  	_ =	shalt  }
0x5a: {  	_ =	shalt  }
0x5b: {  	_ =	shalt  }
0x5c: {  	_ =	shalt  }
0x5d: {  	_ =	shalt  }
0x5e: {  	_ =	shalt  }
0x5f: {  	_ =	shalt  }
0x60: {  	_ =	shalt  }
0x61: {  	_ =	shalt  }
0x62: {  	_ =	shalt  }
0x63: {  	_ =	shalt  }
0x64: {  	_ =	shalt  }
0x65: {  	_ =	shalt  }
0x66: {  	_ =	shalt  }
0x67: {  	_ =	shalt  }
0x68: {  	_ =	shalt  }
0x69: {  	_ =	shalt  }
0x6a: {  	_ =	shalt  }
0x6b: {  	_ =	shalt  }
0x6c: {  	_ =	shalt  }
0x6d: {  	_ =	shalt  }
0x6e: {  	_ =	shalt  }
0x6f: {  	_ =	shalt  }
0x70: {  	_ =	shalt  }
0x71: {  	_ =	shalt  }
0x72: {  	_ =	shalt  }
0x73: {  	_ =	shalt  }
0x74: {  	_ =	shalt  }
0x75: {  	_ =	shalt  }
0x76: {  	_ =	shalt  }
0x77: {  	_ =	shalt  }
0x78: {  	_ =	shalt  }
0x79: {  	_ =	shalt  }
0x7a: {  	_ =	shalt  }
0x7b: {  	_ =	shalt  }
0x7c: {  	_ =	shalt  }
0x7d: {  	_ =	shalt  }
0x7e: {  	_ =	shalt  }
0x7f: {  	_ =	shalt  }
0x80: {  	_ =	shalt  }
0x81: {  	_ =	shalt  }
0x82: {  	_ =	shalt  }
0x83: {  	_ =	shalt  }
0x84: {  	_ =	shalt  }
0x85: {  	_ =	shalt  }
0x86: {  	_ =	shalt  }
0x87: {  	_ =	shalt  }
.Lfunc_end0:
.L_simem_size_0:
called_computation.1_lowered:
.L_overlay_start_0:
0x88: {  	s2 =	sld [smem:$0x3FD9]  }
0x89: {  	s3 =	sld [smem:$0x3FFE];
	_ =	sdelay $0x1  }
0x8a: {  	s1 =	srdreg.scid  }
0x8b: {  	s0 =	sand.u32 $0x1, s1  }
0x8c: {  	s16 =	sshll.u32 s0, $0xA;
	s2 =	sadd.s32 s3, s2  }
0x8d: {  	s2 =	sadd.s32 s2, s16  }
0x8e: {  	[smem:$0x3FB8] =	sst s2  }
0x8f: {  	_ = 	snop  }
0x90: {  	(tm) =	ssettm $0x1  }
0x91: {  	s17 =	sld [smem:$0x3FFB];
	_ =	sdelay $0x3  }
0x92: {  	_ =	strace s17  }
0x93: {  	s2 =	sld [smem:$0x3FFC];
	_ =	sdelay $0x3  }
0x94: {  	_ =	strace s2  }
0x95: {  	s2 =	sld [smem:$0x3FFD];
	_ =	sdelay $0x3  }
0x96: {  	_ =	strace s2  }
0x97: {  	_ =	strace $0x8FFFFFFF  }
0x98: {  	s18 =	sld [smem:$0x3FDB];
	_ =	sdelay $0x1  }
0x99: {  	s19 =	simm.s32 $_scs_section_size  }
0x9a: {  	s4 =	simm.s32 $_size__tile_overlayer_lowered;
	s5 =	simm.s32 $_tile_overlayer_lowered  }
0x9b: {  	s22 =	simm.s32 $0x1BFF;
	s21 =	sshll.u32 s5, $0x1;
	s2 =	sadd.s32 s19, s18  }
0x9c: {  	s6 =	simm.s32 $0x0;
	s20 =	sshll.u32 s4, $0x1;
	s4 =	sadd.s32 s21, s2  }
0x9d: {  	[timem:s6], [sflag:s22] =	dma.local [hbm:s4], s20  }
0x9e: {  	_ =	swait.ge [sflag:s22], s20  }
0x9f: {  	s3 =	ssub.s32 $0x0, s20;
	[sflag:s22] =	ssyncset.done $0x0  }
0xa0: {  	[sflag:s22] =	ssyncadd.s32 s3;
	_ =	sdelay $0x1  }
0xa1: {  	s23 =	simm.s32 $0x1B8B  }
0xa2: {  	_ =	swait.ge [sflag:s23], $0x1  }
0xa3: {  	[sflag:s23] =	ssyncset.done $0x0  }
0xa4: {  	s25 =	simm.s32 $0x1B8E;
	s24 =	sld [smem:$0x3FFE];
	[sflag:s23] =	ssyncadd.s32 $0xFFFFFFFF  }
0xa5: {  	s26 =	simm.s32 $execute0_lowered;
	[smem:$0x3FD2] =	sst s25  }
0xa6: {  	s4 =	sshll.u32 s26, $0x1;
	_ =	strace $0x80000046;
	[dreg:$0x1] =	wrdreg $0xFFFFFFFF  }
0xa7: {  	s28 =	simm.s32 $_size_execute0_lowered;
	s2 =	sadd.s32 s2, s4;
	[dreg:$0x0] =	wrdreg $0x0  }
0xa8: {  	s4 =	sshll.u32 s28, $0x1;
	[dreg:$0x2] =	wrdreg s2  }
0xa9: {  	[dreg:$0x3] =	wrdreg s4  }
0xaa: {  	[dreg:$0x4] =	wrdreg $0xC0  }
0xab: {  	_ =	task [dreg:s6], $0x5FFFF  }
0xac: {  	[dreg:$0x1] =	wrdreg $0xFFFFFFFF  }
0xad: {  	[dreg:$0x0] =	wrdreg $0x60  }
0xae: {  	[dreg:$0x2] =	wrdreg s24  }
0xaf: {  	[dreg:$0x3] =	wrdreg $0xA  }
0xb0: {  	_ =	task.clear_ibuf [dreg:s6], $0x4FFFF;
	_ =	strace $0x90000046  }
0xb1: {  	s29 =	simm.s32 $0xA;
	_ =	strace $0x80000048  }
0xb2: {  	_ =	swait.ge [sflag:s29], $0x1  }
0xb3: {  	[sflag:s29] =	ssyncadd.s32 $0xFFFFFFFF  }
0xb4: {  	_ =	strace $0x90000048  }
0xb5: {  	_ =	sfence  }
0xb6: {  	s30 =	sld [smem:$0x0];
	_ =	sdelay $0x2  }
0xb7: {  	s31 =	sshll.u32 s1, $0xD;
	s1 =	sshrl.u32 s1, $0x2  }
0xb8: {  	s3 =	sand.u32 $0x4000, s31;
	s1 =	sadd.s32 s1, s30  }
0xb9: {  	s0 =	sor.u32 s3, s0;
	s1 =	sshll.u32 s1, $0x11  }
0xba: {  	s0 =	sor.u32 s1, s0  }
0xbb: {  	s0 =	sadd.s32 $0x8F2B, s0  }
0xbc: {  	[sflag:s0] =	ssyncadd.remote.s32 $0x1  }
0xbd: {  	_ =	sfence.sel $0xFFFF  }
0xbe: {  	[dreg:$0x0] =	wrdreg $0xFFFFFFFF;
	(pc) =	sbr.abs _section_cstart, $3  }
0xbf: {  	[dreg:$0x1] =	wrdreg $0xFFFFFFFF  }
0xc0: {  	_ =	task.clear_ibuf [dreg:s6], $0x2FFFF;
	_ =	strace $0x9FFFFFFF  }
0xc1: {  	(tm) =	ssettm $0x7FFFFFFF  }
tec
execute0_lowered:
.L_overlay_start_1:
0x0: {  	(tag) =	ssettag $0x1  }
0x1: {  	s1 =	srdreg.scid  }
0x2: {  	s0 =	stileid.u32;
	s4 =	rddreg [dreg:$0x0];
	s2 =	simm.s32 $0x0  }
0x3: {  	s9 =	simm.s32 $0x1100;
	s10 =	simm.s32 $0x5100;
	s11 =	simm.s32 $0x1  }
0x4: {  	s12 =	simm.s32 $0x2;
	s13 =	simm.s32 $0x0;
	s5 =	sand.u32 $0x1, s1  }
0x5: {  	s3 =	sshll.u32 s0, $0x1;
	[smem:$0x7FF] =	sst s2;
	s7 =	smul.u32 $0x22000, s0  }
0x6: {  	s3 =	sor.u32 s5, s3;
	s8 =	ssub.s32 $0x2, s5;
	s5 =	smul.u32 $0x11000, s5  }
0x7: {  	s1 =	rddreg [dreg:$0x1];
	_ =	strace $0x80000047;
	s6 =	smul.u32 $0x1100, s3  }
0x8: {  	s3 =	sadd.s32 $0xB4600, s4;
	s7 =	sadd.s32 s7, s4;
	s30 =	sshrl.u32 s8, $0x1  }
0x9: {  	s8 =	ssub.s32 s8, s30;
	s31 =	sadd.s32 s5, s7;
	s6 =	sshrl.u32 s6, $0x3  }
0xa: {  	s7 =	simm.s32 $0x3;
	s5 =	smax.u32 s8, $0x1;
	s6 =	sadd.s32 s6, s4  }
0xb: {  	s8 =	simm.s32 $0x80;
	s4 =	sadd.s32 $0xF4600, s6;
	s6 =	sadd.s32 $0xF9200, s31  }
.LBB2_1:
0xc: {  	[tilespmem:s2], [sflag:$0x3] =	stream.linear.gather [hbm4b:s4+s2], $0x1100, $0x38;
	[tilespmem:$0x9100] =	vst v63  }
0xd: {  	_ =	swait.ge [sflag:s7], $0x1100  }
0xe: {  	[sflag:s7] =	ssyncset.done $0x0  }
0xf: {  	s14 =	simm.s32 $0x0;
	[sflag:s7] =	ssyncadd.s32 $0xFFFFEF00  }
0x10: {  	[tilespmem:s9], [sflag:$0x1] =	stream.indirect.gather [hbm4b:s3+s8], $0x80, s14, s8, $0xb8;
	[tilespmem:$0x9100] =	vst v63  }
0x11: {  	s30 =	simm.s32 $0x80  }
0x12: {  	[tilespmem:s10], [sflag:$0x2] =	stream.indirect.gather [hbm4b:s3+s8], $0x80, s30, s8, $0xb8;
	[tilespmem:$0x9100] =	vst v63  }
0x13: {  	_ =	swait.ge [sflag:s11], $0x4000  }
0x14: {  	[sflag:s11] =	ssyncset.done $0x0  }
0x15: {  	s31 =	sadd.s32 $0xFFFFF800, s6;
	[sflag:s11] =	ssyncadd.s32 $0xFFFFC000  }
0x16: {  	[hbm4b:s31+s2] =	stream.linear.scatter [tilespmem:s9], [sflag:$0x3], $0x4000, $0x38;
	[tilespmem:$0x9100] =	vst v63  }
0x17: {  	_ =	swait.ge [sflag:s7], $0x4000  }
0x18: {  	[sflag:s7] =	ssyncset.done $0x0  }
0x19: {  	[sflag:s7] =	ssyncadd.s32 $0xFFFFC000  }
0x1a: {  	_ =	swait.ge [sflag:s12], $0x4000  }
0x1b: {  	[sflag:s12] =	ssyncset.done $0x0  }
0x1c: {  	[sflag:s12] =	ssyncadd.s32 $0xFFFFC000  }
0x1d: {  	[hbm4b:s6+s2] =	stream.linear.scatter [tilespmem:s10], [sflag:$0x3], $0x4000, $0x38;
	[tilespmem:$0x9100] =	vst v63  }
0x1e: {  	s15 =	simm.s32 $0x400;
	_ =	swait.ge [sflag:s7], $0x4000  }
0x1f: {  	s16 =	simm.s32 $0x800;
	s14 =	sadd.s32 $0x1000, s6;
	[sflag:s7] =	ssyncset.done $0x0  }
.LBB2_2:
0x20: {  	s17 =	sshra.s32 s15, $0x2  }
0x21: {  	[sflag:s7] =	ssyncadd.s32 $0xFFFFC000;
	s15 =	smov.u32 s16;
	s18 =	sadd.s32 $0x400, s16  }
0x22: {  	[tilespmem:s9], [sflag:$0x1] =	stream.indirect.gather [hbm4b:s3+s8], $0x80, s17, s8, $0xb8;
	[tilespmem:$0x9100] =	vst v63  }
0x23: {  	p0 =	sne.s32 s16, $0x4000;
	s16 =	sadd.s32 $0x80, s17  }
0x24: {  	[tilespmem:s10], [sflag:$0x2] =	stream.indirect.gather [hbm4b:s3+s8], $0x80, s16, s8, $0xb8;
	[tilespmem:$0x9100] =	vst v63  }
0x25: {  	_ =	swait.ge [sflag:s11], $0x4000  }
0x26: {  	[sflag:s11] =	ssyncset.done $0x0  }
0x27: {  	s16 =	sadd.s32 $0xFFFFF800, s14;
	[sflag:s11] =	ssyncadd.s32 $0xFFFFC000  }
0x28: {  	[hbm4b:s16+s2] =	stream.linear.scatter [tilespmem:s9], [sflag:$0x3], $0x4000, $0x38;
	[tilespmem:$0x9100] =	vst v63  }
0x29: {  	_ =	swait.ge [sflag:s7], $0x4000  }
0x2a: {  	[sflag:s7] =	ssyncset.done $0x0  }
0x2b: {  	[sflag:s7] =	ssyncadd.s32 $0xFFFFC000  }
0x2c: {  	_ =	swait.ge [sflag:s12], $0x4000  }
.Ltmp0:
0x2d: {  	[sflag:s12] =	ssyncset.done $0x0;
	(pc) =	sbr.rel @p0 .LBB2_2-.Ltmp0, $4  }
0x2e: {  	[sflag:s12] =	ssyncadd.s32 $0xFFFFC000  }
0x2f: {  	[hbm4b:s14+s2] =	stream.linear.scatter [tilespmem:s10], [sflag:$0x3], $0x4000, $0x38;
	[tilespmem:$0x9100] =	vst v63  }
0x30: {  	_ =	swait.ge [sflag:s7], $0x4000  }
0x31: {  	s16 =	smov.u32 s18;
	s14 =	sadd.s32 $0x1000, s14;
	[sflag:s7] =	ssyncset.done $0x0  }
0x32: {  	s15 =	sshra.s32 s15, $0x2;
	[sflag:s7] =	ssyncadd.s32 $0xFFFFC000  }
0x33: {  	[tilespmem:s9], [sflag:$0x1] =	stream.indirect.gather [hbm4b:s3+s8], $0x80, s15, s8, $0xb8;
	[tilespmem:$0x9100] =	vst v63  }
0x34: {  	s15 =	sadd.s32 $0x80, s15  }
0x35: {  	[tilespmem:s10], [sflag:$0x2] =	stream.indirect.gather [hbm4b:s3+s8], $0x80, s15, s8, $0xb8;
	[tilespmem:$0x9100] =	vst v63  }
0x36: {  	_ =	swait.ge [sflag:s11], $0x4000  }
0x37: {  	[sflag:s11] =	ssyncset.done $0x0  }
0x38: {  	s31 =	sadd.s32 $0xFFFFF800, s14;
	[sflag:s11] =	ssyncadd.s32 $0xFFFFC000  }
0x39: {  	[hbm4b:s31+s2] =	stream.linear.scatter [tilespmem:s9], [sflag:$0x3], $0x4000, $0x38;
	[tilespmem:$0x9100] =	vst v63  }
0x3a: {  	_ =	swait.ge [sflag:s7], $0x4000  }
0x3b: {  	[sflag:s7] =	ssyncset.done $0x0  }
0x3c: {  	[sflag:s7] =	ssyncadd.s32 $0xFFFFC000  }
0x3d: {  	s13 =	sadd.s32 $0x1, s13;
	_ =	swait.ge [sflag:s12], $0x4000  }
0x3e: {  	p0 =	sne.s32 s13, s5;
	[sflag:s12] =	ssyncset.done $0x0  }
.Ltmp1:
0x3f: {  	[sflag:s12] =	ssyncadd.s32 $0xFFFFC000;
	(pc) =	sbr.rel @p0 .LBB2_1-.Ltmp1, $4  }
0x40: {  	[hbm4b:s14+s2] =	stream.linear.scatter [tilespmem:s10], [sflag:$0x3], $0x4000, $0x38;
	[tilespmem:$0x9100] =	vst v63  }
0x41: {  	_ =	swait.ge [sflag:s7], $0x4000  }
0x42: {  	[sflag:s7] =	ssyncset.done $0x0  }
0x43: {  	[sflag:s7] =	ssyncadd.s32 $0xFFFFC000  }
0x44: {  	_ =	sfence.sel $0x180000  }
0x45: {  	[bflag:$0x0] =	sbarrier.arrive $0xFFFF  }
0x46: {  	p0 =	sne.s32 s0, $0x0;
	_ =	strace $0x90000047  }
0x47: {  	s0 =	sadd.s32 @!p0 $0x100000, s1;
	[bflag:$0x2] =	sbarrier.arrive $0xFFFF  }
0x48: {  	[sflag:s0] =	ssyncadd.tile.s32 @!p0 $0x1;
	_ =	shalt  }
.Lfunc_end2:
_tile_overlayer_lowered:
.L_overlay_start_2:
0x49: {  	(tag) =	ssettag $0x2  }
0x4a: {  	s0 =	rddreg [dreg:$0x0];
	s2 =	stileid.u32  }
0x4b: {  	s1 =	rddreg [dreg:$0x1];
	p0 =	sne.s32 s2, $0x0  }
0x4c: {  	s3 =	rddreg [dreg:$0x2];
	[bflag:$0x3] =	sbarrier.arrive $0xFFFF;
	s2 =	simm.s32 @!p0 $0x1C03  }
0x4d: {  	[timem:s3], [sflag:s2] =	dma.local @!p0 [hbm:s0], s1  }
0x4e: {  	s0 =	simm.s32 @!p0 $0x3  }
0x4f: {  	_ =	swait.ge @!p0 [sflag:s0], s1  }
0x50: {  	s1 =	ssub.s32 @!p0 $0x0, s1;
	[sflag:s0] =	ssyncset.done @!p0 $0x0  }
0x51: {  	[sflag:s0] =	ssyncadd.s32 @!p0 s1  }
0x52: {  	[bflag:$0x3] =	sbarrier.arrive $0xFFFF  }
0x53: {  	_ =	shalt  }

// kernel: kernel.20.cloned.1.call-start
scs
__scs_entry_jumppad:
0x0: {  	(pc) =	sbr.rel $0x88, $3  }
0x1: {  	(tag) =	ssettag $0x0;
	lr =	simm.s32 $0x1  }
0x2: {  	[smem:$0x3F91] =	sst lr;
	_ =	strace $0xD0000000  }
0x3: {  	_ = 	snop  }
0x4: {  	_ = 	snop  }
0x5: {  	_ = 	snop  }
0x6: {  	_ = 	snop  }
0x7: {  	_ = 	snop  }
__scs_overlays_trampoline_lowered:
0x8: {  	[smem:$0x3FA0] =	sst s0  }
0x9: {  	[smem:$0x3FA1] =	sst s1  }
0xa: {  	[smem:$0x3FA2] =	sst s2  }
0xb: {  	[smem:$0x3FA3] =	sst s3  }
0xc: {  	[smem:$0x3FA4] =	sst s4  }
0xd: {  	[smem:$0x3FA5] =	sst s5  }
0xe: {  	[smem:$0x3FA6] =	sst s6  }
0xf: {  	[smem:$0x3FA7] =	sst s7  }
0x10: {  	[smem:$0x3FA8] =	sst s8  }
0x11: {  	[smem:$0x3FA9] =	sst s9;
	s0 =	simm.s32 @!p0 $0x0  }
0x12: {  	s1 =	sld [smem:$0x3F8F];
	s0 =	simm.s32 @p0 $0x1  }
0x13: {  	[smem:$0x3FAA] =	sst s0;
	s0 =	simm.s32 @!p1 $0x0  }
0x14: {  	s2 =	sld [smem:$0x3F8E];
	s0 =	simm.s32 @p1 $0x1  }
0x15: {  	[smem:$0x3FAB] =	sst s0;
	s0 =	simm.s32 @!p2 $0x0  }
0x16: {  	s3 =	sld [smem:$0x3FDB];
	s0 =	simm.s32 @p2 $0x1  }
0x17: {  	s4 =	simm.s32 $0x1BF5;
	[smem:$0x3FAD] =	sst s0  }
0x18: {  	s0 =	sld [smem:$0x3F90];
	_ =	swait.ge [sflag:s4], $0x0  }
0x19: {  	s7 =	sld [smem:$0x3F91]  }
0x1a: {  	s8 =	sadd.s32 $0xFFFFE003, lr  }
0x1b: {  	s9 =	sadd.s32 $0xFFFFFEF7, lr;
	s5 =	simm.s32 $0xFFFFFFFF;
	p2 =	slt.u32 s8, $0xFFFFF086  }
0x1c: {  	p1 =	slt.u32 s9, $0xF7A;
	s5 =	simm.s32 @!p2 $0x0  }
0x1d: {  	s5 =	simm.s32 @p1 $0x1;
	p0 =	seq.s32 s7, s2  }
0x1e: {  	s7 =	smul.u32 @!p0 $0xF7A, s2;
	p2 =	seq.s32 @!p0 s5, $0x0  }
0x1f: {  	s9 =	smul.u32 $0xF7A, s1;
	s8 =	simm.s32 @!p0 $0x1BF5;
	p2 =	por !p2, p0  }
0x20: {  	[sflag:s8] =	ssyncset.s32 @!p0 $0xFFFFF086;
	s6 =	sadd.s32 @!p0 s3, s7;
	s7 =	simm.s32 @!p0 $0x108  }
0x21: {  	s3 =	sadd.s32 s3, s9;
	s6 =	sadd.s32 @!p0 $0x88, s6;
	s7 =	simm.s32 @p2 $0x1082  }
0x22: {  	[simem:s7], [sflag:s8] =	dma.local @!p0 [hbm:s6], $0xF7A  }
0x23: {  	s9 =	sor.u32 $0xD0000000, s2;
	s6 =	simm.s32 $0x108;
	_ =	swait.ge @!p0 [sflag:s8], $0x0  }
0x24: {  	s3 =	sadd.s32 $0x88, s3;
	s6 =	simm.s32 @!p1 $0x1082;
	[sflag:s4] =	ssyncset.s32 $0xFFFFF086  }
0x25: {  	[simem:s6], [sflag:s4] =	dma.local [hbm:s3], $0xF7A  }
0x26: {  	[smem:$0x3F91] =	sst s1;
	(tag) =	ssettag s2;
	_ =	strace s9  }
0x27: {  	s1 =	sld [smem:$0x3FA1]  }
0x28: {  	s2 =	sld [smem:$0x3FA2]  }
0x29: {  	s4 =	sld [smem:$0x3FA4]  }
0x2a: {  	p0 =	seq.s32 s5, $0x0;
	s5 =	sld [smem:$0x3FA5]  }
0x2b: {  	s6 =	sld [smem:$0x3FA6]  }
0x2c: {  	s7 =	sld [smem:$0x3FA7]  }
0x2d: {  	s3 =	simm.s32 $0x108;
	s8 =	sld [smem:$0x3FA8]  }
0x2e: {  	s3 =	simm.s32 @!p0 $0x1082;
	s9 =	sld [smem:$0x3FA9]  }
0x2f: {  	lr =	sadd.s32 s0, s3;
	s0 =	sld [smem:$0x3FA0]  }
0x30: {  	s3 =	sld [smem:$0x3FA3]  }
0x31: {  	[smem:$0x3FAC] =	sst s10  }
0x32: {  	s10 =	sld [smem:$0x3FAA];
	_ =	sdelay $0x3  }
0x33: {  	p0 =	seq.s32 s10, $0x1;
	s10 =	sld [smem:$0x3FAC];
	_ =	sdelay $0x3  }
0x34: {  	[smem:$0x3FAC] =	sst s10  }
0x35: {  	s10 =	sld [smem:$0x3FAB];
	_ =	sdelay $0x3  }
0x36: {  	p1 =	seq.s32 s10, $0x1;
	s10 =	sld [smem:$0x3FAC];
	_ =	sdelay $0x3  }
0x37: {  	[smem:$0x3FAC] =	sst s10  }
0x38: {  	s10 =	sld [smem:$0x3FAD]  }
0x39: {  	_ = 	snop;
	(pc) =	sbr.ind lr, $3  }
0x3a: {  	_ = 	snop  }
0x3b: {  	_ = 	snop  }
0x3c: {  	p2 =	seq.s32 s10, $0x1;
	s10 =	sld [smem:$0x3FAC]  }
0x3d: {  	_ =	shalt  }
0x3e: {  	_ =	shalt  }
0x3f: {  	_ =	shalt  }
0x40: {  	_ =	shalt  }
0x41: {  	_ =	shalt  }
0x42: {  	_ =	shalt  }
0x43: {  	_ =	shalt  }
0x44: {  	_ =	shalt  }
0x45: {  	_ =	shalt  }
0x46: {  	_ =	shalt  }
0x47: {  	_ =	shalt  }
0x48: {  	_ =	shalt  }
0x49: {  	_ =	shalt  }
0x4a: {  	_ =	shalt  }
0x4b: {  	_ =	shalt  }
0x4c: {  	_ =	shalt  }
0x4d: {  	_ =	shalt  }
0x4e: {  	_ =	shalt  }
0x4f: {  	_ =	shalt  }
0x50: {  	_ =	shalt  }
0x51: {  	_ =	shalt  }
0x52: {  	_ =	shalt  }
0x53: {  	_ =	shalt  }
0x54: {  	_ =	shalt  }
0x55: {  	_ =	shalt  }
0x56: {  	_ =	shalt  }
0x57: {  	_ =	shalt  }
0x58: {  	_ =	shalt  }
0x59: {  	_ =	shalt  }
0x5a: {  	_ =	shalt  }
0x5b: {  	_ =	shalt  }
0x5c: {  	_ =	shalt  }
0x5d: {  	_ =	shalt  }
0x5e: {  	_ =	shalt  }
0x5f: {  	_ =	shalt  }
0x60: {  	_ =	shalt  }
0x61: {  	_ =	shalt  }
0x62: {  	_ =	shalt  }
0x63: {  	_ =	shalt  }
0x64: {  	_ =	shalt  }
0x65: {  	_ =	shalt  }
0x66: {  	_ =	shalt  }
0x67: {  	_ =	shalt  }
0x68: {  	_ =	shalt  }
0x69: {  	_ =	shalt  }
0x6a: {  	_ =	shalt  }
0x6b: {  	_ =	shalt  }
0x6c: {  	_ =	shalt  }
0x6d: {  	_ =	shalt  }
0x6e: {  	_ =	shalt  }
0x6f: {  	_ =	shalt  }
0x70: {  	_ =	shalt  }
0x71: {  	_ =	shalt  }
0x72: {  	_ =	shalt  }
0x73: {  	_ =	shalt  }
0x74: {  	_ =	shalt  }
0x75: {  	_ =	shalt  }
0x76: {  	_ =	shalt  }
0x77: {  	_ =	shalt  }
0x78: {  	_ =	shalt  }
0x79: {  	_ =	shalt  }
0x7a: {  	_ =	shalt  }
0x7b: {  	_ =	shalt  }
0x7c: {  	_ =	shalt  }
0x7d: {  	_ =	shalt  }
0x7e: {  	_ =	shalt  }
0x7f: {  	_ =	shalt  }
0x80: {  	_ =	shalt  }
0x81: {  	_ =	shalt  }
0x82: {  	_ =	shalt  }
0x83: {  	_ =	shalt  }
0x84: {  	_ =	shalt  }
0x85: {  	_ =	shalt  }
0x86: {  	_ =	shalt  }
0x87: {  	_ =	shalt  }
.Lfunc_end0:
.L_simem_size_0:
called_computation.2_lowered:
.L_overlay_start_0:
0x88: {  	s2 =	sld [smem:$0x3FD9]  }
0x89: {  	s3 =	sld [smem:$0x3FFE];
	_ =	sdelay $0x1  }
0x8a: {  	s1 =	srdreg.scid  }
0x8b: {  	s0 =	sand.u32 $0x1, s1  }
0x8c: {  	s17 =	sshll.u32 s0, $0xA;
	s2 =	sadd.s32 s3, s2  }
0x8d: {  	s2 =	sadd.s32 s2, s17  }
0x8e: {  	[smem:$0x3FB8] =	sst s2  }
0x8f: {  	_ = 	snop  }
0x90: {  	(tm) =	ssettm $0x1  }
0x91: {  	s18 =	sld [smem:$0x3FFB];
	_ =	sdelay $0x3  }
0x92: {  	_ =	strace s18  }
0x93: {  	s2 =	sld [smem:$0x3FFC];
	_ =	sdelay $0x3  }
0x94: {  	_ =	strace s2  }
0x95: {  	s2 =	sld [smem:$0x3FFD];
	_ =	sdelay $0x3  }
0x96: {  	_ =	strace s2  }
0x97: {  	_ =	strace $0x8FFFFFFF  }
0x98: {  	s19 =	sld [smem:$0x3FDB];
	_ =	sdelay $0x1  }
0x99: {  	s20 =	simm.s32 $_scs_section_size  }
0x9a: {  	s4 =	simm.s32 $_size__tile_overlayer_lowered;
	s5 =	simm.s32 $_tile_overlayer_lowered  }
0x9b: {  	s6 =	simm.s32 $0x1BFF;
	s21 =	sshll.u32 s5, $0x1;
	s3 =	sadd.s32 s20, s19  }
0x9c: {  	s22 =	simm.s32 $0x0;
	s4 =	sshll.u32 s4, $0x1;
	s5 =	sadd.s32 s21, s3  }
0x9d: {  	[timem:s22], [sflag:s6] =	dma.local [hbm:s5], s4  }
0x9e: {  	_ =	swait.ge [sflag:s6], s4  }
0x9f: {  	s4 =	ssub.s32 $0x0, s4;
	[sflag:s6] =	ssyncset.done $0x0  }
0xa0: {  	[sflag:s6] =	ssyncadd.s32 s4;
	_ =	sdelay $0x1  }
0xa1: {  	s23 =	simm.s32 $0x1B8B  }
0xa2: {  	_ =	swait.ge [sflag:s23], $0x1  }
0xa3: {  	[sflag:s23] =	ssyncset.done $0x0  }
0xa4: {  	[sflag:s23] =	ssyncadd.s32 $0xFFFFFFFF  }
0xa5: {  	s4 =	sld [smem:$0x0]  }
0xa6: {  	s5 =	sand.u32 $0xFFFFFFFE, s1  }
0xa7: {  	p0 =	sne.s32 s1, s5  }
0xa8: {  	s5 =	sshll.u32 @p0 s5, $0xE  }
0xa9: {  	s5 =	sadd.s32 @p0 $0x11B8D, s5;
	s6 =	sshll.u32 @p0 s4, $0x11  }
0xaa: {  	s5 =	sor.u32 @p0 s6, s5  }
0xab: {  	[sflag:s5] =	ssyncadd.remote.s32 @p0 $0x1;
	_ =	sdelay $0x1  }
0xac: {  	s5 =	simm.s32 @p0 $0x1B8D  }
0xad: {  	_ =	swait.eq @p0 [sflag:s5], $0x1  }
0xae: {  	[sflag:s5] =	ssyncadd.s32 @p0 $0xFFFFFFFF  }
0xaf: {  	s6 =	sshll.u32 @!p0 s1, $0xE  }
0xb0: {  	s6 =	sor.u32 @!p0 $0x4000, s6;
	s5 =	simm.s32 @!p0 $0x1B8D  }
0xb1: {  	s4 =	sshll.u32 @!p0 s4, $0x11;
	s6 =	sadd.s32 @!p0 $0x11B8D, s6;
	_ =	swait.eq @!p0 [sflag:s5], $0x1  }
0xb2: {  	s4 =	sor.u32 @!p0 s4, s6;
	[sflag:s5] =	ssyncadd.s32 @!p0 $0xFFFFFFFF  }
0xb3: {  	s25 =	simm.s32 $0x1B8E;
	s24 =	sld [smem:$0x3FFE];
	[sflag:s4] =	ssyncadd.remote.s32 @!p0 $0x1  }
0xb4: {  	s26 =	simm.s32 $execute0_lowered;
	[smem:$0x3FD2] =	sst s25  }
0xb5: {  	s5 =	sshll.u32 s26, $0x1;
	_ =	strace $0x80000049;
	[dreg:$0x1] =	wrdreg $0xFFFFFFFF  }
0xb6: {  	s28 =	simm.s32 $_size_execute0_lowered;
	s3 =	sadd.s32 s3, s5;
	[dreg:$0x0] =	wrdreg $0x0  }
0xb7: {  	s5 =	sshll.u32 s28, $0x1;
	[dreg:$0x2] =	wrdreg s3  }
0xb8: {  	[dreg:$0x3] =	wrdreg s5  }
0xb9: {  	[dreg:$0x4] =	wrdreg $0xC0  }
0xba: {  	_ =	task [dreg:s22], $0x5FFFF  }
0xbb: {  	[dreg:$0x1] =	wrdreg $0xFFFFFFFF  }
0xbc: {  	[dreg:$0x0] =	wrdreg $0x60  }
0xbd: {  	[dreg:$0x2] =	wrdreg s24  }
0xbe: {  	[dreg:$0x3] =	wrdreg $0xB  }
0xbf: {  	_ =	task.clear_ibuf [dreg:s22], $0x4FFFF;
	_ =	strace $0x90000049  }
0xc0: {  	s29 =	simm.s32 $0xB;
	_ =	strace $0x8000004B  }
0xc1: {  	_ =	swait.ge [sflag:s29], $0x1  }
0xc2: {  	[sflag:s29] =	ssyncadd.s32 $0xFFFFFFFF  }
0xc3: {  	_ =	strace $0x9000004B  }
0xc4: {  	_ =	sfence  }
0xc5: {  	s30 =	sld [smem:$0x0];
	_ =	sdelay $0x2  }
0xc6: {  	s31 =	sshll.u32 s1, $0xD;
	s1 =	sshrl.u32 s1, $0x2  }
0xc7: {  	s4 =	sand.u32 $0x4000, s31;
	s1 =	sadd.s32 s1, s30  }
0xc8: {  	s0 =	sor.u32 s4, s0;
	s1 =	sshll.u32 s1, $0x11  }
0xc9: {  	s0 =	sor.u32 s1, s0  }
0xca: {  	s0 =	sadd.s32 $0x8F2B, s0  }
0xcb: {  	[sflag:s0] =	ssyncadd.remote.s32 $0x1  }
0xcc: {  	_ =	sfence.sel $0xFFFF  }
0xcd: {  	[dreg:$0x0] =	wrdreg $0xFFFFFFFF;
	(pc) =	sbr.abs _section_cstart, $3  }
0xce: {  	[dreg:$0x1] =	wrdreg $0xFFFFFFFF  }
0xcf: {  	_ =	task.clear_ibuf [dreg:s22], $0x2FFFF;
	_ =	strace $0x9FFFFFFF  }
0xd0: {  	(tm) =	ssettm $0x7FFFFFFF  }
0xd1: {  	_ =	shalt  }
tec
execute0_lowered:
.L_overlay_start_1:
0x0: {  	(tag) =	ssettag $0x1  }
0x1: {  	s4 =	rddreg [dreg:$0x0]  }
0x2: {  	s0 =	rddreg [dreg:$0x1]  }
0x3: {  	s3 =	srdreg.scid;
	s1 =	stileid.u32  }
0x4: {  	s2 =	simm.s32 $0x0;
	s9 =	simm.s32 $0x1100;
	s10 =	simm.s32 $0x5100  }
0x5: {  	s11 =	simm.s32 $0x1;
	s12 =	simm.s32 $0x2;
	s5 =	sand.u32 $0x1, s3  }
0x6: {  	s29 =	sshll.u32 s1, $0x1;
	[smem:$0x7FF] =	sst s2;
	s7 =	smul.u32 $0x22000, s1  }
0x7: {  	s3 =	sor.u32 s5, s29;
	s8 =	ssub.s32 $0x2, s5;
	s5 =	smul.u32 $0x11000, s5  }
0x8: {  	s13 =	simm.s32 $0x0;
	_ =	strace $0x8000004A;
	s6 =	smul.u32 $0x1100, s3  }
0x9: {  	s3 =	sadd.s32 $0x318A00, s4;
	s7 =	sadd.s32 s7, s4;
	s30 =	sshrl.u32 s8, $0x1  }
0xa: {  	s8 =	ssub.s32 s8, s30;
	s31 =	sadd.s32 s5, s7;
	s6 =	sshrl.u32 s6, $0x3  }
0xb: {  	s7 =	simm.s32 $0x3;
	s5 =	smax.u32 s8, $0x1;
	s6 =	sadd.s32 s6, s4  }
0xc: {  	s8 =	simm.s32 $0x80;
	s4 =	sadd.s32 $0x358A00, s6;
	s6 =	sadd.s32 $0x35D600, s31  }
.LBB2_1:
0xd: {  	[tilespmem:s2], [sflag:$0x3] =	stream.linear.gather [hbm4b:s4+s2], $0x1100, $0x38;
	[tilespmem:$0x9100] =	vst v63  }
0xe: {  	_ =	swait.ge [sflag:s7], $0x1100  }
0xf: {  	[sflag:s7] =	ssyncset.done $0x0  }
0x10: {  	s14 =	simm.s32 $0x0;
	[sflag:s7] =	ssyncadd.s32 $0xFFFFEF00  }
0x11: {  	[tilespmem:s9], [sflag:$0x1] =	stream.indirect.gather [hbm4b:s3+s8], $0x80, s14, s8, $0xb8;
	[tilespmem:$0x9100] =	vst v63  }
0x12: {  	s30 =	simm.s32 $0x80  }
0x13: {  	[tilespmem:s10], [sflag:$0x2] =	stream.indirect.gather [hbm4b:s3+s8], $0x80, s30, s8, $0xb8;
	[tilespmem:$0x9100] =	vst v63  }
0x14: {  	_ =	swait.ge [sflag:s11], $0x4000  }
0x15: {  	[sflag:s11] =	ssyncset.done $0x0  }
0x16: {  	s31 =	sadd.s32 $0xFFFFF800, s6;
	[sflag:s11] =	ssyncadd.s32 $0xFFFFC000  }
0x17: {  	[hbm4b:s31+s2] =	stream.linear.scatter [tilespmem:s9], [sflag:$0x3], $0x4000, $0x38;
	[tilespmem:$0x9100] =	vst v63  }
0x18: {  	_ =	swait.ge [sflag:s7], $0x4000  }
0x19: {  	[sflag:s7] =	ssyncset.done $0x0  }
0x1a: {  	[sflag:s7] =	ssyncadd.s32 $0xFFFFC000  }
0x1b: {  	_ =	swait.ge [sflag:s12], $0x4000  }
0x1c: {  	[sflag:s12] =	ssyncset.done $0x0  }
0x1d: {  	[sflag:s12] =	ssyncadd.s32 $0xFFFFC000  }
0x1e: {  	[hbm4b:s6+s2] =	stream.linear.scatter [tilespmem:s10], [sflag:$0x3], $0x4000, $0x38;
	[tilespmem:$0x9100] =	vst v63  }
0x1f: {  	s15 =	simm.s32 $0x400;
	_ =	swait.ge [sflag:s7], $0x4000  }
0x20: {  	s16 =	simm.s32 $0x800;
	s14 =	sadd.s32 $0x1000, s6;
	[sflag:s7] =	ssyncset.done $0x0  }
.LBB2_2:
0x21: {  	s17 =	sshra.s32 s15, $0x2  }
0x22: {  	[sflag:s7] =	ssyncadd.s32 $0xFFFFC000;
	s15 =	smov.u32 s16;
	s18 =	sadd.s32 $0x400, s16  }
0x23: {  	[tilespmem:s9], [sflag:$0x1] =	stream.indirect.gather [hbm4b:s3+s8], $0x80, s17, s8, $0xb8;
	[tilespmem:$0x9100] =	vst v63  }
0x24: {  	p0 =	sne.s32 s16, $0x4000;
	s16 =	sadd.s32 $0x80, s17  }
0x25: {  	[tilespmem:s10], [sflag:$0x2] =	stream.indirect.gather [hbm4b:s3+s8], $0x80, s16, s8, $0xb8;
	[tilespmem:$0x9100] =	vst v63  }
0x26: {  	_ =	swait.ge [sflag:s11], $0x4000  }
0x27: {  	[sflag:s11] =	ssyncset.done $0x0  }
0x28: {  	s16 =	sadd.s32 $0xFFFFF800, s14;
	[sflag:s11] =	ssyncadd.s32 $0xFFFFC000  }
0x29: {  	[hbm4b:s16+s2] =	stream.linear.scatter [tilespmem:s9], [sflag:$0x3], $0x4000, $0x38;
	[tilespmem:$0x9100] =	vst v63  }
0x2a: {  	_ =	swait.ge [sflag:s7], $0x4000  }
0x2b: {  	[sflag:s7] =	ssyncset.done $0x0  }
0x2c: {  	[sflag:s7] =	ssyncadd.s32 $0xFFFFC000  }
0x2d: {  	_ =	swait.ge [sflag:s12], $0x4000  }
.Ltmp0:
0x2e: {  	[sflag:s12] =	ssyncset.done $0x0;
	(pc) =	sbr.rel @p0 .LBB2_2-.Ltmp0, $4  }
0x2f: {  	[sflag:s12] =	ssyncadd.s32 $0xFFFFC000  }
0x30: {  	[hbm4b:s14+s2] =	stream.linear.scatter [tilespmem:s10], [sflag:$0x3], $0x4000, $0x38;
	[tilespmem:$0x9100] =	vst v63  }
0x31: {  	_ =	swait.ge [sflag:s7], $0x4000  }
0x32: {  	s16 =	smov.u32 s18;
	s14 =	sadd.s32 $0x1000, s14;
	[sflag:s7] =	ssyncset.done $0x0  }
0x33: {  	s15 =	sshra.s32 s15, $0x2;
	[sflag:s7] =	ssyncadd.s32 $0xFFFFC000  }
0x34: {  	[tilespmem:s9], [sflag:$0x1] =	stream.indirect.gather [hbm4b:s3+s8], $0x80, s15, s8, $0xb8;
	[tilespmem:$0x9100] =	vst v63  }
0x35: {  	s15 =	sadd.s32 $0x80, s15  }
0x36: {  	[tilespmem:s10], [sflag:$0x2] =	stream.indirect.gather [hbm4b:s3+s8], $0x80, s15, s8, $0xb8;
	[tilespmem:$0x9100] =	vst v63  }
0x37: {  	_ =	swait.ge [sflag:s11], $0x4000  }
0x38: {  	[sflag:s11] =	ssyncset.done $0x0  }
0x39: {  	s31 =	sadd.s32 $0xFFFFF800, s14;
	[sflag:s11] =	ssyncadd.s32 $0xFFFFC000  }
0x3a: {  	[hbm4b:s31+s2] =	stream.linear.scatter [tilespmem:s9], [sflag:$0x3], $0x4000, $0x38;
	[tilespmem:$0x9100] =	vst v63  }
0x3b: {  	_ =	swait.ge [sflag:s7], $0x4000  }
0x3c: {  	[sflag:s7] =	ssyncset.done $0x0  }
0x3d: {  	[sflag:s7] =	ssyncadd.s32 $0xFFFFC000  }
0x3e: {  	s13 =	sadd.s32 $0x1, s13;
	_ =	swait.ge [sflag:s12], $0x4000  }
0x3f: {  	p0 =	sne.s32 s13, s5;
	[sflag:s12] =	ssyncset.done $0x0  }
.Ltmp1:
0x40: {  	[sflag:s12] =	ssyncadd.s32 $0xFFFFC000;
	(pc) =	sbr.rel @p0 .LBB2_1-.Ltmp1, $4  }
0x41: {  	[hbm4b:s14+s2] =	stream.linear.scatter [tilespmem:s10], [sflag:$0x3], $0x4000, $0x38;
	[tilespmem:$0x9100] =	vst v63  }
0x42: {  	_ =	swait.ge [sflag:s7], $0x4000  }
0x43: {  	[sflag:s7] =	ssyncset.done $0x0  }
0x44: {  	[sflag:s7] =	ssyncadd.s32 $0xFFFFC000  }
0x45: {  	_ =	sfence.sel $0x180000  }
0x46: {  	[bflag:$0x0] =	sbarrier.arrive $0xFFFF  }
0x47: {  	p0 =	sne.s32 s1, $0x0;
	_ =	strace $0x9000004A  }
0x48: {  	s0 =	sadd.s32 @!p0 $0x100000, s0;
	[bflag:$0x2] =	sbarrier.arrive $0xFFFF  }
0x49: {  	[sflag:s0] =	ssyncadd.tile.s32 @!p0 $0x1;
	_ =	shalt  }
.Lfunc_end2:
_tile_overlayer_lowered:
.L_overlay_start_2:
0x4a: {  	(tag) =	ssettag $0x2  }
0x4b: {  	s0 =	rddreg [dreg:$0x0];
	s2 =	stileid.u32  }
0x4c: {  	s1 =	rddreg [dreg:$0x1];
	p0 =	sne.s32 s2, $0x0  }
0x4d: {  	s3 =	rddreg [dreg:$0x2];
	[bflag:$0x3] =	sbarrier.arrive $0xFFFF;
	s2 =	simm.s32 @!p0 $0x1C03  }
0x4e: {  	[timem:s3], [sflag:s2] =	dma.local @!p0 [hbm:s0], s1  }
0x4f: {  	s0 =	simm.s32 @!p0 $0x3  }
0x50: {  	_ =	swait.ge @!p0 [sflag:s0], s1  }
0x51: {  	s1 =	ssub.s32 @!p0 $0x0, s1;
	[sflag:s0] =	ssyncset.done @!p0 $0x0  }
0x52: {  	[sflag:s0] =	ssyncadd.s32 @!p0 s1  }
0x53: {  	[bflag:$0x3] =	sbarrier.arrive $0xFFFF  }
0x54: {  	_ =	shalt  }

// kernel: kernel.23.cloned.1.call-start
scs
__scs_entry_jumppad:
0x0: {  	(pc) =	sbr.rel $0x88, $3  }
0x1: {  	(tag) =	ssettag $0x0;
	lr =	simm.s32 $0x1  }
0x2: {  	[smem:$0x3F91] =	sst lr;
	_ =	strace $0xD0000000  }
0x3: {  	_ = 	snop  }
0x4: {  	_ = 	snop  }
0x5: {  	_ = 	snop  }
0x6: {  	_ = 	snop  }
0x7: {  	_ = 	snop  }
__scs_overlays_trampoline_lowered:
0x8: {  	[smem:$0x3FA0] =	sst s0  }
0x9: {  	[smem:$0x3FA1] =	sst s1  }
0xa: {  	[smem:$0x3FA2] =	sst s2  }
0xb: {  	[smem:$0x3FA3] =	sst s3  }
0xc: {  	[smem:$0x3FA4] =	sst s4  }
0xd: {  	[smem:$0x3FA5] =	sst s5  }
0xe: {  	[smem:$0x3FA6] =	sst s6  }
0xf: {  	[smem:$0x3FA7] =	sst s7  }
0x10: {  	[smem:$0x3FA8] =	sst s8  }
0x11: {  	[smem:$0x3FA9] =	sst s9;
	s0 =	simm.s32 @!p0 $0x0  }
0x12: {  	s1 =	sld [smem:$0x3F8F];
	s0 =	simm.s32 @p0 $0x1  }
0x13: {  	[smem:$0x3FAA] =	sst s0;
	s0 =	simm.s32 @!p1 $0x0  }
0x14: {  	s2 =	sld [smem:$0x3F8E];
	s0 =	simm.s32 @p1 $0x1  }
0x15: {  	[smem:$0x3FAB] =	sst s0;
	s0 =	simm.s32 @!p2 $0x0  }
0x16: {  	s3 =	sld [smem:$0x3FDB];
	s0 =	simm.s32 @p2 $0x1  }
0x17: {  	s4 =	simm.s32 $0x1BF5;
	[smem:$0x3FAD] =	sst s0  }
0x18: {  	s0 =	sld [smem:$0x3F90];
	_ =	swait.ge [sflag:s4], $0x0  }
0x19: {  	s7 =	sld [smem:$0x3F91]  }
0x1a: {  	s8 =	sadd.s32 $0xFFFFE003, lr  }
0x1b: {  	s9 =	sadd.s32 $0xFFFFFEF7, lr;
	s5 =	simm.s32 $0xFFFFFFFF;
	p2 =	slt.u32 s8, $0xFFFFF086  }
0x1c: {  	p1 =	slt.u32 s9, $0xF7A;
	s5 =	simm.s32 @!p2 $0x0  }
0x1d: {  	s5 =	simm.s32 @p1 $0x1;
	p0 =	seq.s32 s7, s2  }
0x1e: {  	s7 =	smul.u32 @!p0 $0xF7A, s2;
	p2 =	seq.s32 @!p0 s5, $0x0  }
0x1f: {  	s9 =	smul.u32 $0xF7A, s1;
	s8 =	simm.s32 @!p0 $0x1BF5;
	p2 =	por !p2, p0  }
0x20: {  	[sflag:s8] =	ssyncset.s32 @!p0 $0xFFFFF086;
	s6 =	sadd.s32 @!p0 s3, s7;
	s7 =	simm.s32 @!p0 $0x108  }
0x21: {  	s3 =	sadd.s32 s3, s9;
	s6 =	sadd.s32 @!p0 $0x88, s6;
	s7 =	simm.s32 @p2 $0x1082  }
0x22: {  	[simem:s7], [sflag:s8] =	dma.local @!p0 [hbm:s6], $0xF7A  }
0x23: {  	s9 =	sor.u32 $0xD0000000, s2;
	s6 =	simm.s32 $0x108;
	_ =	swait.ge @!p0 [sflag:s8], $0x0  }
0x24: {  	s3 =	sadd.s32 $0x88, s3;
	s6 =	simm.s32 @!p1 $0x1082;
	[sflag:s4] =	ssyncset.s32 $0xFFFFF086  }
0x25: {  	[simem:s6], [sflag:s4] =	dma.local [hbm:s3], $0xF7A  }
0x26: {  	[smem:$0x3F91] =	sst s1;
	(tag) =	ssettag s2;
	_ =	strace s9  }
0x27: {  	s1 =	sld [smem:$0x3FA1]  }
0x28: {  	s2 =	sld [smem:$0x3FA2]  }
0x29: {  	s4 =	sld [smem:$0x3FA4]  }
0x2a: {  	p0 =	seq.s32 s5, $0x0;
	s5 =	sld [smem:$0x3FA5]  }
0x2b: {  	s6 =	sld [smem:$0x3FA6]  }
0x2c: {  	s7 =	sld [smem:$0x3FA7]  }
0x2d: {  	s3 =	simm.s32 $0x108;
	s8 =	sld [smem:$0x3FA8]  }
0x2e: {  	s3 =	simm.s32 @!p0 $0x1082;
	s9 =	sld [smem:$0x3FA9]  }
0x2f: {  	lr =	sadd.s32 s0, s3;
	s0 =	sld [smem:$0x3FA0]  }
0x30: {  	s3 =	sld [smem:$0x3FA3]  }
0x31: {  	[smem:$0x3FAC] =	sst s10  }
0x32: {  	s10 =	sld [smem:$0x3FAA];
	_ =	sdelay $0x3  }
0x33: {  	p0 =	seq.s32 s10, $0x1;
	s10 =	sld [smem:$0x3FAC];
	_ =	sdelay $0x3  }
0x34: {  	[smem:$0x3FAC] =	sst s10  }
0x35: {  	s10 =	sld [smem:$0x3FAB];
	_ =	sdelay $0x3  }
0x36: {  	p1 =	seq.s32 s10, $0x1;
	s10 =	sld [smem:$0x3FAC];
	_ =	sdelay $0x3  }
0x37: {  	[smem:$0x3FAC] =	sst s10  }
0x38: {  	s10 =	sld [smem:$0x3FAD]  }
0x39: {  	_ = 	snop;
	(pc) =	sbr.ind lr, $3  }
0x3a: {  	_ = 	snop  }
0x3b: {  	_ = 	snop  }
0x3c: {  	p2 =	seq.s32 s10, $0x1;
	s10 =	sld [smem:$0x3FAC]  }
0x3d: {  	_ =	shalt  }
0x3e: {  	_ =	shalt  }
0x3f: {  	_ =	shalt  }
0x40: {  	_ =	shalt  }
0x41: {  	_ =	shalt  }
0x42: {  	_ =	shalt  }
0x43: {  	_ =	shalt  }
0x44: {  	_ =	shalt  }
0x45: {  	_ =	shalt  }
0x46: {  	_ =	shalt  }
0x47: {  	_ =	shalt  }
0x48: {  	_ =	shalt  }
0x49: {  	_ =	shalt  }
0x4a: {  	_ =	shalt  }
0x4b: {  	_ =	shalt  }
0x4c: {  	_ =	shalt  }
0x4d: {  	_ =	shalt  }
0x4e: {  	_ =	shalt  }
0x4f: {  	_ =	shalt  }
0x50: {  	_ =	shalt  }
0x51: {  	_ =	shalt  }
0x52: {  	_ =	shalt  }
0x53: {  	_ =	shalt  }
0x54: {  	_ =	shalt  }
0x55: {  	_ =	shalt  }
0x56: {  	_ =	shalt  }
0x57: {  	_ =	shalt  }
0x58: {  	_ =	shalt  }
0x59: {  	_ =	shalt  }
0x5a: {  	_ =	shalt  }
0x5b: {  	_ =	shalt  }
0x5c: {  	_ =	shalt  }
0x5d: {  	_ =	shalt  }
0x5e: {  	_ =	shalt  }
0x5f: {  	_ =	shalt  }
0x60: {  	_ =	shalt  }
0x61: {  	_ =	shalt  }
0x62: {  	_ =	shalt  }
0x63: {  	_ =	shalt  }
0x64: {  	_ =	shalt  }
0x65: {  	_ =	shalt  }
0x66: {  	_ =	shalt  }
0x67: {  	_ =	shalt  }
0x68: {  	_ =	shalt  }
0x69: {  	_ =	shalt  }
0x6a: {  	_ =	shalt  }
0x6b: {  	_ =	shalt  }
0x6c: {  	_ =	shalt  }
0x6d: {  	_ =	shalt  }
0x6e: {  	_ =	shalt  }
0x6f: {  	_ =	shalt  }
0x70: {  	_ =	shalt  }
0x71: {  	_ =	shalt  }
0x72: {  	_ =	shalt  }
0x73: {  	_ =	shalt  }
0x74: {  	_ =	shalt  }
0x75: {  	_ =	shalt  }
0x76: {  	_ =	shalt  }
0x77: {  	_ =	shalt  }
0x78: {  	_ =	shalt  }
0x79: {  	_ =	shalt  }
0x7a: {  	_ =	shalt  }
0x7b: {  	_ =	shalt  }
0x7c: {  	_ =	shalt  }
0x7d: {  	_ =	shalt  }
0x7e: {  	_ =	shalt  }
0x7f: {  	_ =	shalt  }
0x80: {  	_ =	shalt  }
0x81: {  	_ =	shalt  }
0x82: {  	_ =	shalt  }
0x83: {  	_ =	shalt  }
0x84: {  	_ =	shalt  }
0x85: {  	_ =	shalt  }
0x86: {  	_ =	shalt  }
0x87: {  	_ =	shalt  }
.Lfunc_end0:
.L_simem_size_0:
called_computation.3_lowered:
.L_overlay_start_0:
0x88: {  	s2 =	sld [smem:$0x3FD9]  }
0x89: {  	s3 =	sld [smem:$0x3FFE];
	_ =	sdelay $0x1  }
0x8a: {  	s1 =	srdreg.scid  }
0x8b: {  	s0 =	sand.u32 $0x1, s1  }
0x8c: {  	s17 =	sshll.u32 s0, $0xA;
	s2 =	sadd.s32 s3, s2  }
0x8d: {  	s2 =	sadd.s32 s2, s17  }
0x8e: {  	[smem:$0x3FB8] =	sst s2  }
0x8f: {  	_ = 	snop  }
0x90: {  	(tm) =	ssettm $0x1  }
0x91: {  	s18 =	sld [smem:$0x3FFB];
	_ =	sdelay $0x3  }
0x92: {  	_ =	strace s18  }
0x93: {  	s2 =	sld [smem:$0x3FFC];
	_ =	sdelay $0x3  }
0x94: {  	_ =	strace s2  }
0x95: {  	s2 =	sld [smem:$0x3FFD];
	_ =	sdelay $0x3  }
0x96: {  	_ =	strace s2  }
0x97: {  	_ =	strace $0x8FFFFFFF  }
0x98: {  	s19 =	sld [smem:$0x3FDB];
	_ =	sdelay $0x1  }
0x99: {  	s20 =	simm.s32 $_scs_section_size  }
0x9a: {  	s4 =	simm.s32 $_size__tile_overlayer_lowered;
	s5 =	simm.s32 $_tile_overlayer_lowered  }
0x9b: {  	s6 =	simm.s32 $0x1BFF;
	s21 =	sshll.u32 s5, $0x1;
	s3 =	sadd.s32 s20, s19  }
0x9c: {  	s22 =	simm.s32 $0x0;
	s4 =	sshll.u32 s4, $0x1;
	s5 =	sadd.s32 s21, s3  }
0x9d: {  	[timem:s22], [sflag:s6] =	dma.local [hbm:s5], s4  }
0x9e: {  	_ =	swait.ge [sflag:s6], s4  }
0x9f: {  	s4 =	ssub.s32 $0x0, s4;
	[sflag:s6] =	ssyncset.done $0x0  }
0xa0: {  	[sflag:s6] =	ssyncadd.s32 s4;
	_ =	sdelay $0x1  }
0xa1: {  	s23 =	simm.s32 $0x1B8B  }
0xa2: {  	_ =	swait.ge [sflag:s23], $0x1  }
0xa3: {  	[sflag:s23] =	ssyncset.done $0x0  }
0xa4: {  	[sflag:s23] =	ssyncadd.s32 $0xFFFFFFFF  }
0xa5: {  	s4 =	sld [smem:$0x0]  }
0xa6: {  	s5 =	sand.u32 $0xFFFFFFFE, s1  }
0xa7: {  	p0 =	sne.s32 s1, s5  }
0xa8: {  	s5 =	sshll.u32 @p0 s5, $0xE  }
0xa9: {  	s5 =	sadd.s32 @p0 $0x11B8D, s5;
	s6 =	sshll.u32 @p0 s4, $0x11  }
0xaa: {  	s5 =	sor.u32 @p0 s6, s5  }
0xab: {  	[sflag:s5] =	ssyncadd.remote.s32 @p0 $0x1;
	_ =	sdelay $0x1  }
0xac: {  	s5 =	simm.s32 @p0 $0x1B8D  }
0xad: {  	_ =	swait.eq @p0 [sflag:s5], $0x1  }
0xae: {  	[sflag:s5] =	ssyncadd.s32 @p0 $0xFFFFFFFF  }
0xaf: {  	s6 =	sshll.u32 @!p0 s1, $0xE  }
0xb0: {  	s6 =	sor.u32 @!p0 $0x4000, s6;
	s5 =	simm.s32 @!p0 $0x1B8D  }
0xb1: {  	s4 =	sshll.u32 @!p0 s4, $0x11;
	s6 =	sadd.s32 @!p0 $0x11B8D, s6;
	_ =	swait.eq @!p0 [sflag:s5], $0x1  }
0xb2: {  	s4 =	sor.u32 @!p0 s4, s6;
	[sflag:s5] =	ssyncadd.s32 @!p0 $0xFFFFFFFF  }
0xb3: {  	s25 =	simm.s32 $0x1B8E;
	s24 =	sld [smem:$0x3FFE];
	[sflag:s4] =	ssyncadd.remote.s32 @!p0 $0x1  }
0xb4: {  	s26 =	simm.s32 $execute0_lowered;
	[smem:$0x3FD2] =	sst s25  }
0xb5: {  	s5 =	sshll.u32 s26, $0x1;
	_ =	strace $0x8000004C;
	[dreg:$0x1] =	wrdreg $0xFFFFFFFF  }
0xb6: {  	s28 =	simm.s32 $_size_execute0_lowered;
	s3 =	sadd.s32 s3, s5;
	[dreg:$0x0] =	wrdreg $0x0  }
0xb7: {  	s5 =	sshll.u32 s28, $0x1;
	[dreg:$0x2] =	wrdreg s3  }
0xb8: {  	[dreg:$0x3] =	wrdreg s5  }
0xb9: {  	[dreg:$0x4] =	wrdreg $0xC0  }
0xba: {  	_ =	task [dreg:s22], $0x5FFFF  }
0xbb: {  	[dreg:$0x1] =	wrdreg $0xFFFFFFFF  }
0xbc: {  	[dreg:$0x0] =	wrdreg $0x60  }
0xbd: {  	[dreg:$0x2] =	wrdreg s24  }
0xbe: {  	[dreg:$0x3] =	wrdreg $0xC  }
0xbf: {  	_ =	task.clear_ibuf [dreg:s22], $0x4FFFF;
	_ =	strace $0x9000004C  }
0xc0: {  	s29 =	simm.s32 $0xC;
	_ =	strace $0x8000004E  }
0xc1: {  	_ =	swait.ge [sflag:s29], $0x1  }
0xc2: {  	[sflag:s29] =	ssyncadd.s32 $0xFFFFFFFF  }
0xc3: {  	_ =	strace $0x9000004E  }
0xc4: {  	_ =	sfence  }
0xc5: {  	s30 =	sld [smem:$0x0];
	_ =	sdelay $0x2  }
0xc6: {  	s31 =	sshll.u32 s1, $0xD;
	s1 =	sshrl.u32 s1, $0x2  }
0xc7: {  	s4 =	sand.u32 $0x4000, s31;
	s1 =	sadd.s32 s1, s30  }
0xc8: {  	s0 =	sor.u32 s4, s0;
	s1 =	sshll.u32 s1, $0x11  }
0xc9: {  	s0 =	sor.u32 s1, s0  }
0xca: {  	s0 =	sadd.s32 $0x8F2B, s0  }
0xcb: {  	[sflag:s0] =	ssyncadd.remote.s32 $0x1  }
0xcc: {  	_ =	sfence.sel $0xFFFF  }
0xcd: {  	[dreg:$0x0] =	wrdreg $0xFFFFFFFF;
	(pc) =	sbr.abs _section_cstart, $3  }
0xce: {  	[dreg:$0x1] =	wrdreg $0xFFFFFFFF  }
0xcf: {  	_ =	task.clear_ibuf [dreg:s22], $0x2FFFF;
	_ =	strace $0x9FFFFFFF  }
0xd0: {  	(tm) =	ssettm $0x7FFFFFFF  }
0xd1: {  	_ =	shalt  }
tec
execute0_lowered:
.L_overlay_start_1:
0x0: {  	(tag) =	ssettag $0x1  }
0x1: {  	s1 =	srdreg.scid  }
0x2: {  	s0 =	stileid.u32;
	s4 =	rddreg [dreg:$0x0];
	s2 =	simm.s32 $0x0  }
0x3: {  	s9 =	simm.s32 $0x1100;
	s10 =	simm.s32 $0x5100;
	s11 =	simm.s32 $0x1  }
0x4: {  	s12 =	simm.s32 $0x2;
	s13 =	simm.s32 $0x0;
	s5 =	sand.u32 $0x1, s1  }
0x5: {  	s3 =	sshll.u32 s0, $0x1;
	[smem:$0x7FF] =	sst s2;
	s7 =	smul.u32 $0x22000, s0  }
0x6: {  	s3 =	sor.u32 s5, s3;
	s8 =	ssub.s32 $0x2, s5;
	s5 =	smul.u32 $0x11000, s5  }
0x7: {  	s1 =	rddreg [dreg:$0x1];
	_ =	strace $0x8000004D;
	s6 =	smul.u32 $0x1100, s3  }
0x8: {  	s3 =	sadd.s32 $0x88600, s4;
	s7 =	sadd.s32 s7, s4;
	s30 =	sshrl.u32 s8, $0x1  }
0x9: {  	s8 =	ssub.s32 s8, s30;
	s31 =	sadd.s32 s5, s7;
	s6 =	sshrl.u32 s6, $0x3  }
0xa: {  	s7 =	simm.s32 $0x3;
	s5 =	smax.u32 s8, $0x1;
	s6 =	sadd.s32 s6, s4  }
0xb: {  	s8 =	simm.s32 $0x80;
	s4 =	sadd.s32 $0x59CE00, s6;
	s6 =	sadd.s32 $0x5A1A00, s31  }
.LBB2_1:
0xc: {  	[tilespmem:s2], [sflag:$0x3] =	stream.linear.gather [hbm4b:s4+s2], $0x1100, $0x38;
	[tilespmem:$0x9100] =	vst v63  }
0xd: {  	_ =	swait.ge [sflag:s7], $0x1100  }
0xe: {  	[sflag:s7] =	ssyncset.done $0x0  }
0xf: {  	s14 =	simm.s32 $0x0;
	[sflag:s7] =	ssyncadd.s32 $0xFFFFEF00  }
0x10: {  	[tilespmem:s9], [sflag:$0x1] =	stream.indirect.gather [hbm4b:s3+s8], $0x80, s14, s8, $0xb8;
	[tilespmem:$0x9100] =	vst v63  }
0x11: {  	s30 =	simm.s32 $0x80  }
0x12: {  	[tilespmem:s10], [sflag:$0x2] =	stream.indirect.gather [hbm4b:s3+s8], $0x80, s30, s8, $0xb8;
	[tilespmem:$0x9100] =	vst v63  }
0x13: {  	_ =	swait.ge [sflag:s11], $0x4000  }
0x14: {  	[sflag:s11] =	ssyncset.done $0x0  }
0x15: {  	s31 =	sadd.s32 $0xFFFFF800, s6;
	[sflag:s11] =	ssyncadd.s32 $0xFFFFC000  }
0x16: {  	[hbm4b:s31+s2] =	stream.linear.scatter [tilespmem:s9], [sflag:$0x3], $0x4000, $0x38;
	[tilespmem:$0x9100] =	vst v63  }
0x17: {  	_ =	swait.ge [sflag:s7], $0x4000  }
0x18: {  	[sflag:s7] =	ssyncset.done $0x0  }
0x19: {  	[sflag:s7] =	ssyncadd.s32 $0xFFFFC000  }
0x1a: {  	_ =	swait.ge [sflag:s12], $0x4000  }
0x1b: {  	[sflag:s12] =	ssyncset.done $0x0  }
0x1c: {  	[sflag:s12] =	ssyncadd.s32 $0xFFFFC000  }
0x1d: {  	[hbm4b:s6+s2] =	stream.linear.scatter [tilespmem:s10], [sflag:$0x3], $0x4000, $0x38;
	[tilespmem:$0x9100] =	vst v63  }
0x1e: {  	s15 =	simm.s32 $0x400;
	_ =	swait.ge [sflag:s7], $0x4000  }
0x1f: {  	s16 =	simm.s32 $0x800;
	s14 =	sadd.s32 $0x1000, s6;
	[sflag:s7] =	ssyncset.done $0x0  }
.LBB2_2:
0x20: {  	s17 =	sshra.s32 s15, $0x2  }
0x21: {  	[sflag:s7] =	ssyncadd.s32 $0xFFFFC000;
	s15 =	smov.u32 s16;
	s18 =	sadd.s32 $0x400, s16  }
0x22: {  	[tilespmem:s9], [sflag:$0x1] =	stream.indirect.gather [hbm4b:s3+s8], $0x80, s17, s8, $0xb8;
	[tilespmem:$0x9100] =	vst v63  }
0x23: {  	p0 =	sne.s32 s16, $0x4000;
	s16 =	sadd.s32 $0x80, s17  }
0x24: {  	[tilespmem:s10], [sflag:$0x2] =	stream.indirect.gather [hbm4b:s3+s8], $0x80, s16, s8, $0xb8;
	[tilespmem:$0x9100] =	vst v63  }
0x25: {  	_ =	swait.ge [sflag:s11], $0x4000  }
0x26: {  	[sflag:s11] =	ssyncset.done $0x0  }
0x27: {  	s16 =	sadd.s32 $0xFFFFF800, s14;
	[sflag:s11] =	ssyncadd.s32 $0xFFFFC000  }
0x28: {  	[hbm4b:s16+s2] =	stream.linear.scatter [tilespmem:s9], [sflag:$0x3], $0x4000, $0x38;
	[tilespmem:$0x9100] =	vst v63  }
0x29: {  	_ =	swait.ge [sflag:s7], $0x4000  }
0x2a: {  	[sflag:s7] =	ssyncset.done $0x0  }
0x2b: {  	[sflag:s7] =	ssyncadd.s32 $0xFFFFC000  }
0x2c: {  	_ =	swait.ge [sflag:s12], $0x4000  }
.Ltmp0:
0x2d: {  	[sflag:s12] =	ssyncset.done $0x0;
	(pc) =	sbr.rel @p0 .LBB2_2-.Ltmp0, $4  }
0x2e: {  	[sflag:s12] =	ssyncadd.s32 $0xFFFFC000  }
0x2f: {  	[hbm4b:s14+s2] =	stream.linear.scatter [tilespmem:s10], [sflag:$0x3], $0x4000, $0x38;
	[tilespmem:$0x9100] =	vst v63  }
0x30: {  	_ =	swait.ge [sflag:s7], $0x4000  }
0x31: {  	s16 =	smov.u32 s18;
	s14 =	sadd.s32 $0x1000, s14;
	[sflag:s7] =	ssyncset.done $0x0  }
0x32: {  	s15 =	sshra.s32 s15, $0x2;
	[sflag:s7] =	ssyncadd.s32 $0xFFFFC000  }
0x33: {  	[tilespmem:s9], [sflag:$0x1] =	stream.indirect.gather [hbm4b:s3+s8], $0x80, s15, s8, $0xb8;
	[tilespmem:$0x9100] =	vst v63  }
0x34: {  	s15 =	sadd.s32 $0x80, s15  }
0x35: {  	[tilespmem:s10], [sflag:$0x2] =	stream.indirect.gather [hbm4b:s3+s8], $0x80, s15, s8, $0xb8;
	[tilespmem:$0x9100] =	vst v63  }
0x36: {  	_ =	swait.ge [sflag:s11], $0x4000  }
0x37: {  	[sflag:s11] =	ssyncset.done $0x0  }
0x38: {  	s31 =	sadd.s32 $0xFFFFF800, s14;
	[sflag:s11] =	ssyncadd.s32 $0xFFFFC000  }
0x39: {  	[hbm4b:s31+s2] =	stream.linear.scatter [tilespmem:s9], [sflag:$0x3], $0x4000, $0x38;
	[tilespmem:$0x9100] =	vst v63  }
0x3a: {  	_ =	swait.ge [sflag:s7], $0x4000  }
0x3b: {  	[sflag:s7] =	ssyncset.done $0x0  }
0x3c: {  	[sflag:s7] =	ssyncadd.s32 $0xFFFFC000  }
0x3d: {  	s13 =	sadd.s32 $0x1, s13;
	_ =	swait.ge [sflag:s12], $0x4000  }
0x3e: {  	p0 =	sne.s32 s13, s5;
	[sflag:s12] =	ssyncset.done $0x0  }
.Ltmp1:
0x3f: {  	[sflag:s12] =	ssyncadd.s32 $0xFFFFC000;
	(pc) =	sbr.rel @p0 .LBB2_1-.Ltmp1, $4  }
0x40: {  	[hbm4b:s14+s2] =	stream.linear.scatter [tilespmem:s10], [sflag:$0x3], $0x4000, $0x38;
	[tilespmem:$0x9100] =	vst v63  }
0x41: {  	_ =	swait.ge [sflag:s7], $0x4000  }
0x42: {  	[sflag:s7] =	ssyncset.done $0x0  }
0x43: {  	[sflag:s7] =	ssyncadd.s32 $0xFFFFC000  }
0x44: {  	_ =	sfence.sel $0x180000  }
0x45: {  	[bflag:$0x0] =	sbarrier.arrive $0xFFFF  }
0x46: {  	p0 =	sne.s32 s0, $0x0;
	_ =	strace $0x9000004D  }
0x47: {  	s0 =	sadd.s32 @!p0 $0x100000, s1;
	[bflag:$0x2] =	sbarrier.arrive $0xFFFF  }
0x48: {  	[sflag:s0] =	ssyncadd.tile.s32 @!p0 $0x1;
	_ =	shalt  }
.Lfunc_end2:
_tile_overlayer_lowered:
.L_overlay_start_2:
0x49: {  	(tag) =	ssettag $0x2  }
0x4a: {  	s0 =	rddreg [dreg:$0x0];
	s2 =	stileid.u32  }
0x4b: {  	s1 =	rddreg [dreg:$0x1];
	p0 =	sne.s32 s2, $0x0  }
0x4c: {  	s3 =	rddreg [dreg:$0x2];
	[bflag:$0x3] =	sbarrier.arrive $0xFFFF;
	s2 =	simm.s32 @!p0 $0x1C03  }
0x4d: {  	[timem:s3], [sflag:s2] =	dma.local @!p0 [hbm:s0], s1  }
0x4e: {  	s0 =	simm.s32 @!p0 $0x3  }
0x4f: {  	_ =	swait.ge @!p0 [sflag:s0], s1  }
0x50: {  	s1 =	ssub.s32 @!p0 $0x0, s1;
	[sflag:s0] =	ssyncset.done @!p0 $0x0  }
0x51: {  	[sflag:s0] =	ssyncadd.s32 @!p0 s1  }
0x52: {  	[bflag:$0x3] =	sbarrier.arrive $0xFFFF  }
0x53: {  	_ =	shalt  }

</sc_bundles>
